<compile_context>
chip_gen: v7x
topology: tpu7x:2x2x1
jax: 0.10.2.dev20260603
libtpu: 0.0.44.dev20260713+nightly
codegen_flags: <defaults>
</compile_context>

<pallas_src>
import jax
import jax.numpy as jnp
from jax import lax
from jax.experimental import pallas as pl
from jax.experimental.pallas import tpu as pltpu
from jax.experimental.pallas import tpu_sc as plsc

N_NODES = 10000
N_EDGES = 320000
D = 128
NC = 2
NS = 16
NP = 10240
RPT = NP // NS
NB_A = 157
EA = NS * NB_A * 128
BB = 80
NBUF = 3
CHI = 42
NWIN = 3
NB_B = NWIN * CHI
EB = NC * NS * NB_B * BB
XCH = 64


def _deg_norm_h_body(idx_hbm, x_hbm, h_hbm, norms_hbm,
                     idx_v, ones_v, norm_v, xrow_v, hist_sp, semh):
    c = lax.axis_index("c")
    s = lax.axis_index("s")
    base = s * RPT

    for i in range(RPT // 16):
        norm_v[pl.ds(i * 16, 16)] = jnp.zeros((16,), jnp.float32)
    pltpu.sync_copy(norm_v, hist_sp.at[pl.ds(base, RPT)])
    for i in range(128 // 16):
        ones_v[pl.ds(i * 16, 16)] = jnp.ones((16,), jnp.float32)
    plsc.subcore_barrier()

    pltpu.sync_copy(idx_hbm.at[c, s], idx_v)

    @pl.loop(0, NB_A)
    def _acc(b):
        pltpu.async_copy(ones_v, hist_sp.at[idx_v.at[b]], semh, add=True)

        @pl.when(b >= 16)
        def _w():
            pltpu.make_async_copy(ones_v, hist_sp.at[idx_v.at[0]],
                                  semh).wait()

    @pl.loop(0, 16)
    def _accdrain(b):
        pltpu.make_async_copy(ones_v, hist_sp.at[idx_v.at[0]],
                              semh).wait()

    plsc.subcore_barrier()

    pltpu.sync_copy(hist_sp.at[pl.ds(base, RPT)], norm_v)

    @pl.loop(0, RPT // 16)
    def _norm(i):
        d = jnp.maximum(norm_v[pl.ds(i * 16, 16)], 1.0)
        bits = lax.bitcast_convert_type(d, jnp.int32)
        y = lax.bitcast_convert_type(
            jnp.int32(0x5F3759DF) - lax.shift_right_logical(bits, 1),
            jnp.float32)
        for _ in range(3):
            y = y * (1.5 - 0.5 * d * y * y)
        norm_v[pl.ds(i * 16, 16)] = y

    pltpu.sync_copy(norm_v, norms_hbm.at[c, pl.ds(base, RPT)])

    @pl.when(c == 0)
    def _scale():
        @pl.loop(0, RPT // XCH)
        def _chunk(k):
            rb = base + k * XCH
            pltpu.sync_copy(x_hbm.at[pl.ds(rb, XCH)], xrow_v)

            @pl.loop(0, XCH // 16)
            def _grp(g):
                nv = norm_v[pl.ds(k * XCH + g * 16, 16)]
                for j in range(16):
                    nb = jnp.broadcast_to(nv[j], (16,))
                    r = g * 16 + j
                    for kk in range(D // 16):
                        v = xrow_v[r, pl.ds(kk * 16, 16)]
                        xrow_v[r, pl.ds(kk * 16, 16)] = v * nb

            pltpu.sync_copy(xrow_v, h_hbm.at[pl.ds(rb, XCH)])


def _edge_pass_body(h_hbm, src_hbm, dst_hbm, z_hbm, agg_out,
                    src_v, dst_v, r0, r1, r2, agg_sp, g0, g1, g2, s0, s1, s2):
    c = lax.axis_index("c")
    s = lax.axis_index("s")
    base = s * RPT
    NITER = CHI // NBUF

    def gath(b, r, sem):
        pltpu.async_copy(h_hbm.at[src_v.at[b]], r, sem)

    def wait_gath(r, sem):
        pltpu.make_async_copy(h_hbm.at[src_v.at[0]], r, sem).wait()

    def scat(b, r, sem):
        pltpu.async_copy(r, agg_sp.at[dst_v.at[b]], sem, add=True)

    def wait_scat(r, sem):
        pltpu.make_async_copy(r, agg_sp.at[dst_v.at[0]], sem).wait()

    pltpu.sync_copy(z_hbm, agg_sp.at[pl.ds(base, RPT)])
    plsc.subcore_barrier()

    @pl.loop(0, NWIN)
    def _window(t):
        pltpu.sync_copy(src_hbm.at[c, s, t], src_v)
        pltpu.sync_copy(dst_hbm.at[c, s, t], dst_v)

        @pl.when(t > 0)
        def _drain_prev():
            wait_scat(r2, s2)

        gath(0, r0, g0)
        gath(1, r1, g1)

        @pl.loop(0, NITER)
        def _pipe(i):
            b = i * NBUF
            wait_gath(r0, g0)
            scat(b, r0, s0)

            @pl.when(i > 0)
            def _ws2():
                wait_scat(r2, s2)

            gath(b + 2, r2, g2)

            wait_gath(r1, g1)
            scat(b + 1, r1, s1)
            wait_scat(r0, s0)

            @pl.when(i < NITER - 1)
            def _g0():
                gath(b + 3, r0, g0)

            wait_gath(r2, g2)
            scat(b + 2, r2, s2)
            wait_scat(r1, s1)

            @pl.when(i < NITER - 1)
            def _g1():
                gath(b + 4, r1, g1)

    wait_scat(r2, s2)
    plsc.subcore_barrier()
    pltpu.sync_copy(agg_sp.at[pl.ds(base, RPT)],
                    agg_out.at[c, pl.ds(base, RPT)])


def _final_body(a_ref, n_ref, w_ref, b_ref, o_ref):
    acc = (a_ref[0] + a_ref[1]) * n_ref[...]
    o_ref[...] = (jnp.dot(acc, w_ref[...], preferred_element_type=jnp.float32)
                  + b_ref[...])


def kernel(edge_index, x, W, b):
    src = edge_index[0].astype(jnp.int32)
    dst = edge_index[1].astype(jnp.int32)

    pad_a = EA - N_EDGES
    fill_a = 10016 + jnp.arange(pad_a, dtype=jnp.int32) % (NP - 10016)
    idx_a = jnp.stack([
        jnp.concatenate([src, fill_a]).reshape(NS, NB_A, 128),
        jnp.concatenate([dst, fill_a]).reshape(NS, NB_A, 128),
    ])
    x_pad = jnp.pad(x, ((0, NP - N_NODES), (0, 0)))

    mesh = plsc.VectorSubcoreMesh(core_axis_name="c", subcore_axis_name="s",
                                  num_cores=NC, num_subcores=NS)
    h, norms = pl.kernel(
        _deg_norm_h_body,
        out_type=[jax.ShapeDtypeStruct((NP, D), jnp.float32),
                  jax.ShapeDtypeStruct((NC, NP), jnp.float32)],
        mesh=mesh,
        scratch_types=[
            pltpu.VMEM((NB_A, 128), jnp.int32),
            pltpu.VMEM((128,), jnp.float32),
            pltpu.VMEM((RPT,), jnp.float32),
            pltpu.VMEM((XCH, D), jnp.float32),
            pltpu.VMEM_SHARED((NP,), jnp.float32),
            pltpu.SemaphoreType.DMA,
        ],
    )(idx_a, x_pad)

    pad_b = EB - N_EDGES
    src_fill = N_NODES + jnp.arange(pad_b, dtype=jnp.int32) % (NP - N_NODES)
    dst_fill = jnp.arange(pad_b, dtype=jnp.int32) % NP
    src_b = jnp.concatenate([src, src_fill]).reshape(NC, NS, NWIN, CHI, BB)
    dst_b = jnp.concatenate([dst, dst_fill]).reshape(NC, NS, NWIN, CHI, BB)
    zeros = jnp.zeros((RPT, D), jnp.float32)

    mesh_b = plsc.VectorSubcoreMesh(core_axis_name="c", subcore_axis_name="s",
                                    num_cores=NC, num_subcores=NS)
    aggs = pl.kernel(
        _edge_pass_body,
        out_type=jax.ShapeDtypeStruct((NC, NP, D), jnp.float32),
        mesh=mesh_b,
        scratch_types=[
            pltpu.VMEM((CHI, BB), jnp.int32),
            pltpu.VMEM((CHI, BB), jnp.int32),
            pltpu.VMEM((BB, D), jnp.float32),
            pltpu.VMEM((BB, D), jnp.float32),
            pltpu.VMEM((BB, D), jnp.float32),
            pltpu.VMEM_SHARED((NP, D), jnp.float32),
            pltpu.SemaphoreType.DMA,
            pltpu.SemaphoreType.DMA,
            pltpu.SemaphoreType.DMA,
            pltpu.SemaphoreType.DMA,
            pltpu.SemaphoreType.DMA,
            pltpu.SemaphoreType.DMA,
        ],
    )(h, src_b, dst_b, zeros)

    norm_dst = norms[1].reshape(NP, 1)
    return pl.pallas_call(
        _final_body,
        grid=(N_NODES // 400,),
        in_specs=[pl.BlockSpec((NC, 400, D), lambda i: (0, i, 0)),
                  pl.BlockSpec((400, 1), lambda i: (i, 0)),
                  pl.BlockSpec((D, D), lambda i: (0, 0)),
                  pl.BlockSpec((1, D), lambda i: (0, 0))],
        out_specs=pl.BlockSpec((400, D), lambda i: (i, 0)),
        out_shape=jax.ShapeDtypeStruct((N_NODES, D), jnp.float32),
    )(aggs, norm_dst, W, b.reshape(1, D))

# --- scband reference (transcript-rebuilt; emitter-appended) ---
"""Pipeline reference for scband-graph-conv-layer-4526895530307 (READ-ONLY COPY).

The authoritative reference and input builder live on the scoring server;
editing this copy changes nothing except your own understanding.
"""

import jax, jax.numpy as jnp
import numpy as np

N_NODES = 10000
N_EDGES = 320000
D_IN = 128
D_OUT = 128


def setup_inputs(seed: int = 0) -> dict:
    key = jax.random.key(seed)
    k_ei, k_x, k_w, k_b = (jax.random.fold_in(key, i) for i in range(4))
    edge_index = jax.random.randint(k_ei, (2, N_EDGES), 0, N_NODES, dtype=jnp.int64)
    x = jax.random.normal(k_x, (N_NODES, D_IN), dtype=jnp.float32)
    # GraphConv linear weight (glorot) and bias, as in DGL GraphConv defaults
    scale = float(np.sqrt(6.0 / (D_IN + D_OUT)))
    W = jax.random.uniform(k_w, (D_IN, D_OUT), dtype=jnp.float32, minval=-scale, maxval=scale)
    b = jnp.zeros((D_OUT,), dtype=jnp.float32)
    return {"edge_index": edge_index, "x": x, "W": W, "b": b}


def reference(edge_index, x, W, b):
    # Faithful JAX translation of DGL GraphConv(norm='both', weight=True, bias=True)
    # h = D_dst^{-1/2} A D_src^{-1/2} x W + b
    src = edge_index[0]
    dst = edge_index[1]
    n = x.shape[0]
    # source normalization: out-degree^{-1/2}, clamped to min 1
    deg_out = jnp.zeros((n,), dtype=jnp.float32).at[src].add(1.0)
    norm_src = jnp.power(jnp.clip(deg_out, 1.0, None), -0.5)
    h = x * norm_src[:, None]
    # message passing: gather from src, scatter-add to dst
    msgs = jnp.take(h, src, axis=0)
    agg = jnp.zeros((n, x.shape[1]), dtype=x.dtype).at[dst].add(msgs)
    # destination normalization: in-degree^{-1/2}, clamped to min 1
    deg_in = jnp.zeros((n,), dtype=jnp.float32).at[dst].add(1.0)
    norm_dst = jnp.power(jnp.clip(deg_in, 1.0, None), -0.5)
    agg = agg * norm_dst[:, None]
    # in_feats (128) is not > out_feats (128), so DGL aggregates first, then applies W
    out = agg @ W + b
    return out

if __name__ == "__main__":
    import jax
    _d = setup_inputs()
    print(jax.jit(kernel)(*tuple(_d.values())))

</pallas_src>

<mosaic_0001>
#map = affine_map<(d0, d1) -> (0, 0)>
#map1 = affine_map<(d0, d1) -> (0, 0, 0, 0, 0)>
#map2 = affine_map<(d0, d1) -> (0, 0, 0)>
module attributes {stable_mosaic.version = 14 : i64} {
  func.func @_edge_pass_body(%arg0: i32, %arg1: i32, %arg2: memref<10240x128xf32, #tpu.memory_space<hbm>>, %arg3: memref<2x16x3x42x80xi32, #tpu.memory_space<hbm>>, %arg4: memref<2x16x3x42x80xi32, #tpu.memory_space<hbm>>, %arg5: memref<640x128xf32, #tpu.memory_space<hbm>>, %arg6: memref<2x10240x128xf32, #tpu.memory_space<hbm>>, %arg7: memref<42x80xi32, #tpu.memory_space<vmem>>, %arg8: memref<42x80xi32, #tpu.memory_space<vmem>>, %arg9: memref<80x128xf32, #tpu.memory_space<vmem>>, %arg10: memref<80x128xf32, #tpu.memory_space<vmem>>, %arg11: memref<80x128xf32, #tpu.memory_space<vmem>>, %arg12: memref<10240x128xf32, #tpu.memory_space<vmem_shared>>, %arg13: memref<!tpu.dma_semaphore, #tpu.memory_space<semaphore_mem>>, %arg14: memref<!tpu.dma_semaphore, #tpu.memory_space<semaphore_mem>>, %arg15: memref<!tpu.dma_semaphore, #tpu.memory_space<semaphore_mem>>, %arg16: memref<!tpu.dma_semaphore, #tpu.memory_space<semaphore_mem>>, %arg17: memref<!tpu.dma_semaphore, #tpu.memory_space<semaphore_mem>>, %arg18: memref<!tpu.dma_semaphore, #tpu.memory_space<semaphore_mem>>) attributes {dimension_semantics = [#tpu.dimension_semantics<core_parallel>, #tpu.dimension_semantics<subcore_parallel>], iteration_bounds = array<i64: 2, 16>, scalar_prefetch = 0 : i64, scratch_operands = 12 : i64, tpu.core_type = #tpu.core_type<sc_vector_subcore>, window_params = [{transform_indices = #map}, {transform_indices = #map1}, {transform_indices = #map1}, {transform_indices = #map}, {transform_indices = #map2}]} {
    %mul3A = arith.constant 640 : i32
    %mul3A_0 = arith.muli %arg1, %mul3A : i32
    "tpu.region"() ({
      %run_scoped3A = tpu.sem_alloc : memref<!tpu.dma_semaphore, #tpu.memory_space<semaphore_mem>>
      %dma_start3A = arith.constant 0 : i32
      %dma_start3A_12 = tpu.memref_slice %arg12[%mul3A_0, %dma_start3A] : memref<10240x128xf32, #tpu.memory_space<vmem_shared>> -> memref<640x128xf32, #tpu.memory_space<vmem_shared>>
      tpu.enqueue_dma source(%arg5 : memref<640x128xf32, #tpu.memory_space<hbm>>) target(%dma_start3A_12 : memref<640x128xf32, #tpu.memory_space<vmem_shared>>) target_semaphore(%run_scoped3A : memref<!tpu.dma_semaphore, #tpu.memory_space<semaphore_mem>>)
      %dma_wait3A_13 = arith.constant 0 : i32
      %dma_wait3A_14 = tpu.memref_slice %arg12[%mul3A_0, %dma_wait3A_13] : memref<10240x128xf32, #tpu.memory_space<vmem_shared>> -> memref<640x128xf32, #tpu.memory_space<vmem_shared>>
      tpu.wait_dma2 semaphore(%run_scoped3A : memref<!tpu.dma_semaphore, #tpu.memory_space<semaphore_mem>>) src(%arg5 : memref<640x128xf32, #tpu.memory_space<hbm>>) dst(%dma_wait3A_14 : memref<640x128xf32, #tpu.memory_space<vmem_shared>>)
      tpu.yield
    }) : () -> ()
    %barrier3A = arith.constant 0 : index
    tpu.barrier barrier_id(%barrier3A)
    %scan3A = arith.constant 0 : i32
    %scan3A_1 = arith.constant 3 : i32
    %scan3A_2 = arith.addi %scan3A, %scan3A_1 : i32
    %scan3A_3 = arith.constant 1 : i32
    scf.for %scan3A_12 = %scan3A to %scan3A_2 step %scan3A_3  : i32 {
      %mul3A_13 = arith.constant 1 : i32
      %mul3A_14 = arith.muli %scan3A_12, %mul3A_13 : i32
      %add3A = arith.constant 0 : i32
      %add3A_15 = arith.addi %add3A, %mul3A_14 : i32
      "tpu.region"() ({
        %run_scoped3A = tpu.sem_alloc : memref<!tpu.dma_semaphore, #tpu.memory_space<semaphore_mem>>
        %dma_start3A_36 = arith.constant 0 : i32
        %dma_start3A_37 = arith.constant 0 : i32
        %dma_start3A_38 = tpu.memref_slice %arg3[%arg0, %arg1, %add3A_15, %dma_start3A_36, %dma_start3A_37] : memref<2x16x3x42x80xi32, #tpu.memory_space<hbm>> -> memref<1x1x1x42x80xi32, #tpu.memory_space<hbm>>
        %dma_start3A_39 = tpu.memref_squeeze %dma_start3A_38 : memref<1x1x1x42x80xi32, #tpu.memory_space<hbm>> -> memref<42x80xi32, #tpu.memory_space<hbm>>
        %dma_start3A_40 = arith.constant 0 : i32
        %dma_start3A_41 = arith.constant 0 : i32
        %dma_start3A_42 = tpu.memref_slice %arg3[%arg0, %arg1, %add3A_15, %dma_start3A_40, %dma_start3A_41] : memref<2x16x3x42x80xi32, #tpu.memory_space<hbm>> -> memref<1x1x1x42x80xi32, #tpu.memory_space<hbm>>
        %dma_start3A_43 = tpu.memref_squeeze %dma_start3A_42 : memref<1x1x1x42x80xi32, #tpu.memory_space<hbm>> -> memref<42x80xi32, #tpu.memory_space<hbm>>
        tpu.enqueue_dma source(%dma_start3A_43 : memref<42x80xi32, #tpu.memory_space<hbm>>) target(%arg7 : memref<42x80xi32, #tpu.memory_space<vmem>>) target_semaphore(%run_scoped3A : memref<!tpu.dma_semaphore, #tpu.memory_space<semaphore_mem>>)
        %dma_wait3A_44 = arith.constant 0 : i32
        %dma_wait3A_45 = arith.constant 0 : i32
        %dma_wait3A_46 = tpu.memref_slice %arg3[%arg0, %arg1, %add3A_15, %dma_wait3A_44, %dma_wait3A_45] : memref<2x16x3x42x80xi32, #tpu.memory_space<hbm>> -> memref<1x1x1x42x80xi32, #tpu.memory_space<hbm>>
        %dma_wait3A_47 = tpu.memref_squeeze %dma_wait3A_46 : memref<1x1x1x42x80xi32, #tpu.memory_space<hbm>> -> memref<42x80xi32, #tpu.memory_space<hbm>>
        %dma_wait3A_48 = arith.constant 0 : i32
        %dma_wait3A_49 = arith.constant 0 : i32
        %dma_wait3A_50 = tpu.memref_slice %arg3[%arg0, %arg1, %add3A_15, %dma_wait3A_48, %dma_wait3A_49] : memref<2x16x3x42x80xi32, #tpu.memory_space<hbm>> -> memref<1x1x1x42x80xi32, #tpu.memory_space<hbm>>
        %dma_wait3A_51 = tpu.memref_squeeze %dma_wait3A_50 : memref<1x1x1x42x80xi32, #tpu.memory_space<hbm>> -> memref<42x80xi32, #tpu.memory_space<hbm>>
        tpu.wait_dma2 semaphore(%run_scoped3A : memref<!tpu.dma_semaphore, #tpu.memory_space<semaphore_mem>>) src(%dma_wait3A_51 : memref<42x80xi32, #tpu.memory_space<hbm>>) dst(%arg7 : memref<42x80xi32, #tpu.memory_space<vmem>>)
        tpu.yield
      }) : () -> ()
      "tpu.region"() ({
        %run_scoped3A = tpu.sem_alloc : memref<!tpu.dma_semaphore, #tpu.memory_space<semaphore_mem>>
        %dma_start3A_36 = arith.constant 0 : i32
        %dma_start3A_37 = arith.constant 0 : i32
        %dma_start3A_38 = tpu.memref_slice %arg4[%arg0, %arg1, %add3A_15, %dma_start3A_36, %dma_start3A_37] : memref<2x16x3x42x80xi32, #tpu.memory_space<hbm>> -> memref<1x1x1x42x80xi32, #tpu.memory_space<hbm>>
        %dma_start3A_39 = tpu.memref_squeeze %dma_start3A_38 : memref<1x1x1x42x80xi32, #tpu.memory_space<hbm>> -> memref<42x80xi32, #tpu.memory_space<hbm>>
        %dma_start3A_40 = arith.constant 0 : i32
        %dma_start3A_41 = arith.constant 0 : i32
        %dma_start3A_42 = tpu.memref_slice %arg4[%arg0, %arg1, %add3A_15, %dma_start3A_40, %dma_start3A_41] : memref<2x16x3x42x80xi32, #tpu.memory_space<hbm>> -> memref<1x1x1x42x80xi32, #tpu.memory_space<hbm>>
        %dma_start3A_43 = tpu.memref_squeeze %dma_start3A_42 : memref<1x1x1x42x80xi32, #tpu.memory_space<hbm>> -> memref<42x80xi32, #tpu.memory_space<hbm>>
        tpu.enqueue_dma source(%dma_start3A_43 : memref<42x80xi32, #tpu.memory_space<hbm>>) target(%arg8 : memref<42x80xi32, #tpu.memory_space<vmem>>) target_semaphore(%run_scoped3A : memref<!tpu.dma_semaphore, #tpu.memory_space<semaphore_mem>>)
        %dma_wait3A_44 = arith.constant 0 : i32
        %dma_wait3A_45 = arith.constant 0 : i32
        %dma_wait3A_46 = tpu.memref_slice %arg4[%arg0, %arg1, %add3A_15, %dma_wait3A_44, %dma_wait3A_45] : memref<2x16x3x42x80xi32, #tpu.memory_space<hbm>> -> memref<1x1x1x42x80xi32, #tpu.memory_space<hbm>>
        %dma_wait3A_47 = tpu.memref_squeeze %dma_wait3A_46 : memref<1x1x1x42x80xi32, #tpu.memory_space<hbm>> -> memref<42x80xi32, #tpu.memory_space<hbm>>
        %dma_wait3A_48 = arith.constant 0 : i32
        %dma_wait3A_49 = arith.constant 0 : i32
        %dma_wait3A_50 = tpu.memref_slice %arg4[%arg0, %arg1, %add3A_15, %dma_wait3A_48, %dma_wait3A_49] : memref<2x16x3x42x80xi32, #tpu.memory_space<hbm>> -> memref<1x1x1x42x80xi32, #tpu.memory_space<hbm>>
        %dma_wait3A_51 = tpu.memref_squeeze %dma_wait3A_50 : memref<1x1x1x42x80xi32, #tpu.memory_space<hbm>> -> memref<42x80xi32, #tpu.memory_space<hbm>>
        tpu.wait_dma2 semaphore(%run_scoped3A : memref<!tpu.dma_semaphore, #tpu.memory_space<semaphore_mem>>) src(%dma_wait3A_51 : memref<42x80xi32, #tpu.memory_space<hbm>>) dst(%arg8 : memref<42x80xi32, #tpu.memory_space<vmem>>)
        tpu.yield
      }) : () -> ()
      %gt3A = arith.constant 0 : i32
      %gt3A_16 = arith.cmpi sgt, %add3A_15, %gt3A : i32
      %convert_element_type3A = arith.extui %gt3A_16 : i1 to i32
      %cond3A = arith.constant 0 : i32
      %cond3A_17 = arith.cmpi ne, %convert_element_type3A, %cond3A : i32
      scf.if %cond3A_17 {
        %dma_wait3A_36 = arith.constant 0 : i32
        %dma_wait3A_37 = arith.constant 0 : i32
        %dma_wait3A_38 = tpu.memref_slice %arg8[%dma_wait3A_36, %dma_wait3A_37] : memref<42x80xi32, #tpu.memory_space<vmem>> -> memref<1x80xi32, #tpu.memory_space<vmem>>
        %dma_wait3A_39 = tpu.memref_squeeze %dma_wait3A_38 : memref<1x80xi32, #tpu.memory_space<vmem>> -> memref<80xi32, #tpu.memory_space<vmem>>
        %dma_wait3A_40 = arith.constant 0 : i32
        %dma_wait3A_41 = arith.constant 0 : i32
        %dma_wait3A_42 = tpu.memref_slice %arg12[%dma_wait3A_40, %dma_wait3A_41] : memref<10240x128xf32, #tpu.memory_space<vmem_shared>> -> memref<10240x128xf32, #tpu.memory_space<vmem_shared>>
        tpu.wait_indirect_dma semaphore(%arg18 : memref<!tpu.dma_semaphore, #tpu.memory_space<semaphore_mem>>) src(%arg11 : memref<80x128xf32, #tpu.memory_space<vmem>>) dst(%dma_wait3A_42 : memref<10240x128xf32, #tpu.memory_space<vmem_shared>>)
      } else {
      }
      %dma_start3A = arith.constant 0 : i32
      %dma_start3A_18 = arith.constant 0 : i32
      %dma_start3A_19 = tpu.memref_slice %arg7[%dma_start3A, %dma_start3A_18] : memref<42x80xi32, #tpu.memory_space<vmem>> -> memref<1x80xi32, #tpu.memory_space<vmem>>
      %dma_start3A_20 = tpu.memref_squeeze %dma_start3A_19 : memref<1x80xi32, #tpu.memory_space<vmem>> -> memref<80xi32, #tpu.memory_space<vmem>>
      %dma_start3A_21 = arith.constant 0 : i32
      %dma_start3A_22 = arith.constant 0 : i32
      %dma_start3A_23 = tpu.memref_slice %arg2[%dma_start3A_21, %dma_start3A_22] : memref<10240x128xf32, #tpu.memory_space<hbm>> -> memref<10240x128xf32, #tpu.memory_space<hbm>>
      tpu.enqueue_indirect_dma source(%dma_start3A_23 : memref<10240x128xf32, #tpu.memory_space<hbm>>) target(%arg9 : memref<80x128xf32, #tpu.memory_space<vmem>>) offsets(%dma_start3A_20 : memref<80xi32, #tpu.memory_space<vmem>>) semaphore(%arg13 : memref<!tpu.dma_semaphore, #tpu.memory_space<semaphore_mem>>)
      %dma_start3A_24 = arith.constant 1 : i32
      %dma_start3A_25 = arith.constant 0 : i32
      %dma_start3A_26 = tpu.memref_slice %arg7[%dma_start3A_24, %dma_start3A_25] : memref<42x80xi32, #tpu.memory_space<vmem>> -> memref<1x80xi32, #tpu.memory_space<vmem>>
      %dma_start3A_27 = tpu.memref_squeeze %dma_start3A_26 : memref<1x80xi32, #tpu.memory_space<vmem>> -> memref<80xi32, #tpu.memory_space<vmem>>
      %dma_start3A_28 = arith.constant 0 : i32
      %dma_start3A_29 = arith.constant 0 : i32
      %dma_start3A_30 = tpu.memref_slice %arg2[%dma_start3A_28, %dma_start3A_29] : memref<10240x128xf32, #tpu.memory_space<hbm>> -> memref<10240x128xf32, #tpu.memory_space<hbm>>
      tpu.enqueue_indirect_dma source(%dma_start3A_30 : memref<10240x128xf32, #tpu.memory_space<hbm>>) target(%arg10 : memref<80x128xf32, #tpu.memory_space<vmem>>) offsets(%dma_start3A_27 : memref<80xi32, #tpu.memory_space<vmem>>) semaphore(%arg14 : memref<!tpu.dma_semaphore, #tpu.memory_space<semaphore_mem>>)
      %scan3A_31 = arith.constant 0 : i32
      %scan3A_32 = arith.constant 14 : i32
      %scan3A_33 = arith.addi %scan3A_31, %scan3A_32 : i32
      %scan3A_34 = arith.constant 1 : i32
      scf.for %scan3A_36 = %scan3A_31 to %scan3A_33 step %scan3A_34  : i32 {
        %mul3A_37 = arith.constant 1 : i32
        %mul3A_38 = arith.muli %scan3A_36, %mul3A_37 : i32
        %add3A_39 = arith.constant 0 : i32
        %add3A_40 = arith.addi %add3A_39, %mul3A_38 : i32
        %mul3A_41 = arith.constant 3 : i32
        %mul3A_42 = arith.muli %add3A_40, %mul3A_41 : i32
        %dma_wait3A_43 = arith.constant 0 : i32
        %dma_wait3A_44 = arith.constant 0 : i32
        %dma_wait3A_45 = tpu.memref_slice %arg7[%dma_wait3A_43, %dma_wait3A_44] : memref<42x80xi32, #tpu.memory_space<vmem>> -> memref<1x80xi32, #tpu.memory_space<vmem>>
        %dma_wait3A_46 = tpu.memref_squeeze %dma_wait3A_45 : memref<1x80xi32, #tpu.memory_space<vmem>> -> memref<80xi32, #tpu.memory_space<vmem>>
        %dma_wait3A_47 = arith.constant 0 : i32
        %dma_wait3A_48 = arith.constant 0 : i32
        %dma_wait3A_49 = tpu.memref_slice %arg2[%dma_wait3A_47, %dma_wait3A_48] : memref<10240x128xf32, #tpu.memory_space<hbm>> -> memref<10240x128xf32, #tpu.memory_space<hbm>>
        tpu.wait_indirect_dma semaphore(%arg13 : memref<!tpu.dma_semaphore, #tpu.memory_space<semaphore_mem>>) src(%dma_wait3A_49 : memref<10240x128xf32, #tpu.memory_space<hbm>>) dst(%arg9 : memref<80x128xf32, #tpu.memory_space<vmem>>)
        %dma_start3A_50 = arith.constant 0 : i32
        %dma_start3A_51 = tpu.memref_slice %arg8[%mul3A_42, %dma_start3A_50] : memref<42x80xi32, #tpu.memory_space<vmem>> -> memref<1x80xi32, #tpu.memory_space<vmem>>
        %dma_start3A_52 = tpu.memref_squeeze %dma_start3A_51 : memref<1x80xi32, #tpu.memory_space<vmem>> -> memref<80xi32, #tpu.memory_space<vmem>>
        %dma_start3A_53 = arith.constant 0 : i32
        %dma_start3A_54 = arith.constant 0 : i32
        %dma_start3A_55 = tpu.memref_slice %arg12[%dma_start3A_53, %dma_start3A_54] : memref<10240x128xf32, #tpu.memory_space<vmem_shared>> -> memref<10240x128xf32, #tpu.memory_space<vmem_shared>>
        tpu.enqueue_indirect_dma source(%arg9 : memref<80x128xf32, #tpu.memory_space<vmem>>) target(%dma_start3A_55 : memref<10240x128xf32, #tpu.memory_space<vmem_shared>>) offsets(%dma_start3A_52 : memref<80xi32, #tpu.memory_space<vmem>>) semaphore(%arg16 : memref<!tpu.dma_semaphore, #tpu.memory_space<semaphore_mem>>) {add = true}
        %gt3A_56 = arith.constant 0 : i32
        %gt3A_57 = arith.cmpi sgt, %add3A_40, %gt3A_56 : i32
        %convert_element_type3A_58 = arith.extui %gt3A_57 : i1 to i32
        %cond3A_59 = arith.constant 0 : i32
        %cond3A_60 = arith.cmpi ne, %convert_element_type3A_58, %cond3A_59 : i32
        scf.if %cond3A_60 {
          %dma_wait3A_122 = arith.constant 0 : i32
          %dma_wait3A_123 = arith.constant 0 : i32
          %dma_wait3A_124 = tpu.memref_slice %arg8[%dma_wait3A_122, %dma_wait3A_123] : memref<42x80xi32, #tpu.memory_space<vmem>> -> memref<1x80xi32, #tpu.memory_space<vmem>>
          %dma_wait3A_125 = tpu.memref_squeeze %dma_wait3A_124 : memref<1x80xi32, #tpu.memory_space<vmem>> -> memref<80xi32, #tpu.memory_space<vmem>>
          %dma_wait3A_126 = arith.constant 0 : i32
          %dma_wait3A_127 = arith.constant 0 : i32
          %dma_wait3A_128 = tpu.memref_slice %arg12[%dma_wait3A_126, %dma_wait3A_127] : memref<10240x128xf32, #tpu.memory_space<vmem_shared>> -> memref<10240x128xf32, #tpu.memory_space<vmem_shared>>
          tpu.wait_indirect_dma semaphore(%arg18 : memref<!tpu.dma_semaphore, #tpu.memory_space<semaphore_mem>>) src(%arg11 : memref<80x128xf32, #tpu.memory_space<vmem>>) dst(%dma_wait3A_128 : memref<10240x128xf32, #tpu.memory_space<vmem_shared>>)
        } else {
        }
        %add3A_61 = arith.constant 2 : i32
        %add3A_62 = arith.addi %mul3A_42, %add3A_61 : i32
        %dma_start3A_63 = arith.constant 0 : i32
        %dma_start3A_64 = tpu.memref_slice %arg7[%add3A_62, %dma_start3A_63] : memref<42x80xi32, #tpu.memory_space<vmem>> -> memref<1x80xi32, #tpu.memory_space<vmem>>
        %dma_start3A_65 = tpu.memref_squeeze %dma_start3A_64 : memref<1x80xi32, #tpu.memory_space<vmem>> -> memref<80xi32, #tpu.memory_space<vmem>>
        %dma_start3A_66 = arith.constant 0 : i32
        %dma_start3A_67 = arith.constant 0 : i32
        %dma_start3A_68 = tpu.memref_slice %arg2[%dma_start3A_66, %dma_start3A_67] : memref<10240x128xf32, #tpu.memory_space<hbm>> -> memref<10240x128xf32, #tpu.memory_space<hbm>>
        tpu.enqueue_indirect_dma source(%dma_start3A_68 : memref<10240x128xf32, #tpu.memory_space<hbm>>) target(%arg11 : memref<80x128xf32, #tpu.memory_space<vmem>>) offsets(%dma_start3A_65 : memref<80xi32, #tpu.memory_space<vmem>>) semaphore(%arg15 : memref<!tpu.dma_semaphore, #tpu.memory_space<semaphore_mem>>)
        %dma_wait3A_69 = arith.constant 0 : i32
        %dma_wait3A_70 = arith.constant 0 : i32
        %dma_wait3A_71 = tpu.memref_slice %arg7[%dma_wait3A_69, %dma_wait3A_70] : memref<42x80xi32, #tpu.memory_space<vmem>> -> memref<1x80xi32, #tpu.memory_space<vmem>>
        %dma_wait3A_72 = tpu.memref_squeeze %dma_wait3A_71 : memref<1x80xi32, #tpu.memory_space<vmem>> -> memref<80xi32, #tpu.memory_space<vmem>>
        %dma_wait3A_73 = arith.constant 0 : i32
        %dma_wait3A_74 = arith.constant 0 : i32
        %dma_wait3A_75 = tpu.memref_slice %arg2[%dma_wait3A_73, %dma_wait3A_74] : memref<10240x128xf32, #tpu.memory_space<hbm>> -> memref<10240x128xf32, #tpu.memory_space<hbm>>
        tpu.wait_indirect_dma semaphore(%arg14 : memref<!tpu.dma_semaphore, #tpu.memory_space<semaphore_mem>>) src(%dma_wait3A_75 : memref<10240x128xf32, #tpu.memory_space<hbm>>) dst(%arg10 : memref<80x128xf32, #tpu.memory_space<vmem>>)
        %add3A_76 = arith.constant 1 : i32
        %add3A_77 = arith.addi %mul3A_42, %add3A_76 : i32
        %dma_start3A_78 = arith.constant 0 : i32
        %dma_start3A_79 = tpu.memref_slice %arg8[%add3A_77, %dma_start3A_78] : memref<42x80xi32, #tpu.memory_space<vmem>> -> memref<1x80xi32, #tpu.memory_space<vmem>>
        %dma_start3A_80 = tpu.memref_squeeze %dma_start3A_79 : memref<1x80xi32, #tpu.memory_space<vmem>> -> memref<80xi32, #tpu.memory_space<vmem>>
        %dma_start3A_81 = arith.constant 0 : i32
        %dma_start3A_82 = arith.constant 0 : i32
        %dma_start3A_83 = tpu.memref_slice %arg12[%dma_start3A_81, %dma_start3A_82] : memref<10240x128xf32, #tpu.memory_space<vmem_shared>> -> memref<10240x128xf32, #tpu.memory_space<vmem_shared>>
        tpu.enqueue_indirect_dma source(%arg10 : memref<80x128xf32, #tpu.memory_space<vmem>>) target(%dma_start3A_83 : memref<10240x128xf32, #tpu.memory_space<vmem_shared>>) offsets(%dma_start3A_80 : memref<80xi32, #tpu.memory_space<vmem>>) semaphore(%arg17 : memref<!tpu.dma_semaphore, #tpu.memory_space<semaphore_mem>>) {add = true}
        %dma_wait3A_84 = arith.constant 0 : i32
        %dma_wait3A_85 = arith.constant 0 : i32
        %dma_wait3A_86 = tpu.memref_slice %arg8[%dma_wait3A_84, %dma_wait3A_85] : memref<42x80xi32, #tpu.memory_space<vmem>> -> memref<1x80xi32, #tpu.memory_space<vmem>>
        %dma_wait3A_87 = tpu.memref_squeeze %dma_wait3A_86 : memref<1x80xi32, #tpu.memory_space<vmem>> -> memref<80xi32, #tpu.memory_space<vmem>>
        %dma_wait3A_88 = arith.constant 0 : i32
        %dma_wait3A_89 = arith.constant 0 : i32
        %dma_wait3A_90 = tpu.memref_slice %arg12[%dma_wait3A_88, %dma_wait3A_89] : memref<10240x128xf32, #tpu.memory_space<vmem_shared>> -> memref<10240x128xf32, #tpu.memory_space<vmem_shared>>
        tpu.wait_indirect_dma semaphore(%arg16 : memref<!tpu.dma_semaphore, #tpu.memory_space<semaphore_mem>>) src(%arg9 : memref<80x128xf32, #tpu.memory_space<vmem>>) dst(%dma_wait3A_90 : memref<10240x128xf32, #tpu.memory_space<vmem_shared>>)
        %lt3A = arith.constant 13 : i32
        %lt3A_91 = arith.cmpi slt, %add3A_40, %lt3A : i32
        %convert_element_type3A_92 = arith.extui %lt3A_91 : i1 to i32
        %cond3A_93 = arith.constant 0 : i32
        %cond3A_94 = arith.cmpi ne, %convert_element_type3A_92, %cond3A_93 : i32
        scf.if %cond3A_94 {
          %add3A_122 = arith.constant 3 : i32
          %add3A_123 = arith.addi %mul3A_42, %add3A_122 : i32
          %dma_start3A_124 = arith.constant 0 : i32
          %dma_start3A_125 = tpu.memref_slice %arg7[%add3A_123, %dma_start3A_124] : memref<42x80xi32, #tpu.memory_space<vmem>> -> memref<1x80xi32, #tpu.memory_space<vmem>>
          %dma_start3A_126 = tpu.memref_squeeze %dma_start3A_125 : memref<1x80xi32, #tpu.memory_space<vmem>> -> memref<80xi32, #tpu.memory_space<vmem>>
          %dma_start3A_127 = arith.constant 0 : i32
          %dma_start3A_128 = arith.constant 0 : i32
          %dma_start3A_129 = tpu.memref_slice %arg2[%dma_start3A_127, %dma_start3A_128] : memref<10240x128xf32, #tpu.memory_space<hbm>> -> memref<10240x128xf32, #tpu.memory_space<hbm>>
          tpu.enqueue_indirect_dma source(%dma_start3A_129 : memref<10240x128xf32, #tpu.memory_space<hbm>>) target(%arg9 : memref<80x128xf32, #tpu.memory_space<vmem>>) offsets(%dma_start3A_126 : memref<80xi32, #tpu.memory_space<vmem>>) semaphore(%arg13 : memref<!tpu.dma_semaphore, #tpu.memory_space<semaphore_mem>>)
        } else {
        }
        %dma_wait3A_95 = arith.constant 0 : i32
        %dma_wait3A_96 = arith.constant 0 : i32
        %dma_wait3A_97 = tpu.memref_slice %arg7[%dma_wait3A_95, %dma_wait3A_96] : memref<42x80xi32, #tpu.memory_space<vmem>> -> memref<1x80xi32, #tpu.memory_space<vmem>>
        %dma_wait3A_98 = tpu.memref_squeeze %dma_wait3A_97 : memref<1x80xi32, #tpu.memory_space<vmem>> -> memref<80xi32, #tpu.memory_space<vmem>>
        %dma_wait3A_99 = arith.constant 0 : i32
        %dma_wait3A_100 = arith.constant 0 : i32
        %dma_wait3A_101 = tpu.memref_slice %arg2[%dma_wait3A_99, %dma_wait3A_100] : memref<10240x128xf32, #tpu.memory_space<hbm>> -> memref<10240x128xf32, #tpu.memory_space<hbm>>
        tpu.wait_indirect_dma semaphore(%arg15 : memref<!tpu.dma_semaphore, #tpu.memory_space<semaphore_mem>>) src(%dma_wait3A_101 : memref<10240x128xf32, #tpu.memory_space<hbm>>) dst(%arg11 : memref<80x128xf32, #tpu.memory_space<vmem>>)
        %add3A_102 = arith.constant 2 : i32
        %add3A_103 = arith.addi %mul3A_42, %add3A_102 : i32
        %dma_start3A_104 = arith.constant 0 : i32
        %dma_start3A_105 = tpu.memref_slice %arg8[%add3A_103, %dma_start3A_104] : memref<42x80xi32, #tpu.memory_space<vmem>> -> memref<1x80xi32, #tpu.memory_space<vmem>>
        %dma_start3A_106 = tpu.memref_squeeze %dma_start3A_105 : memref<1x80xi32, #tpu.memory_space<vmem>> -> memref<80xi32, #tpu.memory_space<vmem>>
        %dma_start3A_107 = arith.constant 0 : i32
        %dma_start3A_108 = arith.constant 0 : i32
        %dma_start3A_109 = tpu.memref_slice %arg12[%dma_start3A_107, %dma_start3A_108] : memref<10240x128xf32, #tpu.memory_space<vmem_shared>> -> memref<10240x128xf32, #tpu.memory_space<vmem_shared>>
        tpu.enqueue_indirect_dma source(%arg11 : memref<80x128xf32, #tpu.memory_space<vmem>>) target(%dma_start3A_109 : memref<10240x128xf32, #tpu.memory_space<vmem_shared>>) offsets(%dma_start3A_106 : memref<80xi32, #tpu.memory_space<vmem>>) semaphore(%arg18 : memref<!tpu.dma_semaphore, #tpu.memory_space<semaphore_mem>>) {add = true}
        %dma_wait3A_110 = arith.constant 0 : i32
        %dma_wait3A_111 = arith.constant 0 : i32
        %dma_wait3A_112 = tpu.memref_slice %arg8[%dma_wait3A_110, %dma_wait3A_111] : memref<42x80xi32, #tpu.memory_space<vmem>> -> memref<1x80xi32, #tpu.memory_space<vmem>>
        %dma_wait3A_113 = tpu.memref_squeeze %dma_wait3A_112 : memref<1x80xi32, #tpu.memory_space<vmem>> -> memref<80xi32, #tpu.memory_space<vmem>>
        %dma_wait3A_114 = arith.constant 0 : i32
        %dma_wait3A_115 = arith.constant 0 : i32
        %dma_wait3A_116 = tpu.memref_slice %arg12[%dma_wait3A_114, %dma_wait3A_115] : memref<10240x128xf32, #tpu.memory_space<vmem_shared>> -> memref<10240x128xf32, #tpu.memory_space<vmem_shared>>
        tpu.wait_indirect_dma semaphore(%arg17 : memref<!tpu.dma_semaphore, #tpu.memory_space<semaphore_mem>>) src(%arg10 : memref<80x128xf32, #tpu.memory_space<vmem>>) dst(%dma_wait3A_116 : memref<10240x128xf32, #tpu.memory_space<vmem_shared>>)
        %lt3A_117 = arith.constant 13 : i32
        %lt3A_118 = arith.cmpi slt, %add3A_40, %lt3A_117 : i32
        %convert_element_type3A_119 = arith.extui %lt3A_118 : i1 to i32
        %cond3A_120 = arith.constant 0 : i32
        %cond3A_121 = arith.cmpi ne, %convert_element_type3A_119, %cond3A_120 : i32
        scf.if %cond3A_121 {
          %add3A_122 = arith.constant 4 : i32
          %add3A_123 = arith.addi %mul3A_42, %add3A_122 : i32
          %dma_start3A_124 = arith.constant 0 : i32
          %dma_start3A_125 = tpu.memref_slice %arg7[%add3A_123, %dma_start3A_124] : memref<42x80xi32, #tpu.memory_space<vmem>> -> memref<1x80xi32, #tpu.memory_space<vmem>>
          %dma_start3A_126 = tpu.memref_squeeze %dma_start3A_125 : memref<1x80xi32, #tpu.memory_space<vmem>> -> memref<80xi32, #tpu.memory_space<vmem>>
          %dma_start3A_127 = arith.constant 0 : i32
          %dma_start3A_128 = arith.constant 0 : i32
          %dma_start3A_129 = tpu.memref_slice %arg2[%dma_start3A_127, %dma_start3A_128] : memref<10240x128xf32, #tpu.memory_space<hbm>> -> memref<10240x128xf32, #tpu.memory_space<hbm>>
          tpu.enqueue_indirect_dma source(%dma_start3A_129 : memref<10240x128xf32, #tpu.memory_space<hbm>>) target(%arg10 : memref<80x128xf32, #tpu.memory_space<vmem>>) offsets(%dma_start3A_126 : memref<80xi32, #tpu.memory_space<vmem>>) semaphore(%arg14 : memref<!tpu.dma_semaphore, #tpu.memory_space<semaphore_mem>>)
        } else {
        }
      }
      %scan3A_35 = arith.constant 14 : i32
    }
    %scan3A_4 = arith.constant 3 : i32
    %dma_wait3A = arith.constant 0 : i32
    %dma_wait3A_5 = arith.constant 0 : i32
    %dma_wait3A_6 = tpu.memref_slice %arg8[%dma_wait3A, %dma_wait3A_5] : memref<42x80xi32, #tpu.memory_space<vmem>> -> memref<1x80xi32, #tpu.memory_space<vmem>>
    %dma_wait3A_7 = tpu.memref_squeeze %dma_wait3A_6 : memref<1x80xi32, #tpu.memory_space<vmem>> -> memref<80xi32, #tpu.memory_space<vmem>>
    %dma_wait3A_8 = arith.constant 0 : i32
    %dma_wait3A_9 = arith.constant 0 : i32
    %dma_wait3A_10 = tpu.memref_slice %arg12[%dma_wait3A_8, %dma_wait3A_9] : memref<10240x128xf32, #tpu.memory_space<vmem_shared>> -> memref<10240x128xf32, #tpu.memory_space<vmem_shared>>
    tpu.wait_indirect_dma semaphore(%arg18 : memref<!tpu.dma_semaphore, #tpu.memory_space<semaphore_mem>>) src(%arg11 : memref<80x128xf32, #tpu.memory_space<vmem>>) dst(%dma_wait3A_10 : memref<10240x128xf32, #tpu.memory_space<vmem_shared>>)
    %barrier3A_11 = arith.constant 0 : index
    tpu.barrier barrier_id(%barrier3A_11)
    "tpu.region"() ({
      %run_scoped3A = tpu.sem_alloc : memref<!tpu.dma_semaphore, #tpu.memory_space<semaphore_mem>>
      %dma_start3A = arith.constant 0 : i32
      %dma_start3A_12 = tpu.memref_slice %arg6[%arg0, %mul3A_0, %dma_start3A] : memref<2x10240x128xf32, #tpu.memory_space<hbm>> -> memref<1x640x128xf32, #tpu.memory_space<hbm>>
      %dma_start3A_13 = tpu.memref_squeeze %dma_start3A_12 : memref<1x640x128xf32, #tpu.memory_space<hbm>> -> memref<640x128xf32, #tpu.memory_space<hbm>>
      %dma_start3A_14 = arith.constant 0 : i32
      %dma_start3A_15 = tpu.memref_slice %arg12[%mul3A_0, %dma_start3A_14] : memref<10240x128xf32, #tpu.memory_space<vmem_shared>> -> memref<640x128xf32, #tpu.memory_space<vmem_shared>>
      tpu.enqueue_dma source(%dma_start3A_15 : memref<640x128xf32, #tpu.memory_space<vmem_shared>>) target(%dma_start3A_13 : memref<640x128xf32, #tpu.memory_space<hbm>>) target_semaphore(%run_scoped3A : memref<!tpu.dma_semaphore, #tpu.memory_space<semaphore_mem>>)
      %dma_wait3A_16 = arith.constant 0 : i32
      %dma_wait3A_17 = tpu.memref_slice %arg6[%arg0, %mul3A_0, %dma_wait3A_16] : memref<2x10240x128xf32, #tpu.memory_space<hbm>> -> memref<1x640x128xf32, #tpu.memory_space<hbm>>
      %dma_wait3A_18 = tpu.memref_squeeze %dma_wait3A_17 : memref<1x640x128xf32, #tpu.memory_space<hbm>> -> memref<640x128xf32, #tpu.memory_space<hbm>>
      %dma_wait3A_19 = arith.constant 0 : i32
      %dma_wait3A_20 = tpu.memref_slice %arg12[%mul3A_0, %dma_wait3A_19] : memref<10240x128xf32, #tpu.memory_space<vmem_shared>> -> memref<640x128xf32, #tpu.memory_space<vmem_shared>>
      tpu.wait_dma2 semaphore(%run_scoped3A : memref<!tpu.dma_semaphore, #tpu.memory_space<semaphore_mem>>) src(%dma_wait3A_20 : memref<640x128xf32, #tpu.memory_space<vmem_shared>>) dst(%dma_wait3A_18 : memref<640x128xf32, #tpu.memory_space<hbm>>)
      tpu.yield
    }) : () -> ()
    return
  }
}

#map = affine_map<(d0, d1) -> (0, 0, 0, 0)>
#map1 = affine_map<(d0, d1) -> (0, 0)>
module attributes {stable_mosaic.version = 14 : i64} {
  func.func @_deg_norm_h_body(%arg0: i32, %arg1: i32, %arg2: memref<2x16x157x128xi32, #tpu.memory_space<hbm>>, %arg3: memref<10240x128xf32, #tpu.memory_space<hbm>>, %arg4: memref<10240x128xf32, #tpu.memory_space<hbm>>, %arg5: memref<2x10240xf32, #tpu.memory_space<hbm>>, %arg6: memref<157x128xi32, #tpu.memory_space<vmem>>, %arg7: memref<128xf32, #tpu.memory_space<vmem>>, %arg8: memref<640xf32, #tpu.memory_space<vmem>>, %arg9: memref<64x128xf32, #tpu.memory_space<vmem>>, %arg10: memref<10240xf32, #tpu.memory_space<vmem_shared>>, %arg11: memref<!tpu.dma_semaphore, #tpu.memory_space<semaphore_mem>>) attributes {dimension_semantics = [#tpu.dimension_semantics<core_parallel>, #tpu.dimension_semantics<subcore_parallel>], iteration_bounds = array<i64: 2, 16>, scalar_prefetch = 0 : i64, scratch_operands = 6 : i64, tpu.core_type = #tpu.core_type<sc_vector_subcore>, window_params = [{transform_indices = #map}, {transform_indices = #map1}, {transform_indices = #map1}, {transform_indices = #map1}]} {
    %mul3A = arith.constant 640 : i32
    %mul3A_0 = arith.muli %arg1, %mul3A : i32
    %broadcast_in_dim3A = arith.constant 0.000000e+00 : f32
    %broadcast_in_dim3A_1 = vector.broadcast %broadcast_in_dim3A : f32 to vector<16xf32>
    %swap3A = arith.constant 0 : index
    %swap3A_2 = tpu.vector_load %arg8[%swap3A] {strides = array<i32>} : memref<640xf32, #tpu.memory_space<vmem>>, vector<16xf32>,
    %swap3A_3 = vector.shape_cast %swap3A_2 : vector<16xf32> to vector<16xf32>
    %swap3A_4 = vector.shape_cast %broadcast_in_dim3A_1 : vector<16xf32> to vector<16xf32>
    tpu.vector_store %arg8[%swap3A], %swap3A_4 {strides = array<i32>} : memref<640xf32, #tpu.memory_space<vmem>>, vector<16xf32>,
    %broadcast_in_dim3A_5 = arith.constant 0.000000e+00 : f32
    %broadcast_in_dim3A_6 = vector.broadcast %broadcast_in_dim3A_5 : f32 to vector<16xf32>
    %swap3A_7 = arith.constant 16 : index
    %swap3A_8 = tpu.vector_load %arg8[%swap3A_7] {strides = array<i32>} : memref<640xf32, #tpu.memory_space<vmem>>, vector<16xf32>,
    %swap3A_9 = vector.shape_cast %swap3A_8 : vector<16xf32> to vector<16xf32>
    %swap3A_10 = vector.shape_cast %broadcast_in_dim3A_6 : vector<16xf32> to vector<16xf32>
    tpu.vector_store %arg8[%swap3A_7], %swap3A_10 {strides = array<i32>} : memref<640xf32, #tpu.memory_space<vmem>>, vector<16xf32>,
    %broadcast_in_dim3A_11 = arith.constant 0.000000e+00 : f32
    %broadcast_in_dim3A_12 = vector.broadcast %broadcast_in_dim3A_11 : f32 to vector<16xf32>
    %swap3A_13 = arith.constant 32 : index
    %swap3A_14 = tpu.vector_load %arg8[%swap3A_13] {strides = array<i32>} : memref<640xf32, #tpu.memory_space<vmem>>, vector<16xf32>,
    %swap3A_15 = vector.shape_cast %swap3A_14 : vector<16xf32> to vector<16xf32>
    %swap3A_16 = vector.shape_cast %broadcast_in_dim3A_12 : vector<16xf32> to vector<16xf32>
    tpu.vector_store %arg8[%swap3A_13], %swap3A_16 {strides = array<i32>} : memref<640xf32, #tpu.memory_space<vmem>>, vector<16xf32>,
    %broadcast_in_dim3A_17 = arith.constant 0.000000e+00 : f32
    %broadcast_in_dim3A_18 = vector.broadcast %broadcast_in_dim3A_17 : f32 to vector<16xf32>
    %swap3A_19 = arith.constant 48 : index
    %swap3A_20 = tpu.vector_load %arg8[%swap3A_19] {strides = array<i32>} : memref<640xf32, #tpu.memory_space<vmem>>, vector<16xf32>,
    %swap3A_21 = vector.shape_cast %swap3A_20 : vector<16xf32> to vector<16xf32>
    %swap3A_22 = vector.shape_cast %broadcast_in_dim3A_18 : vector<16xf32> to vector<16xf32>
    tpu.vector_store %arg8[%swap3A_19], %swap3A_22 {strides = array<i32>} : memref<640xf32, #tpu.memory_space<vmem>>, vector<16xf32>,
    %broadcast_in_dim3A_23 = arith.constant 0.000000e+00 : f32
    %broadcast_in_dim3A_24 = vector.broadcast %broadcast_in_dim3A_23 : f32 to vector<16xf32>
    %swap3A_25 = arith.constant 64 : index
    %swap3A_26 = tpu.vector_load %arg8[%swap3A_25] {strides = array<i32>} : memref<640xf32, #tpu.memory_space<vmem>>, vector<16xf32>,
    %swap3A_27 = vector.shape_cast %swap3A_26 : vector<16xf32> to vector<16xf32>
    %swap3A_28 = vector.shape_cast %broadcast_in_dim3A_24 : vector<16xf32> to vector<16xf32>
    tpu.vector_store %arg8[%swap3A_25], %swap3A_28 {strides = array<i32>} : memref<640xf32, #tpu.memory_space<vmem>>, vector<16xf32>,
    %broadcast_in_dim3A_29 = arith.constant 0.000000e+00 : f32
    %broadcast_in_dim3A_30 = vector.broadcast %broadcast_in_dim3A_29 : f32 to vector<16xf32>
    %swap3A_31 = arith.constant 80 : index
    %swap3A_32 = tpu.vector_load %arg8[%swap3A_31] {strides = array<i32>} : memref<640xf32, #tpu.memory_space<vmem>>, vector<16xf32>,
    %swap3A_33 = vector.shape_cast %swap3A_32 : vector<16xf32> to vector<16xf32>
    %swap3A_34 = vector.shape_cast %broadcast_in_dim3A_30 : vector<16xf32> to vector<16xf32>
    tpu.vector_store %arg8[%swap3A_31], %swap3A_34 {strides = array<i32>} : memref<640xf32, #tpu.memory_space<vmem>>, vector<16xf32>,
    %broadcast_in_dim3A_35 = arith.constant 0.000000e+00 : f32
    %broadcast_in_dim3A_36 = vector.broadcast %broadcast_in_dim3A_35 : f32 to vector<16xf32>
    %swap3A_37 = arith.constant 96 : index
    %swap3A_38 = tpu.vector_load %arg8[%swap3A_37] {strides = array<i32>} : memref<640xf32, #tpu.memory_space<vmem>>, vector<16xf32>,
    %swap3A_39 = vector.shape_cast %swap3A_38 : vector<16xf32> to vector<16xf32>
    %swap3A_40 = vector.shape_cast %broadcast_in_dim3A_36 : vector<16xf32> to vector<16xf32>
    tpu.vector_store %arg8[%swap3A_37], %swap3A_40 {strides = array<i32>} : memref<640xf32, #tpu.memory_space<vmem>>, vector<16xf32>,
    %broadcast_in_dim3A_41 = arith.constant 0.000000e+00 : f32
    %broadcast_in_dim3A_42 = vector.broadcast %broadcast_in_dim3A_41 : f32 to vector<16xf32>
    %swap3A_43 = arith.constant 112 : index
    %swap3A_44 = tpu.vector_load %arg8[%swap3A_43] {strides = array<i32>} : memref<640xf32, #tpu.memory_space<vmem>>, vector<16xf32>,
    %swap3A_45 = vector.shape_cast %swap3A_44 : vector<16xf32> to vector<16xf32>
    %swap3A_46 = vector.shape_cast %broadcast_in_dim3A_42 : vector<16xf32> to vector<16xf32>
    tpu.vector_store %arg8[%swap3A_43], %swap3A_46 {strides = array<i32>} : memref<640xf32, #tpu.memory_space<vmem>>, vector<16xf32>,
    %broadcast_in_dim3A_47 = arith.constant 0.000000e+00 : f32
    %broadcast_in_dim3A_48 = vector.broadcast %broadcast_in_dim3A_47 : f32 to vector<16xf32>
    %swap3A_49 = arith.constant 128 : index
    %swap3A_50 = tpu.vector_load %arg8[%swap3A_49] {strides = array<i32>} : memref<640xf32, #tpu.memory_space<vmem>>, vector<16xf32>,
    %swap3A_51 = vector.shape_cast %swap3A_50 : vector<16xf32> to vector<16xf32>
    %swap3A_52 = vector.shape_cast %broadcast_in_dim3A_48 : vector<16xf32> to vector<16xf32>
    tpu.vector_store %arg8[%swap3A_49], %swap3A_52 {strides = array<i32>} : memref<640xf32, #tpu.memory_space<vmem>>, vector<16xf32>,
    %broadcast_in_dim3A_53 = arith.constant 0.000000e+00 : f32
    %broadcast_in_dim3A_54 = vector.broadcast %broadcast_in_dim3A_53 : f32 to vector<16xf32>
    %swap3A_55 = arith.constant 144 : index
    %swap3A_56 = tpu.vector_load %arg8[%swap3A_55] {strides = array<i32>} : memref<640xf32, #tpu.memory_space<vmem>>, vector<16xf32>,
    %swap3A_57 = vector.shape_cast %swap3A_56 : vector<16xf32> to vector<16xf32>
    %swap3A_58 = vector.shape_cast %broadcast_in_dim3A_54 : vector<16xf32> to vector<16xf32>
    tpu.vector_store %arg8[%swap3A_55], %swap3A_58 {strides = array<i32>} : memref<640xf32, #tpu.memory_space<vmem>>, vector<16xf32>,
    %broadcast_in_dim3A_59 = arith.constant 0.000000e+00 : f32
    %broadcast_in_dim3A_60 = vector.broadcast %broadcast_in_dim3A_59 : f32 to vector<16xf32>
    %swap3A_61 = arith.constant 160 : index
    %swap3A_62 = tpu.vector_load %arg8[%swap3A_61] {strides = array<i32>} : memref<640xf32, #tpu.memory_space<vmem>>, vector<16xf32>,
    %swap3A_63 = vector.shape_cast %swap3A_62 : vector<16xf32> to vector<16xf32>
    %swap3A_64 = vector.shape_cast %broadcast_in_dim3A_60 : vector<16xf32> to vector<16xf32>
    tpu.vector_store %arg8[%swap3A_61], %swap3A_64 {strides = array<i32>} : memref<640xf32, #tpu.memory_space<vmem>>, vector<16xf32>,
    %broadcast_in_dim3A_65 = arith.constant 0.000000e+00 : f32
    %broadcast_in_dim3A_66 = vector.broadcast %broadcast_in_dim3A_65 : f32 to vector<16xf32>
    %swap3A_67 = arith.constant 176 : index
    %swap3A_68 = tpu.vector_load %arg8[%swap3A_67] {strides = array<i32>} : memref<640xf32, #tpu.memory_space<vmem>>, vector<16xf32>,
    %swap3A_69 = vector.shape_cast %swap3A_68 : vector<16xf32> to vector<16xf32>
    %swap3A_70 = vector.shape_cast %broadcast_in_dim3A_66 : vector<16xf32> to vector<16xf32>
    tpu.vector_store %arg8[%swap3A_67], %swap3A_70 {strides = array<i32>} : memref<640xf32, #tpu.memory_space<vmem>>, vector<16xf32>,
    %broadcast_in_dim3A_71 = arith.constant 0.000000e+00 : f32
    %broadcast_in_dim3A_72 = vector.broadcast %broadcast_in_dim3A_71 : f32 to vector<16xf32>
    %swap3A_73 = arith.constant 192 : index
    %swap3A_74 = tpu.vector_load %arg8[%swap3A_73] {strides = array<i32>} : memref<640xf32, #tpu.memory_space<vmem>>, vector<16xf32>,
    %swap3A_75 = vector.shape_cast %swap3A_74 : vector<16xf32> to vector<16xf32>
    %swap3A_76 = vector.shape_cast %broadcast_in_dim3A_72 : vector<16xf32> to vector<16xf32>
    tpu.vector_store %arg8[%swap3A_73], %swap3A_76 {strides = array<i32>} : memref<640xf32, #tpu.memory_space<vmem>>, vector<16xf32>,
    %broadcast_in_dim3A_77 = arith.constant 0.000000e+00 : f32
    %broadcast_in_dim3A_78 = vector.broadcast %broadcast_in_dim3A_77 : f32 to vector<16xf32>
    %swap3A_79 = arith.constant 208 : index
    %swap3A_80 = tpu.vector_load %arg8[%swap3A_79] {strides = array<i32>} : memref<640xf32, #tpu.memory_space<vmem>>, vector<16xf32>,
    %swap3A_81 = vector.shape_cast %swap3A_80 : vector<16xf32> to vector<16xf32>
    %swap3A_82 = vector.shape_cast %broadcast_in_dim3A_78 : vector<16xf32> to vector<16xf32>
    tpu.vector_store %arg8[%swap3A_79], %swap3A_82 {strides = array<i32>} : memref<640xf32, #tpu.memory_space<vmem>>, vector<16xf32>,
    %broadcast_in_dim3A_83 = arith.constant 0.000000e+00 : f32
    %broadcast_in_dim3A_84 = vector.broadcast %broadcast_in_dim3A_83 : f32 to vector<16xf32>
    %swap3A_85 = arith.constant 224 : index
    %swap3A_86 = tpu.vector_load %arg8[%swap3A_85] {strides = array<i32>} : memref<640xf32, #tpu.memory_space<vmem>>, vector<16xf32>,
    %swap3A_87 = vector.shape_cast %swap3A_86 : vector<16xf32> to vector<16xf32>
    %swap3A_88 = vector.shape_cast %broadcast_in_dim3A_84 : vector<16xf32> to vector<16xf32>
    tpu.vector_store %arg8[%swap3A_85], %swap3A_88 {strides = array<i32>} : memref<640xf32, #tpu.memory_space<vmem>>, vector<16xf32>,
    %broadcast_in_dim3A_89 = arith.constant 0.000000e+00 : f32
    %broadcast_in_dim3A_90 = vector.broadcast %broadcast_in_dim3A_89 : f32 to vector<16xf32>
    %swap3A_91 = arith.constant 240 : index
    %swap3A_92 = tpu.vector_load %arg8[%swap3A_91] {strides = array<i32>} : memref<640xf32, #tpu.memory_space<vmem>>, vector<16xf32>,
    %swap3A_93 = vector.shape_cast %swap3A_92 : vector<16xf32> to vector<16xf32>
    %swap3A_94 = vector.shape_cast %broadcast_in_dim3A_90 : vector<16xf32> to vector<16xf32>
    tpu.vector_store %arg8[%swap3A_91], %swap3A_94 {strides = array<i32>} : memref<640xf32, #tpu.memory_space<vmem>>, vector<16xf32>,
    %broadcast_in_dim3A_95 = arith.constant 0.000000e+00 : f32
    %broadcast_in_dim3A_96 = vector.broadcast %broadcast_in_dim3A_95 : f32 to vector<16xf32>
    %swap3A_97 = arith.constant 256 : index
    %swap3A_98 = tpu.vector_load %arg8[%swap3A_97] {strides = array<i32>} : memref<640xf32, #tpu.memory_space<vmem>>, vector<16xf32>,
    %swap3A_99 = vector.shape_cast %swap3A_98 : vector<16xf32> to vector<16xf32>
    %swap3A_100 = vector.shape_cast %broadcast_in_dim3A_96 : vector<16xf32> to vector<16xf32>
    tpu.vector_store %arg8[%swap3A_97], %swap3A_100 {strides = array<i32>} : memref<640xf32, #tpu.memory_space<vmem>>, vector<16xf32>,
    %broadcast_in_dim3A_101 = arith.constant 0.000000e+00 : f32
    %broadcast_in_dim3A_102 = vector.broadcast %broadcast_in_dim3A_101 : f32 to vector<16xf32>
    %swap3A_103 = arith.constant 272 : index
    %swap3A_104 = tpu.vector_load %arg8[%swap3A_103] {strides = array<i32>} : memref<640xf32, #tpu.memory_space<vmem>>, vector<16xf32>,
    %swap3A_105 = vector.shape_cast %swap3A_104 : vector<16xf32> to vector<16xf32>
    %swap3A_106 = vector.shape_cast %broadcast_in_dim3A_102 : vector<16xf32> to vector<16xf32>
    tpu.vector_store %arg8[%swap3A_103], %swap3A_106 {strides = array<i32>} : memref<640xf32, #tpu.memory_space<vmem>>, vector<16xf32>,
    %broadcast_in_dim3A_107 = arith.constant 0.000000e+00 : f32
    %broadcast_in_dim3A_108 = vector.broadcast %broadcast_in_dim3A_107 : f32 to vector<16xf32>
    %swap3A_109 = arith.constant 288 : index
    %swap3A_110 = tpu.vector_load %arg8[%swap3A_109] {strides = array<i32>} : memref<640xf32, #tpu.memory_space<vmem>>, vector<16xf32>,
    %swap3A_111 = vector.shape_cast %swap3A_110 : vector<16xf32> to vector<16xf32>
    %swap3A_112 = vector.shape_cast %broadcast_in_dim3A_108 : vector<16xf32> to vector<16xf32>
    tpu.vector_store %arg8[%swap3A_109], %swap3A_112 {strides = array<i32>} : memref<640xf32, #tpu.memory_space<vmem>>, vector<16xf32>,
    %broadcast_in_dim3A_113 = arith.constant 0.000000e+00 : f32
    %broadcast_in_dim3A_114 = vector.broadcast %broadcast_in_dim3A_113 : f32 to vector<16xf32>
    %swap3A_115 = arith.constant 304 : index
    %swap3A_116 = tpu.vector_load %arg8[%swap3A_115] {strides = array<i32>} : memref<640xf32, #tpu.memory_space<vmem>>, vector<16xf32>,
    %swap3A_117 = vector.shape_cast %swap3A_116 : vector<16xf32> to vector<16xf32>
    %swap3A_118 = vector.shape_cast %broadcast_in_dim3A_114 : vector<16xf32> to vector<16xf32>
    tpu.vector_store %arg8[%swap3A_115], %swap3A_118 {strides = array<i32>} : memref<640xf32, #tpu.memory_space<vmem>>, vector<16xf32>,
    %broadcast_in_dim3A_119 = arith.constant 0.000000e+00 : f32
    %broadcast_in_dim3A_120 = vector.broadcast %broadcast_in_dim3A_119 : f32 to vector<16xf32>
    %swap3A_121 = arith.constant 320 : index
    %swap3A_122 = tpu.vector_load %arg8[%swap3A_121] {strides = array<i32>} : memref<640xf32, #tpu.memory_space<vmem>>, vector<16xf32>,
    %swap3A_123 = vector.shape_cast %swap3A_122 : vector<16xf32> to vector<16xf32>
    %swap3A_124 = vector.shape_cast %broadcast_in_dim3A_120 : vector<16xf32> to vector<16xf32>
    tpu.vector_store %arg8[%swap3A_121], %swap3A_124 {strides = array<i32>} : memref<640xf32, #tpu.memory_space<vmem>>, vector<16xf32>,
    %broadcast_in_dim3A_125 = arith.constant 0.000000e+00 : f32
    %broadcast_in_dim3A_126 = vector.broadcast %broadcast_in_dim3A_125 : f32 to vector<16xf32>
    %swap3A_127 = arith.constant 336 : index
    %swap3A_128 = tpu.vector_load %arg8[%swap3A_127] {strides = array<i32>} : memref<640xf32, #tpu.memory_space<vmem>>, vector<16xf32>,
    %swap3A_129 = vector.shape_cast %swap3A_128 : vector<16xf32> to vector<16xf32>
    %swap3A_130 = vector.shape_cast %broadcast_in_dim3A_126 : vector<16xf32> to vector<16xf32>
    tpu.vector_store %arg8[%swap3A_127], %swap3A_130 {strides = array<i32>} : memref<640xf32, #tpu.memory_space<vmem>>, vector<16xf32>,
    %broadcast_in_dim3A_131 = arith.constant 0.000000e+00 : f32
    %broadcast_in_dim3A_132 = vector.broadcast %broadcast_in_dim3A_131 : f32 to vector<16xf32>
    %swap3A_133 = arith.constant 352 : index
    %swap3A_134 = tpu.vector_load %arg8[%swap3A_133] {strides = array<i32>} : memref<640xf32, #tpu.memory_space<vmem>>, vector<16xf32>,
    %swap3A_135 = vector.shape_cast %swap3A_134 : vector<16xf32> to vector<16xf32>
    %swap3A_136 = vector.shape_cast %broadcast_in_dim3A_132 : vector<16xf32> to vector<16xf32>
    tpu.vector_store %arg8[%swap3A_133], %swap3A_136 {strides = array<i32>} : memref<640xf32, #tpu.memory_space<vmem>>, vector<16xf32>,
    %broadcast_in_dim3A_137 = arith.constant 0.000000e+00 : f32
    %broadcast_in_dim3A_138 = vector.broadcast %broadcast_in_dim3A_137 : f32 to vector<16xf32>
    %swap3A_139 = arith.constant 368 : index
    %swap3A_140 = tpu.vector_load %arg8[%swap3A_139] {strides = array<i32>} : memref<640xf32, #tpu.memory_space<vmem>>, vector<16xf32>,
    %swap3A_141 = vector.shape_cast %swap3A_140 : vector<16xf32> to vector<16xf32>
    %swap3A_142 = vector.shape_cast %broadcast_in_dim3A_138 : vector<16xf32> to vector<16xf32>
    tpu.vector_store %arg8[%swap3A_139], %swap3A_142 {strides = array<i32>} : memref<640xf32, #tpu.memory_space<vmem>>, vector<16xf32>,
    %broadcast_in_dim3A_143 = arith.constant 0.000000e+00 : f32
    %broadcast_in_dim3A_144 = vector.broadcast %broadcast_in_dim3A_143 : f32 to vector<16xf32>
    %swap3A_145 = arith.constant 384 : index
    %swap3A_146 = tpu.vector_load %arg8[%swap3A_145] {strides = array<i32>} : memref<640xf32, #tpu.memory_space<vmem>>, vector<16xf32>,
    %swap3A_147 = vector.shape_cast %swap3A_146 : vector<16xf32> to vector<16xf32>
    %swap3A_148 = vector.shape_cast %broadcast_in_dim3A_144 : vector<16xf32> to vector<16xf32>
    tpu.vector_store %arg8[%swap3A_145], %swap3A_148 {strides = array<i32>} : memref<640xf32, #tpu.memory_space<vmem>>, vector<16xf32>,
    %broadcast_in_dim3A_149 = arith.constant 0.000000e+00 : f32
    %broadcast_in_dim3A_150 = vector.broadcast %broadcast_in_dim3A_149 : f32 to vector<16xf32>
    %swap3A_151 = arith.constant 400 : index
    %swap3A_152 = tpu.vector_load %arg8[%swap3A_151] {strides = array<i32>} : memref<640xf32, #tpu.memory_space<vmem>>, vector<16xf32>,
    %swap3A_153 = vector.shape_cast %swap3A_152 : vector<16xf32> to vector<16xf32>
    %swap3A_154 = vector.shape_cast %broadcast_in_dim3A_150 : vector<16xf32> to vector<16xf32>
    tpu.vector_store %arg8[%swap3A_151], %swap3A_154 {strides = array<i32>} : memref<640xf32, #tpu.memory_space<vmem>>, vector<16xf32>,
    %broadcast_in_dim3A_155 = arith.constant 0.000000e+00 : f32
    %broadcast_in_dim3A_156 = vector.broadcast %broadcast_in_dim3A_155 : f32 to vector<16xf32>
    %swap3A_157 = arith.constant 416 : index
    %swap3A_158 = tpu.vector_load %arg8[%swap3A_157] {strides = array<i32>} : memref<640xf32, #tpu.memory_space<vmem>>, vector<16xf32>,
    %swap3A_159 = vector.shape_cast %swap3A_158 : vector<16xf32> to vector<16xf32>
    %swap3A_160 = vector.shape_cast %broadcast_in_dim3A_156 : vector<16xf32> to vector<16xf32>
    tpu.vector_store %arg8[%swap3A_157], %swap3A_160 {strides = array<i32>} : memref<640xf32, #tpu.memory_space<vmem>>, vector<16xf32>,
    %broadcast_in_dim3A_161 = arith.constant 0.000000e+00 : f32
    %broadcast_in_dim3A_162 = vector.broadcast %broadcast_in_dim3A_161 : f32 to vector<16xf32>
    %swap3A_163 = arith.constant 432 : index
    %swap3A_164 = tpu.vector_load %arg8[%swap3A_163] {strides = array<i32>} : memref<640xf32, #tpu.memory_space<vmem>>, vector<16xf32>,
    %swap3A_165 = vector.shape_cast %swap3A_164 : vector<16xf32> to vector<16xf32>
    %swap3A_166 = vector.shape_cast %broadcast_in_dim3A_162 : vector<16xf32> to vector<16xf32>
    tpu.vector_store %arg8[%swap3A_163], %swap3A_166 {strides = array<i32>} : memref<640xf32, #tpu.memory_space<vmem>>, vector<16xf32>,
    %broadcast_in_dim3A_167 = arith.constant 0.000000e+00 : f32
    %broadcast_in_dim3A_168 = vector.broadcast %broadcast_in_dim3A_167 : f32 to vector<16xf32>
    %swap3A_169 = arith.constant 448 : index
    %swap3A_170 = tpu.vector_load %arg8[%swap3A_169] {strides = array<i32>} : memref<640xf32, #tpu.memory_space<vmem>>, vector<16xf32>,
    %swap3A_171 = vector.shape_cast %swap3A_170 : vector<16xf32> to vector<16xf32>
    %swap3A_172 = vector.shape_cast %broadcast_in_dim3A_168 : vector<16xf32> to vector<16xf32>
    tpu.vector_store %arg8[%swap3A_169], %swap3A_172 {strides = array<i32>} : memref<640xf32, #tpu.memory_space<vmem>>, vector<16xf32>,
    %broadcast_in_dim3A_173 = arith.constant 0.000000e+00 : f32
    %broadcast_in_dim3A_174 = vector.broadcast %broadcast_in_dim3A_173 : f32 to vector<16xf32>
    %swap3A_175 = arith.constant 464 : index
    %swap3A_176 = tpu.vector_load %arg8[%swap3A_175] {strides = array<i32>} : memref<640xf32, #tpu.memory_space<vmem>>, vector<16xf32>,
    %swap3A_177 = vector.shape_cast %swap3A_176 : vector<16xf32> to vector<16xf32>
    %swap3A_178 = vector.shape_cast %broadcast_in_dim3A_174 : vector<16xf32> to vector<16xf32>
    tpu.vector_store %arg8[%swap3A_175], %swap3A_178 {strides = array<i32>} : memref<640xf32, #tpu.memory_space<vmem>>, vector<16xf32>,
    %broadcast_in_dim3A_179 = arith.constant 0.000000e+00 : f32
    %broadcast_in_dim3A_180 = vector.broadcast %broadcast_in_dim3A_179 : f32 to vector<16xf32>
    %swap3A_181 = arith.constant 480 : index
    %swap3A_182 = tpu.vector_load %arg8[%swap3A_181] {strides = array<i32>} : memref<640xf32, #tpu.memory_space<vmem>>, vector<16xf32>,
    %swap3A_183 = vector.shape_cast %swap3A_182 : vector<16xf32> to vector<16xf32>
    %swap3A_184 = vector.shape_cast %broadcast_in_dim3A_180 : vector<16xf32> to vector<16xf32>
    tpu.vector_store %arg8[%swap3A_181], %swap3A_184 {strides = array<i32>} : memref<640xf32, #tpu.memory_space<vmem>>, vector<16xf32>,
    %broadcast_in_dim3A_185 = arith.constant 0.000000e+00 : f32
    %broadcast_in_dim3A_186 = vector.broadcast %broadcast_in_dim3A_185 : f32 to vector<16xf32>
    %swap3A_187 = arith.constant 496 : index
    %swap3A_188 = tpu.vector_load %arg8[%swap3A_187] {strides = array<i32>} : memref<640xf32, #tpu.memory_space<vmem>>, vector<16xf32>,
    %swap3A_189 = vector.shape_cast %swap3A_188 : vector<16xf32> to vector<16xf32>
    %swap3A_190 = vector.shape_cast %broadcast_in_dim3A_186 : vector<16xf32> to vector<16xf32>
    tpu.vector_store %arg8[%swap3A_187], %swap3A_190 {strides = array<i32>} : memref<640xf32, #tpu.memory_space<vmem>>, vector<16xf32>,
    %broadcast_in_dim3A_191 = arith.constant 0.000000e+00 : f32
    %broadcast_in_dim3A_192 = vector.broadcast %broadcast_in_dim3A_191 : f32 to vector<16xf32>
    %swap3A_193 = arith.constant 512 : index
    %swap3A_194 = tpu.vector_load %arg8[%swap3A_193] {strides = array<i32>} : memref<640xf32, #tpu.memory_space<vmem>>, vector<16xf32>,
    %swap3A_195 = vector.shape_cast %swap3A_194 : vector<16xf32> to vector<16xf32>
    %swap3A_196 = vector.shape_cast %broadcast_in_dim3A_192 : vector<16xf32> to vector<16xf32>
    tpu.vector_store %arg8[%swap3A_193], %swap3A_196 {strides = array<i32>} : memref<640xf32, #tpu.memory_space<vmem>>, vector<16xf32>,
    %broadcast_in_dim3A_197 = arith.constant 0.000000e+00 : f32
    %broadcast_in_dim3A_198 = vector.broadcast %broadcast_in_dim3A_197 : f32 to vector<16xf32>
    %swap3A_199 = arith.constant 528 : index
    %swap3A_200 = tpu.vector_load %arg8[%swap3A_199] {strides = array<i32>} : memref<640xf32, #tpu.memory_space<vmem>>, vector<16xf32>,
    %swap3A_201 = vector.shape_cast %swap3A_200 : vector<16xf32> to vector<16xf32>
    %swap3A_202 = vector.shape_cast %broadcast_in_dim3A_198 : vector<16xf32> to vector<16xf32>
    tpu.vector_store %arg8[%swap3A_199], %swap3A_202 {strides = array<i32>} : memref<640xf32, #tpu.memory_space<vmem>>, vector<16xf32>,
    %broadcast_in_dim3A_203 = arith.constant 0.000000e+00 : f32
    %broadcast_in_dim3A_204 = vector.broadcast %broadcast_in_dim3A_203 : f32 to vector<16xf32>
    %swap3A_205 = arith.constant 544 : index
    %swap3A_206 = tpu.vector_load %arg8[%swap3A_205] {strides = array<i32>} : memref<640xf32, #tpu.memory_space<vmem>>, vector<16xf32>,
    %swap3A_207 = vector.shape_cast %swap3A_206 : vector<16xf32> to vector<16xf32>
    %swap3A_208 = vector.shape_cast %broadcast_in_dim3A_204 : vector<16xf32> to vector<16xf32>
    tpu.vector_store %arg8[%swap3A_205], %swap3A_208 {strides = array<i32>} : memref<640xf32, #tpu.memory_space<vmem>>, vector<16xf32>,
    %broadcast_in_dim3A_209 = arith.constant 0.000000e+00 : f32
    %broadcast_in_dim3A_210 = vector.broadcast %broadcast_in_dim3A_209 : f32 to vector<16xf32>
    %swap3A_211 = arith.constant 560 : index
    %swap3A_212 = tpu.vector_load %arg8[%swap3A_211] {strides = array<i32>} : memref<640xf32, #tpu.memory_space<vmem>>, vector<16xf32>,
    %swap3A_213 = vector.shape_cast %swap3A_212 : vector<16xf32> to vector<16xf32>
    %swap3A_214 = vector.shape_cast %broadcast_in_dim3A_210 : vector<16xf32> to vector<16xf32>
    tpu.vector_store %arg8[%swap3A_211], %swap3A_214 {strides = array<i32>} : memref<640xf32, #tpu.memory_space<vmem>>, vector<16xf32>,
    %broadcast_in_dim3A_215 = arith.constant 0.000000e+00 : f32
    %broadcast_in_dim3A_216 = vector.broadcast %broadcast_in_dim3A_215 : f32 to vector<16xf32>
    %swap3A_217 = arith.constant 576 : index
    %swap3A_218 = tpu.vector_load %arg8[%swap3A_217] {strides = array<i32>} : memref<640xf32, #tpu.memory_space<vmem>>, vector<16xf32>,
    %swap3A_219 = vector.shape_cast %swap3A_218 : vector<16xf32> to vector<16xf32>
    %swap3A_220 = vector.shape_cast %broadcast_in_dim3A_216 : vector<16xf32> to vector<16xf32>
    tpu.vector_store %arg8[%swap3A_217], %swap3A_220 {strides = array<i32>} : memref<640xf32, #tpu.memory_space<vmem>>, vector<16xf32>,
    %broadcast_in_dim3A_221 = arith.constant 0.000000e+00 : f32
    %broadcast_in_dim3A_222 = vector.broadcast %broadcast_in_dim3A_221 : f32 to vector<16xf32>
    %swap3A_223 = arith.constant 592 : index
    %swap3A_224 = tpu.vector_load %arg8[%swap3A_223] {strides = array<i32>} : memref<640xf32, #tpu.memory_space<vmem>>, vector<16xf32>,
    %swap3A_225 = vector.shape_cast %swap3A_224 : vector<16xf32> to vector<16xf32>
    %swap3A_226 = vector.shape_cast %broadcast_in_dim3A_222 : vector<16xf32> to vector<16xf32>
    tpu.vector_store %arg8[%swap3A_223], %swap3A_226 {strides = array<i32>} : memref<640xf32, #tpu.memory_space<vmem>>, vector<16xf32>,
    %broadcast_in_dim3A_227 = arith.constant 0.000000e+00 : f32
    %broadcast_in_dim3A_228 = vector.broadcast %broadcast_in_dim3A_227 : f32 to vector<16xf32>
    %swap3A_229 = arith.constant 608 : index
    %swap3A_230 = tpu.vector_load %arg8[%swap3A_229] {strides = array<i32>} : memref<640xf32, #tpu.memory_space<vmem>>, vector<16xf32>,
    %swap3A_231 = vector.shape_cast %swap3A_230 : vector<16xf32> to vector<16xf32>
    %swap3A_232 = vector.shape_cast %broadcast_in_dim3A_228 : vector<16xf32> to vector<16xf32>
    tpu.vector_store %arg8[%swap3A_229], %swap3A_232 {strides = array<i32>} : memref<640xf32, #tpu.memory_space<vmem>>, vector<16xf32>,
    %broadcast_in_dim3A_233 = arith.constant 0.000000e+00 : f32
    %broadcast_in_dim3A_234 = vector.broadcast %broadcast_in_dim3A_233 : f32 to vector<16xf32>
    %swap3A_235 = arith.constant 624 : index
    %swap3A_236 = tpu.vector_load %arg8[%swap3A_235] {strides = array<i32>} : memref<640xf32, #tpu.memory_space<vmem>>, vector<16xf32>,
    %swap3A_237 = vector.shape_cast %swap3A_236 : vector<16xf32> to vector<16xf32>
    %swap3A_238 = vector.shape_cast %broadcast_in_dim3A_234 : vector<16xf32> to vector<16xf32>
    tpu.vector_store %arg8[%swap3A_235], %swap3A_238 {strides = array<i32>} : memref<640xf32, #tpu.memory_space<vmem>>, vector<16xf32>,
    "tpu.region"() ({
      %run_scoped3A = tpu.sem_alloc : memref<!tpu.dma_semaphore, #tpu.memory_space<semaphore_mem>>
      %dma_start3A = tpu.memref_slice %arg10[%mul3A_0] : memref<10240xf32, #tpu.memory_space<vmem_shared>> -> memref<640xf32, #tpu.memory_space<vmem_shared>>
      %dma_start3A_304 = tpu.memref_slice %arg10[%mul3A_0] : memref<10240xf32, #tpu.memory_space<vmem_shared>> -> memref<640xf32, #tpu.memory_space<vmem_shared>>
      tpu.enqueue_dma source(%arg8 : memref<640xf32, #tpu.memory_space<vmem>>) target(%dma_start3A_304 : memref<640xf32, #tpu.memory_space<vmem_shared>>) target_semaphore(%run_scoped3A : memref<!tpu.dma_semaphore, #tpu.memory_space<semaphore_mem>>)
      %dma_wait3A = tpu.memref_slice %arg10[%mul3A_0] : memref<10240xf32, #tpu.memory_space<vmem_shared>> -> memref<640xf32, #tpu.memory_space<vmem_shared>>
      %dma_wait3A_305 = tpu.memref_slice %arg10[%mul3A_0] : memref<10240xf32, #tpu.memory_space<vmem_shared>> -> memref<640xf32, #tpu.memory_space<vmem_shared>>
      tpu.wait_dma2 semaphore(%run_scoped3A : memref<!tpu.dma_semaphore, #tpu.memory_space<semaphore_mem>>) src(%arg8 : memref<640xf32, #tpu.memory_space<vmem>>) dst(%dma_wait3A_305 : memref<640xf32, #tpu.memory_space<vmem_shared>>)
      tpu.yield
    }) : () -> ()
    %broadcast_in_dim3A_239 = arith.constant 1.000000e+00 : f32
    %broadcast_in_dim3A_240 = vector.broadcast %broadcast_in_dim3A_239 : f32 to vector<16xf32>
    %swap3A_241 = arith.constant 0 : index
    %swap3A_242 = tpu.vector_load %arg7[%swap3A_241] {strides = array<i32>} : memref<128xf32, #tpu.memory_space<vmem>>, vector<16xf32>,
    %swap3A_243 = vector.shape_cast %swap3A_242 : vector<16xf32> to vector<16xf32>
    %swap3A_244 = vector.shape_cast %broadcast_in_dim3A_240 : vector<16xf32> to vector<16xf32>
    tpu.vector_store %arg7[%swap3A_241], %swap3A_244 {strides = array<i32>} : memref<128xf32, #tpu.memory_space<vmem>>, vector<16xf32>,
    %broadcast_in_dim3A_245 = arith.constant 1.000000e+00 : f32
    %broadcast_in_dim3A_246 = vector.broadcast %broadcast_in_dim3A_245 : f32 to vector<16xf32>
    %swap3A_247 = arith.constant 16 : index
    %swap3A_248 = tpu.vector_load %arg7[%swap3A_247] {strides = array<i32>} : memref<128xf32, #tpu.memory_space<vmem>>, vector<16xf32>,
    %swap3A_249 = vector.shape_cast %swap3A_248 : vector<16xf32> to vector<16xf32>
    %swap3A_250 = vector.shape_cast %broadcast_in_dim3A_246 : vector<16xf32> to vector<16xf32>
    tpu.vector_store %arg7[%swap3A_247], %swap3A_250 {strides = array<i32>} : memref<128xf32, #tpu.memory_space<vmem>>, vector<16xf32>,
    %broadcast_in_dim3A_251 = arith.constant 1.000000e+00 : f32
    %broadcast_in_dim3A_252 = vector.broadcast %broadcast_in_dim3A_251 : f32 to vector<16xf32>
    %swap3A_253 = arith.constant 32 : index
    %swap3A_254 = tpu.vector_load %arg7[%swap3A_253] {strides = array<i32>} : memref<128xf32, #tpu.memory_space<vmem>>, vector<16xf32>,
    %swap3A_255 = vector.shape_cast %swap3A_254 : vector<16xf32> to vector<16xf32>
    %swap3A_256 = vector.shape_cast %broadcast_in_dim3A_252 : vector<16xf32> to vector<16xf32>
    tpu.vector_store %arg7[%swap3A_253], %swap3A_256 {strides = array<i32>} : memref<128xf32, #tpu.memory_space<vmem>>, vector<16xf32>,
    %broadcast_in_dim3A_257 = arith.constant 1.000000e+00 : f32
    %broadcast_in_dim3A_258 = vector.broadcast %broadcast_in_dim3A_257 : f32 to vector<16xf32>
    %swap3A_259 = arith.constant 48 : index
    %swap3A_260 = tpu.vector_load %arg7[%swap3A_259] {strides = array<i32>} : memref<128xf32, #tpu.memory_space<vmem>>, vector<16xf32>,
    %swap3A_261 = vector.shape_cast %swap3A_260 : vector<16xf32> to vector<16xf32>
    %swap3A_262 = vector.shape_cast %broadcast_in_dim3A_258 : vector<16xf32> to vector<16xf32>
    tpu.vector_store %arg7[%swap3A_259], %swap3A_262 {strides = array<i32>} : memref<128xf32, #tpu.memory_space<vmem>>, vector<16xf32>,
    %broadcast_in_dim3A_263 = arith.constant 1.000000e+00 : f32
    %broadcast_in_dim3A_264 = vector.broadcast %broadcast_in_dim3A_263 : f32 to vector<16xf32>
    %swap3A_265 = arith.constant 64 : index
    %swap3A_266 = tpu.vector_load %arg7[%swap3A_265] {strides = array<i32>} : memref<128xf32, #tpu.memory_space<vmem>>, vector<16xf32>,
    %swap3A_267 = vector.shape_cast %swap3A_266 : vector<16xf32> to vector<16xf32>
    %swap3A_268 = vector.shape_cast %broadcast_in_dim3A_264 : vector<16xf32> to vector<16xf32>
    tpu.vector_store %arg7[%swap3A_265], %swap3A_268 {strides = array<i32>} : memref<128xf32, #tpu.memory_space<vmem>>, vector<16xf32>,
    %broadcast_in_dim3A_269 = arith.constant 1.000000e+00 : f32
    %broadcast_in_dim3A_270 = vector.broadcast %broadcast_in_dim3A_269 : f32 to vector<16xf32>
    %swap3A_271 = arith.constant 80 : index
    %swap3A_272 = tpu.vector_load %arg7[%swap3A_271] {strides = array<i32>} : memref<128xf32, #tpu.memory_space<vmem>>, vector<16xf32>,
    %swap3A_273 = vector.shape_cast %swap3A_272 : vector<16xf32> to vector<16xf32>
    %swap3A_274 = vector.shape_cast %broadcast_in_dim3A_270 : vector<16xf32> to vector<16xf32>
    tpu.vector_store %arg7[%swap3A_271], %swap3A_274 {strides = array<i32>} : memref<128xf32, #tpu.memory_space<vmem>>, vector<16xf32>,
    %broadcast_in_dim3A_275 = arith.constant 1.000000e+00 : f32
    %broadcast_in_dim3A_276 = vector.broadcast %broadcast_in_dim3A_275 : f32 to vector<16xf32>
    %swap3A_277 = arith.constant 96 : index
    %swap3A_278 = tpu.vector_load %arg7[%swap3A_277] {strides = array<i32>} : memref<128xf32, #tpu.memory_space<vmem>>, vector<16xf32>,
    %swap3A_279 = vector.shape_cast %swap3A_278 : vector<16xf32> to vector<16xf32>
    %swap3A_280 = vector.shape_cast %broadcast_in_dim3A_276 : vector<16xf32> to vector<16xf32>
    tpu.vector_store %arg7[%swap3A_277], %swap3A_280 {strides = array<i32>} : memref<128xf32, #tpu.memory_space<vmem>>, vector<16xf32>,
    %broadcast_in_dim3A_281 = arith.constant 1.000000e+00 : f32
    %broadcast_in_dim3A_282 = vector.broadcast %broadcast_in_dim3A_281 : f32 to vector<16xf32>
    %swap3A_283 = arith.constant 112 : index
    %swap3A_284 = tpu.vector_load %arg7[%swap3A_283] {strides = array<i32>} : memref<128xf32, #tpu.memory_space<vmem>>, vector<16xf32>,
    %swap3A_285 = vector.shape_cast %swap3A_284 : vector<16xf32> to vector<16xf32>
    %swap3A_286 = vector.shape_cast %broadcast_in_dim3A_282 : vector<16xf32> to vector<16xf32>
    tpu.vector_store %arg7[%swap3A_283], %swap3A_286 {strides = array<i32>} : memref<128xf32, #tpu.memory_space<vmem>>, vector<16xf32>,
    %barrier3A = arith.constant 0 : index
    tpu.barrier barrier_id(%barrier3A)
    "tpu.region"() ({
      %run_scoped3A = tpu.sem_alloc : memref<!tpu.dma_semaphore, #tpu.memory_space<semaphore_mem>>
      %dma_start3A = arith.constant 0 : i32
      %dma_start3A_304 = arith.constant 0 : i32
      %dma_start3A_305 = tpu.memref_slice %arg2[%arg0, %arg1, %dma_start3A, %dma_start3A_304] : memref<2x16x157x128xi32, #tpu.memory_space<hbm>> -> memref<1x1x157x128xi32, #tpu.memory_space<hbm>>
      %dma_start3A_306 = tpu.memref_squeeze %dma_start3A_305 : memref<1x1x157x128xi32, #tpu.memory_space<hbm>> -> memref<157x128xi32, #tpu.memory_space<hbm>>
      %dma_start3A_307 = arith.constant 0 : i32
      %dma_start3A_308 = arith.constant 0 : i32
      %dma_start3A_309 = tpu.memref_slice %arg2[%arg0, %arg1, %dma_start3A_307, %dma_start3A_308] : memref<2x16x157x128xi32, #tpu.memory_space<hbm>> -> memref<1x1x157x128xi32, #tpu.memory_space<hbm>>
      %dma_start3A_310 = tpu.memref_squeeze %dma_start3A_309 : memref<1x1x157x128xi32, #tpu.memory_space<hbm>> -> memref<157x128xi32, #tpu.memory_space<hbm>>
      tpu.enqueue_dma source(%dma_start3A_310 : memref<157x128xi32, #tpu.memory_space<hbm>>) target(%arg6 : memref<157x128xi32, #tpu.memory_space<vmem>>) target_semaphore(%run_scoped3A : memref<!tpu.dma_semaphore, #tpu.memory_space<semaphore_mem>>)
      %dma_wait3A = arith.constant 0 : i32
      %dma_wait3A_311 = arith.constant 0 : i32
      %dma_wait3A_312 = tpu.memref_slice %arg2[%arg0, %arg1, %dma_wait3A, %dma_wait3A_311] : memref<2x16x157x128xi32, #tpu.memory_space<hbm>> -> memref<1x1x157x128xi32, #tpu.memory_space<hbm>>
      %dma_wait3A_313 = tpu.memref_squeeze %dma_wait3A_312 : memref<1x1x157x128xi32, #tpu.memory_space<hbm>> -> memref<157x128xi32, #tpu.memory_space<hbm>>
      %dma_wait3A_314 = arith.constant 0 : i32
      %dma_wait3A_315 = arith.constant 0 : i32
      %dma_wait3A_316 = tpu.memref_slice %arg2[%arg0, %arg1, %dma_wait3A_314, %dma_wait3A_315] : memref<2x16x157x128xi32, #tpu.memory_space<hbm>> -> memref<1x1x157x128xi32, #tpu.memory_space<hbm>>
      %dma_wait3A_317 = tpu.memref_squeeze %dma_wait3A_316 : memref<1x1x157x128xi32, #tpu.memory_space<hbm>> -> memref<157x128xi32, #tpu.memory_space<hbm>>
      tpu.wait_dma2 semaphore(%run_scoped3A : memref<!tpu.dma_semaphore, #tpu.memory_space<semaphore_mem>>) src(%dma_wait3A_317 : memref<157x128xi32, #tpu.memory_space<hbm>>) dst(%arg6 : memref<157x128xi32, #tpu.memory_space<vmem>>)
      tpu.yield
    }) : () -> ()
    %scan3A = arith.constant 0 : i32
    %scan3A_287 = arith.constant 157 : i32
    %scan3A_288 = arith.addi %scan3A, %scan3A_287 : i32
    %scan3A_289 = arith.constant 1 : i32
    scf.for %scan3A_304 = %scan3A to %scan3A_288 step %scan3A_289  : i32 {
      %mul3A_305 = arith.constant 1 : i32
      %mul3A_306 = arith.muli %scan3A_304, %mul3A_305 : i32
      %add3A = arith.constant 0 : i32
      %add3A_307 = arith.addi %add3A, %mul3A_306 : i32
      %dma_start3A = arith.constant 0 : i32
      %dma_start3A_308 = tpu.memref_slice %arg6[%add3A_307, %dma_start3A] : memref<157x128xi32, #tpu.memory_space<vmem>> -> memref<1x128xi32, #tpu.memory_space<vmem>>
      %dma_start3A_309 = tpu.memref_squeeze %dma_start3A_308 : memref<1x128xi32, #tpu.memory_space<vmem>> -> memref<128xi32, #tpu.memory_space<vmem>>
      %dma_start3A_310 = arith.constant 0 : i32
      %dma_start3A_311 = tpu.memref_slice %arg10[%dma_start3A_310] : memref<10240xf32, #tpu.memory_space<vmem_shared>> -> memref<10240xf32, #tpu.memory_space<vmem_shared>>
      tpu.enqueue_indirect_dma source(%arg7 : memref<128xf32, #tpu.memory_space<vmem>>) target(%dma_start3A_311 : memref<10240xf32, #tpu.memory_space<vmem_shared>>) offsets(%dma_start3A_309 : memref<128xi32, #tpu.memory_space<vmem>>) semaphore(%arg11 : memref<!tpu.dma_semaphore, #tpu.memory_space<semaphore_mem>>) {add = true}
      %ge3A = arith.constant 16 : i32
      %ge3A_312 = arith.cmpi sge, %add3A_307, %ge3A : i32
      %convert_element_type3A_313 = arith.extui %ge3A_312 : i1 to i32
      %cond3A_314 = arith.constant 0 : i32
      %cond3A_315 = arith.cmpi ne, %convert_element_type3A_313, %cond3A_314 : i32
      scf.if %cond3A_315 {
        %dma_wait3A = arith.constant 0 : i32
        %dma_wait3A_316 = arith.constant 0 : i32
        %dma_wait3A_317 = tpu.memref_slice %arg6[%dma_wait3A, %dma_wait3A_316] : memref<157x128xi32, #tpu.memory_space<vmem>> -> memref<1x128xi32, #tpu.memory_space<vmem>>
        %dma_wait3A_318 = tpu.memref_squeeze %dma_wait3A_317 : memref<1x128xi32, #tpu.memory_space<vmem>> -> memref<128xi32, #tpu.memory_space<vmem>>
        %dma_wait3A_319 = arith.constant 0 : i32
        %dma_wait3A_320 = tpu.memref_slice %arg10[%dma_wait3A_319] : memref<10240xf32, #tpu.memory_space<vmem_shared>> -> memref<10240xf32, #tpu.memory_space<vmem_shared>>
        tpu.wait_indirect_dma semaphore(%arg11 : memref<!tpu.dma_semaphore, #tpu.memory_space<semaphore_mem>>) src(%arg7 : memref<128xf32, #tpu.memory_space<vmem>>) dst(%dma_wait3A_320 : memref<10240xf32, #tpu.memory_space<vmem_shared>>)
      } else {
      }
    }
    %scan3A_290 = arith.constant 157 : i32
    %scan3A_291 = arith.constant 0 : i32
    %scan3A_292 = arith.constant 16 : i32
    %scan3A_293 = arith.addi %scan3A_291, %scan3A_292 : i32
    %scan3A_294 = arith.constant 1 : i32
    scf.for %scan3A_304 = %scan3A_291 to %scan3A_293 step %scan3A_294  : i32 {
      %mul3A_305 = arith.constant 1 : i32
      %mul3A_306 = arith.muli %scan3A_304, %mul3A_305 : i32
      %add3A = arith.constant 0 : i32
      %add3A_307 = arith.addi %add3A, %mul3A_306 : i32
      %dma_wait3A = arith.constant 0 : i32
      %dma_wait3A_308 = arith.constant 0 : i32
      %dma_wait3A_309 = tpu.memref_slice %arg6[%dma_wait3A, %dma_wait3A_308] : memref<157x128xi32, #tpu.memory_space<vmem>> -> memref<1x128xi32, #tpu.memory_space<vmem>>
      %dma_wait3A_310 = tpu.memref_squeeze %dma_wait3A_309 : memref<1x128xi32, #tpu.memory_space<vmem>> -> memref<128xi32, #tpu.memory_space<vmem>>
      %dma_wait3A_311 = arith.constant 0 : i32
      %dma_wait3A_312 = tpu.memref_slice %arg10[%dma_wait3A_311] : memref<10240xf32, #tpu.memory_space<vmem_shared>> -> memref<10240xf32, #tpu.memory_space<vmem_shared>>
      tpu.wait_indirect_dma semaphore(%arg11 : memref<!tpu.dma_semaphore, #tpu.memory_space<semaphore_mem>>) src(%arg7 : memref<128xf32, #tpu.memory_space<vmem>>) dst(%dma_wait3A_312 : memref<10240xf32, #tpu.memory_space<vmem_shared>>)
    }
    %scan3A_295 = arith.constant 16 : i32
    %barrier3A_296 = arith.constant 0 : index
    tpu.barrier barrier_id(%barrier3A_296)
    "tpu.region"() ({
      %run_scoped3A = tpu.sem_alloc : memref<!tpu.dma_semaphore, #tpu.memory_space<semaphore_mem>>
      %dma_start3A = tpu.memref_slice %arg10[%mul3A_0] : memref<10240xf32, #tpu.memory_space<vmem_shared>> -> memref<640xf32, #tpu.memory_space<vmem_shared>>
      %dma_start3A_304 = tpu.memref_slice %arg10[%mul3A_0] : memref<10240xf32, #tpu.memory_space<vmem_shared>> -> memref<640xf32, #tpu.memory_space<vmem_shared>>
      tpu.enqueue_dma source(%dma_start3A_304 : memref<640xf32, #tpu.memory_space<vmem_shared>>) target(%arg8 : memref<640xf32, #tpu.memory_space<vmem>>) target_semaphore(%run_scoped3A : memref<!tpu.dma_semaphore, #tpu.memory_space<semaphore_mem>>)
      %dma_wait3A = tpu.memref_slice %arg10[%mul3A_0] : memref<10240xf32, #tpu.memory_space<vmem_shared>> -> memref<640xf32, #tpu.memory_space<vmem_shared>>
      %dma_wait3A_305 = tpu.memref_slice %arg10[%mul3A_0] : memref<10240xf32, #tpu.memory_space<vmem_shared>> -> memref<640xf32, #tpu.memory_space<vmem_shared>>
      tpu.wait_dma2 semaphore(%run_scoped3A : memref<!tpu.dma_semaphore, #tpu.memory_space<semaphore_mem>>) src(%dma_wait3A_305 : memref<640xf32, #tpu.memory_space<vmem_shared>>) dst(%arg8 : memref<640xf32, #tpu.memory_space<vmem>>)
      tpu.yield
    }) : () -> ()
    %scan3A_297 = arith.constant 0 : i32
    %scan3A_298 = arith.constant 40 : i32
    %scan3A_299 = arith.addi %scan3A_297, %scan3A_298 : i32
    %scan3A_300 = arith.constant 1 : i32
    scf.for %scan3A_304 = %scan3A_297 to %scan3A_299 step %scan3A_300  : i32 {
      %mul3A_305 = arith.constant 1 : i32
      %mul3A_306 = arith.muli %scan3A_304, %mul3A_305 : i32
      %add3A = arith.constant 0 : i32
      %add3A_307 = arith.addi %add3A, %mul3A_306 : i32
      %mul3A_308 = arith.constant 16 : i32
      %mul3A_309 = arith.muli %add3A_307, %mul3A_308 : i32
      %get3A = arith.index_cast %mul3A_309 : i32 to index
      %get3A_310 = tpu.vector_load %arg8[%get3A] {strides = array<i32>} : memref<640xf32, #tpu.memory_space<vmem>>, vector<16xf32>,
      %get3A_311 = vector.shape_cast %get3A_310 : vector<16xf32> to vector<16xf32>
      %max3A = arith.constant 1.000000e+00 : f32
      %max3A_312 = vector.broadcast %max3A : f32 to vector<16xf32>
      %max3A_313 = arith.maximumf %get3A_311, %max3A_312 : vector<16xf32>
      %bitcast_convert_type3A = tpu.bitcast %max3A_313 : vector<16xf32> -> vector<16xi32>
      %shift_right_logical3A = arith.constant 1 : i32
      %shift_right_logical3A_314 = vector.broadcast %shift_right_logical3A : i32 to vector<16xi32>
      %shift_right_logical3A_315 = arith.shrui %bitcast_convert_type3A, %shift_right_logical3A_314 : vector<16xi32>
      %sub3A = arith.constant 1597463007 : i32
      %sub3A_316 = vector.broadcast %sub3A : i32 to vector<16xi32>
      %sub3A_317 = arith.subi %sub3A_316, %shift_right_logical3A_315 : vector<16xi32>
      %bitcast_convert_type3A_318 = tpu.bitcast %sub3A_317 : vector<16xi32> -> vector<16xf32>
      %mul3A_319 = arith.constant 5.000000e-01 : f32
      %mul3A_320 = vector.broadcast %mul3A_319 : f32 to vector<16xf32>
      %mul3A_321 = arith.mulf %mul3A_320, %max3A_313 : vector<16xf32>
      %mul3A_322 = arith.mulf %mul3A_321, %bitcast_convert_type3A_318 : vector<16xf32>
      %mul3A_323 = arith.mulf %mul3A_322, %bitcast_convert_type3A_318 : vector<16xf32>
      %sub3A_324 = arith.constant 1.500000e+00 : f32
      %sub3A_325 = vector.broadcast %sub3A_324 : f32 to vector<16xf32>
      %sub3A_326 = arith.subf %sub3A_325, %mul3A_323 : vector<16xf32>
      %mul3A_327 = arith.mulf %bitcast_convert_type3A_318, %sub3A_326 : vector<16xf32>
      %mul3A_328 = arith.constant 5.000000e-01 : f32
      %mul3A_329 = vector.broadcast %mul3A_328 : f32 to vector<16xf32>
      %mul3A_330 = arith.mulf %mul3A_329, %max3A_313 : vector<16xf32>
      %mul3A_331 = arith.mulf %mul3A_330, %mul3A_327 : vector<16xf32>
      %mul3A_332 = arith.mulf %mul3A_331, %mul3A_327 : vector<16xf32>
      %sub3A_333 = arith.constant 1.500000e+00 : f32
      %sub3A_334 = vector.broadcast %sub3A_333 : f32 to vector<16xf32>
      %sub3A_335 = arith.subf %sub3A_334, %mul3A_332 : vector<16xf32>
      %mul3A_336 = arith.mulf %mul3A_327, %sub3A_335 : vector<16xf32>
      %mul3A_337 = arith.constant 5.000000e-01 : f32
      %mul3A_338 = vector.broadcast %mul3A_337 : f32 to vector<16xf32>
      %mul3A_339 = arith.mulf %mul3A_338, %max3A_313 : vector<16xf32>
      %mul3A_340 = arith.mulf %mul3A_339, %mul3A_336 : vector<16xf32>
      %mul3A_341 = arith.mulf %mul3A_340, %mul3A_336 : vector<16xf32>
      %sub3A_342 = arith.constant 1.500000e+00 : f32
      %sub3A_343 = vector.broadcast %sub3A_342 : f32 to vector<16xf32>
      %sub3A_344 = arith.subf %sub3A_343, %mul3A_341 : vector<16xf32>
      %mul3A_345 = arith.mulf %mul3A_336, %sub3A_344 : vector<16xf32>
      %mul3A_346 = arith.constant 16 : i32
      %mul3A_347 = arith.muli %add3A_307, %mul3A_346 : i32
      %swap3A_348 = arith.index_cast %mul3A_347 : i32 to index
      %swap3A_349 = tpu.vector_load %arg8[%swap3A_348] {strides = array<i32>} : memref<640xf32, #tpu.memory_space<vmem>>, vector<16xf32>,
      %swap3A_350 = vector.shape_cast %swap3A_349 : vector<16xf32> to vector<16xf32>
      %swap3A_351 = vector.shape_cast %mul3A_345 : vector<16xf32> to vector<16xf32>
      tpu.vector_store %arg8[%swap3A_348], %swap3A_351 {strides = array<i32>} : memref<640xf32, #tpu.memory_space<vmem>>, vector<16xf32>,
    }
    %scan3A_301 = arith.constant 40 : i32
    "tpu.region"() ({
      %run_scoped3A = tpu.sem_alloc : memref<!tpu.dma_semaphore, #tpu.memory_space<semaphore_mem>>
      %dma_start3A = tpu.memref_slice %arg5[%arg0, %mul3A_0] : memref<2x10240xf32, #tpu.memory_space<hbm>> -> memref<1x640xf32, #tpu.memory_space<hbm>>
      %dma_start3A_304 = tpu.memref_squeeze %dma_start3A : memref<1x640xf32, #tpu.memory_space<hbm>> -> memref<640xf32, #tpu.memory_space<hbm>>
      %dma_start3A_305 = tpu.memref_slice %arg5[%arg0, %mul3A_0] : memref<2x10240xf32, #tpu.memory_space<hbm>> -> memref<1x640xf32, #tpu.memory_space<hbm>>
      %dma_start3A_306 = tpu.memref_squeeze %dma_start3A_305 : memref<1x640xf32, #tpu.memory_space<hbm>> -> memref<640xf32, #tpu.memory_space<hbm>>
      tpu.enqueue_dma source(%arg8 : memref<640xf32, #tpu.memory_space<vmem>>) target(%dma_start3A_306 : memref<640xf32, #tpu.memory_space<hbm>>) target_semaphore(%run_scoped3A : memref<!tpu.dma_semaphore, #tpu.memory_space<semaphore_mem>>)
      %dma_wait3A = tpu.memref_slice %arg5[%arg0, %mul3A_0] : memref<2x10240xf32, #tpu.memory_space<hbm>> -> memref<1x640xf32, #tpu.memory_space<hbm>>
      %dma_wait3A_307 = tpu.memref_squeeze %dma_wait3A : memref<1x640xf32, #tpu.memory_space<hbm>> -> memref<640xf32, #tpu.memory_space<hbm>>
      %dma_wait3A_308 = tpu.memref_slice %arg5[%arg0, %mul3A_0] : memref<2x10240xf32, #tpu.memory_space<hbm>> -> memref<1x640xf32, #tpu.memory_space<hbm>>
      %dma_wait3A_309 = tpu.memref_squeeze %dma_wait3A_308 : memref<1x640xf32, #tpu.memory_space<hbm>> -> memref<640xf32, #tpu.memory_space<hbm>>
      tpu.wait_dma2 semaphore(%run_scoped3A : memref<!tpu.dma_semaphore, #tpu.memory_space<semaphore_mem>>) src(%arg8 : memref<640xf32, #tpu.memory_space<vmem>>) dst(%dma_wait3A_309 : memref<640xf32, #tpu.memory_space<hbm>>)
      tpu.yield
    }) : () -> ()
    %eq3A = arith.constant 0 : i32
    %eq3A_302 = arith.cmpi eq, %arg0, %eq3A : i32
    %convert_element_type3A = arith.extui %eq3A_302 : i1 to i32
    %cond3A = arith.constant 0 : i32
    %cond3A_303 = arith.cmpi ne, %convert_element_type3A, %cond3A : i32
    scf.if %cond3A_303 {
      %scan3A_304 = arith.constant 0 : i32
      %scan3A_305 = arith.constant 10 : i32
      %scan3A_306 = arith.addi %scan3A_304, %scan3A_305 : i32
      %scan3A_307 = arith.constant 1 : i32
      scf.for %scan3A_309 = %scan3A_304 to %scan3A_306 step %scan3A_307  : i32 {
        %mul3A_310 = arith.constant 1 : i32
        %mul3A_311 = arith.muli %scan3A_309, %mul3A_310 : i32
        %add3A = arith.constant 0 : i32
        %add3A_312 = arith.addi %add3A, %mul3A_311 : i32
        %mul3A_313 = arith.constant 64 : i32
        %mul3A_314 = arith.muli %add3A_312, %mul3A_313 : i32
        %add3A_315 = arith.addi %mul3A_0, %mul3A_314 : i32
        "tpu.region"() ({
          %run_scoped3A = tpu.sem_alloc : memref<!tpu.dma_semaphore, #tpu.memory_space<semaphore_mem>>
          %dma_start3A = arith.constant 0 : i32
          %dma_start3A_321 = tpu.memref_slice %arg3[%add3A_315, %dma_start3A] : memref<10240x128xf32, #tpu.memory_space<hbm>> -> memref<64x128xf32, #tpu.memory_space<hbm>>
          %dma_start3A_322 = arith.constant 0 : i32
          %dma_start3A_323 = tpu.memref_slice %arg3[%add3A_315, %dma_start3A_322] : memref<10240x128xf32, #tpu.memory_space<hbm>> -> memref<64x128xf32, #tpu.memory_space<hbm>>
          tpu.enqueue_dma source(%dma_start3A_323 : memref<64x128xf32, #tpu.memory_space<hbm>>) target(%arg9 : memref<64x128xf32, #tpu.memory_space<vmem>>) target_semaphore(%run_scoped3A : memref<!tpu.dma_semaphore, #tpu.memory_space<semaphore_mem>>)
          %dma_wait3A = arith.constant 0 : i32
          %dma_wait3A_324 = tpu.memref_slice %arg3[%add3A_315, %dma_wait3A] : memref<10240x128xf32, #tpu.memory_space<hbm>> -> memref<64x128xf32, #tpu.memory_space<hbm>>
          %dma_wait3A_325 = arith.constant 0 : i32
          %dma_wait3A_326 = tpu.memref_slice %arg3[%add3A_315, %dma_wait3A_325] : memref<10240x128xf32, #tpu.memory_space<hbm>> -> memref<64x128xf32, #tpu.memory_space<hbm>>
          tpu.wait_dma2 semaphore(%run_scoped3A : memref<!tpu.dma_semaphore, #tpu.memory_space<semaphore_mem>>) src(%dma_wait3A_326 : memref<64x128xf32, #tpu.memory_space<hbm>>) dst(%arg9 : memref<64x128xf32, #tpu.memory_space<vmem>>)
          tpu.yield
        }) : () -> ()
        %scan3A_316 = arith.constant 0 : i32
        %scan3A_317 = arith.constant 4 : i32
        %scan3A_318 = arith.addi %scan3A_316, %scan3A_317 : i32
        %scan3A_319 = arith.constant 1 : i32
        scf.for %scan3A_321 = %scan3A_316 to %scan3A_318 step %scan3A_319  : i32 {
          %mul3A_322 = arith.constant 1 : i32
          %mul3A_323 = arith.muli %scan3A_321, %mul3A_322 : i32
          %add3A_324 = arith.constant 0 : i32
          %add3A_325 = arith.addi %add3A_324, %mul3A_323 : i32
          %mul3A_326 = arith.constant 64 : i32
          %mul3A_327 = arith.muli %add3A_312, %mul3A_326 : i32
          %mul3A_328 = arith.constant 16 : i32
          %mul3A_329 = arith.muli %add3A_325, %mul3A_328 : i32
          %add3A_330 = arith.addi %mul3A_327, %mul3A_329 : i32
          %get3A = arith.index_cast %add3A_330 : i32 to index
          %get3A_331 = tpu.vector_load %arg8[%get3A] {strides = array<i32>} : memref<640xf32, #tpu.memory_space<vmem>>, vector<16xf32>,
          %get3A_332 = vector.shape_cast %get3A_331 : vector<16xf32> to vector<16xf32>
          %slice3A = vector.extract_strided_slice %get3A_332 {offsets = [0], sizes = [1], strides = [1]} : vector<16xf32> to vector<1xf32>
          %squeeze3A = vector.extract %slice3A[0] : f32 from vector<1xf32>
          %broadcast_in_dim3A_333 = vector.broadcast %squeeze3A : f32 to vector<16xf32>
          %mul3A_334 = arith.constant 16 : i32
          %mul3A_335 = arith.muli %add3A_325, %mul3A_334 : i32
          %add3A_336 = arith.constant 0 : i32
          %add3A_337 = arith.addi %mul3A_335, %add3A_336 : i32
          %get3A_338 = arith.index_cast %add3A_337 : i32 to index
          %get3A_339 = arith.constant 0 : index
          %get3A_340 = tpu.vector_load %arg9[%get3A_338, %get3A_339] {strides = array<i32>} : memref<64x128xf32, #tpu.memory_space<vmem>>, vector<1x16xf32>,
          %get3A_341 = vector.shape_cast %get3A_340 : vector<1x16xf32> to vector<16xf32>
          %mul3A_342 = arith.mulf %get3A_341, %broadcast_in_dim3A_333 : vector<16xf32>
          %swap3A_343 = arith.index_cast %add3A_337 : i32 to index
          %swap3A_344 = arith.constant 0 : index
          %swap3A_345 = tpu.vector_load %arg9[%swap3A_343, %swap3A_344] {strides = array<i32>} : memref<64x128xf32, #tpu.memory_space<vmem>>, vector<1x16xf32>,
          %swap3A_346 = vector.shape_cast %swap3A_345 : vector<1x16xf32> to vector<16xf32>
          %swap3A_347 = vector.shape_cast %mul3A_342 : vector<16xf32> to vector<1x16xf32>
          tpu.vector_store %arg9[%swap3A_343, %swap3A_344], %swap3A_347 {strides = array<i32>} : memref<64x128xf32, #tpu.memory_space<vmem>>, vector<1x16xf32>,
          %get3A_348 = arith.index_cast %add3A_337 : i32 to index
          %get3A_349 = arith.constant 16 : index
          %get3A_350 = tpu.vector_load %arg9[%get3A_348, %get3A_349] {strides = array<i32>} : memref<64x128xf32, #tpu.memory_space<vmem>>, vector<1x16xf32>,
          %get3A_351 = vector.shape_cast %get3A_350 : vector<1x16xf32> to vector<16xf32>
          %mul3A_352 = arith.mulf %get3A_351, %broadcast_in_dim3A_333 : vector<16xf32>
          %swap3A_353 = arith.index_cast %add3A_337 : i32 to index
          %swap3A_354 = arith.constant 16 : index
          %swap3A_355 = tpu.vector_load %arg9[%swap3A_353, %swap3A_354] {strides = array<i32>} : memref<64x128xf32, #tpu.memory_space<vmem>>, vector<1x16xf32>,
          %swap3A_356 = vector.shape_cast %swap3A_355 : vector<1x16xf32> to vector<16xf32>
          %swap3A_357 = vector.shape_cast %mul3A_352 : vector<16xf32> to vector<1x16xf32>
          tpu.vector_store %arg9[%swap3A_353, %swap3A_354], %swap3A_357 {strides = array<i32>} : memref<64x128xf32, #tpu.memory_space<vmem>>, vector<1x16xf32>,
          %get3A_358 = arith.index_cast %add3A_337 : i32 to index
          %get3A_359 = arith.constant 32 : index
          %get3A_360 = tpu.vector_load %arg9[%get3A_358, %get3A_359] {strides = array<i32>} : memref<64x128xf32, #tpu.memory_space<vmem>>, vector<1x16xf32>,
          %get3A_361 = vector.shape_cast %get3A_360 : vector<1x16xf32> to vector<16xf32>
          %mul3A_362 = arith.mulf %get3A_361, %broadcast_in_dim3A_333 : vector<16xf32>
          %swap3A_363 = arith.index_cast %add3A_337 : i32 to index
          %swap3A_364 = arith.constant 32 : index
          %swap3A_365 = tpu.vector_load %arg9[%swap3A_363, %swap3A_364] {strides = array<i32>} : memref<64x128xf32, #tpu.memory_space<vmem>>, vector<1x16xf32>,
          %swap3A_366 = vector.shape_cast %swap3A_365 : vector<1x16xf32> to vector<16xf32>
          %swap3A_367 = vector.shape_cast %mul3A_362 : vector<16xf32> to vector<1x16xf32>
          tpu.vector_store %arg9[%swap3A_363, %swap3A_364], %swap3A_367 {strides = array<i32>} : memref<64x128xf32, #tpu.memory_space<vmem>>, vector<1x16xf32>,
          %get3A_368 = arith.index_cast %add3A_337 : i32 to index
          %get3A_369 = arith.constant 48 : index
          %get3A_370 = tpu.vector_load %arg9[%get3A_368, %get3A_369] {strides = array<i32>} : memref<64x128xf32, #tpu.memory_space<vmem>>, vector<1x16xf32>,
          %get3A_371 = vector.shape_cast %get3A_370 : vector<1x16xf32> to vector<16xf32>
          %mul3A_372 = arith.mulf %get3A_371, %broadcast_in_dim3A_333 : vector<16xf32>
          %swap3A_373 = arith.index_cast %add3A_337 : i32 to index
          %swap3A_374 = arith.constant 48 : index
          %swap3A_375 = tpu.vector_load %arg9[%swap3A_373, %swap3A_374] {strides = array<i32>} : memref<64x128xf32, #tpu.memory_space<vmem>>, vector<1x16xf32>,
          %swap3A_376 = vector.shape_cast %swap3A_375 : vector<1x16xf32> to vector<16xf32>
          %swap3A_377 = vector.shape_cast %mul3A_372 : vector<16xf32> to vector<1x16xf32>
          tpu.vector_store %arg9[%swap3A_373, %swap3A_374], %swap3A_377 {strides = array<i32>} : memref<64x128xf32, #tpu.memory_space<vmem>>, vector<1x16xf32>,
          %get3A_378 = arith.index_cast %add3A_337 : i32 to index
          %get3A_379 = arith.constant 64 : index
          %get3A_380 = tpu.vector_load %arg9[%get3A_378, %get3A_379] {strides = array<i32>} : memref<64x128xf32, #tpu.memory_space<vmem>>, vector<1x16xf32>,
          %get3A_381 = vector.shape_cast %get3A_380 : vector<1x16xf32> to vector<16xf32>
          %mul3A_382 = arith.mulf %get3A_381, %broadcast_in_dim3A_333 : vector<16xf32>
          %swap3A_383 = arith.index_cast %add3A_337 : i32 to index
          %swap3A_384 = arith.constant 64 : index
          %swap3A_385 = tpu.vector_load %arg9[%swap3A_383, %swap3A_384] {strides = array<i32>} : memref<64x128xf32, #tpu.memory_space<vmem>>, vector<1x16xf32>,
          %swap3A_386 = vector.shape_cast %swap3A_385 : vector<1x16xf32> to vector<16xf32>
          %swap3A_387 = vector.shape_cast %mul3A_382 : vector<16xf32> to vector<1x16xf32>
          tpu.vector_store %arg9[%swap3A_383, %swap3A_384], %swap3A_387 {strides = array<i32>} : memref<64x128xf32, #tpu.memory_space<vmem>>, vector<1x16xf32>,
          %get3A_388 = arith.index_cast %add3A_337 : i32 to index
          %get3A_389 = arith.constant 80 : index
          %get3A_390 = tpu.vector_load %arg9[%get3A_388, %get3A_389] {strides = array<i32>} : memref<64x128xf32, #tpu.memory_space<vmem>>, vector<1x16xf32>,
          %get3A_391 = vector.shape_cast %get3A_390 : vector<1x16xf32> to vector<16xf32>
          %mul3A_392 = arith.mulf %get3A_391, %broadcast_in_dim3A_333 : vector<16xf32>
          %swap3A_393 = arith.index_cast %add3A_337 : i32 to index
          %swap3A_394 = arith.constant 80 : index
          %swap3A_395 = tpu.vector_load %arg9[%swap3A_393, %swap3A_394] {strides = array<i32>} : memref<64x128xf32, #tpu.memory_space<vmem>>, vector<1x16xf32>,
          %swap3A_396 = vector.shape_cast %swap3A_395 : vector<1x16xf32> to vector<16xf32>
          %swap3A_397 = vector.shape_cast %mul3A_392 : vector<16xf32> to vector<1x16xf32>
          tpu.vector_store %arg9[%swap3A_393, %swap3A_394], %swap3A_397 {strides = array<i32>} : memref<64x128xf32, #tpu.memory_space<vmem>>, vector<1x16xf32>,
          %get3A_398 = arith.index_cast %add3A_337 : i32 to index
          %get3A_399 = arith.constant 96 : index
          %get3A_400 = tpu.vector_load %arg9[%get3A_398, %get3A_399] {strides = array<i32>} : memref<64x128xf32, #tpu.memory_space<vmem>>, vector<1x16xf32>,
          %get3A_401 = vector.shape_cast %get3A_400 : vector<1x16xf32> to vector<16xf32>
          %mul3A_402 = arith.mulf %get3A_401, %broadcast_in_dim3A_333 : vector<16xf32>
          %swap3A_403 = arith.index_cast %add3A_337 : i32 to index
          %swap3A_404 = arith.constant 96 : index
          %swap3A_405 = tpu.vector_load %arg9[%swap3A_403, %swap3A_404] {strides = array<i32>} : memref<64x128xf32, #tpu.memory_space<vmem>>, vector<1x16xf32>,
          %swap3A_406 = vector.shape_cast %swap3A_405 : vector<1x16xf32> to vector<16xf32>
          %swap3A_407 = vector.shape_cast %mul3A_402 : vector<16xf32> to vector<1x16xf32>
          tpu.vector_store %arg9[%swap3A_403, %swap3A_404], %swap3A_407 {strides = array<i32>} : memref<64x128xf32, #tpu.memory_space<vmem>>, vector<1x16xf32>,
          %get3A_408 = arith.index_cast %add3A_337 : i32 to index
          %get3A_409 = arith.constant 112 : index
          %get3A_410 = tpu.vector_load %arg9[%get3A_408, %get3A_409] {strides = array<i32>} : memref<64x128xf32, #tpu.memory_space<vmem>>, vector<1x16xf32>,
          %get3A_411 = vector.shape_cast %get3A_410 : vector<1x16xf32> to vector<16xf32>
          %mul3A_412 = arith.mulf %get3A_411, %broadcast_in_dim3A_333 : vector<16xf32>
          %swap3A_413 = arith.index_cast %add3A_337 : i32 to index
          %swap3A_414 = arith.constant 112 : index
          %swap3A_415 = tpu.vector_load %arg9[%swap3A_413, %swap3A_414] {strides = array<i32>} : memref<64x128xf32, #tpu.memory_space<vmem>>, vector<1x16xf32>,
          %swap3A_416 = vector.shape_cast %swap3A_415 : vector<1x16xf32> to vector<16xf32>
          %swap3A_417 = vector.shape_cast %mul3A_412 : vector<16xf32> to vector<1x16xf32>
          tpu.vector_store %arg9[%swap3A_413, %swap3A_414], %swap3A_417 {strides = array<i32>} : memref<64x128xf32, #tpu.memory_space<vmem>>, vector<1x16xf32>,
          %slice3A_418 = vector.extract_strided_slice %get3A_332 {offsets = [1], sizes = [1], strides = [1]} : vector<16xf32> to vector<1xf32>
          %squeeze3A_419 = vector.extract %slice3A_418[0] : f32 from vector<1xf32>
          %broadcast_in_dim3A_420 = vector.broadcast %squeeze3A_419 : f32 to vector<16xf32>
          %mul3A_421 = arith.constant 16 : i32
          %mul3A_422 = arith.muli %add3A_325, %mul3A_421 : i32
          %add3A_423 = arith.constant 1 : i32
          %add3A_424 = arith.addi %mul3A_422, %add3A_423 : i32
          %get3A_425 = arith.index_cast %add3A_424 : i32 to index
          %get3A_426 = arith.constant 0 : index
          %get3A_427 = tpu.vector_load %arg9[%get3A_425, %get3A_426] {strides = array<i32>} : memref<64x128xf32, #tpu.memory_space<vmem>>, vector<1x16xf32>,
          %get3A_428 = vector.shape_cast %get3A_427 : vector<1x16xf32> to vector<16xf32>
          %mul3A_429 = arith.mulf %get3A_428, %broadcast_in_dim3A_420 : vector<16xf32>
          %swap3A_430 = arith.index_cast %add3A_424 : i32 to index
          %swap3A_431 = arith.constant 0 : index
          %swap3A_432 = tpu.vector_load %arg9[%swap3A_430, %swap3A_431] {strides = array<i32>} : memref<64x128xf32, #tpu.memory_space<vmem>>, vector<1x16xf32>,
          %swap3A_433 = vector.shape_cast %swap3A_432 : vector<1x16xf32> to vector<16xf32>
          %swap3A_434 = vector.shape_cast %mul3A_429 : vector<16xf32> to vector<1x16xf32>
          tpu.vector_store %arg9[%swap3A_430, %swap3A_431], %swap3A_434 {strides = array<i32>} : memref<64x128xf32, #tpu.memory_space<vmem>>, vector<1x16xf32>,
          %get3A_435 = arith.index_cast %add3A_424 : i32 to index
          %get3A_436 = arith.constant 16 : index
          %get3A_437 = tpu.vector_load %arg9[%get3A_435, %get3A_436] {strides = array<i32>} : memref<64x128xf32, #tpu.memory_space<vmem>>, vector<1x16xf32>,
          %get3A_438 = vector.shape_cast %get3A_437 : vector<1x16xf32> to vector<16xf32>
          %mul3A_439 = arith.mulf %get3A_438, %broadcast_in_dim3A_420 : vector<16xf32>
          %swap3A_440 = arith.index_cast %add3A_424 : i32 to index
          %swap3A_441 = arith.constant 16 : index
          %swap3A_442 = tpu.vector_load %arg9[%swap3A_440, %swap3A_441] {strides = array<i32>} : memref<64x128xf32, #tpu.memory_space<vmem>>, vector<1x16xf32>,
          %swap3A_443 = vector.shape_cast %swap3A_442 : vector<1x16xf32> to vector<16xf32>
          %swap3A_444 = vector.shape_cast %mul3A_439 : vector<16xf32> to vector<1x16xf32>
          tpu.vector_store %arg9[%swap3A_440, %swap3A_441], %swap3A_444 {strides = array<i32>} : memref<64x128xf32, #tpu.memory_space<vmem>>, vector<1x16xf32>,
          %get3A_445 = arith.index_cast %add3A_424 : i32 to index
          %get3A_446 = arith.constant 32 : index
          %get3A_447 = tpu.vector_load %arg9[%get3A_445, %get3A_446] {strides = array<i32>} : memref<64x128xf32, #tpu.memory_space<vmem>>, vector<1x16xf32>,
          %get3A_448 = vector.shape_cast %get3A_447 : vector<1x16xf32> to vector<16xf32>
          %mul3A_449 = arith.mulf %get3A_448, %broadcast_in_dim3A_420 : vector<16xf32>
          %swap3A_450 = arith.index_cast %add3A_424 : i32 to index
          %swap3A_451 = arith.constant 32 : index
          %swap3A_452 = tpu.vector_load %arg9[%swap3A_450, %swap3A_451] {strides = array<i32>} : memref<64x128xf32, #tpu.memory_space<vmem>>, vector<1x16xf32>,
          %swap3A_453 = vector.shape_cast %swap3A_452 : vector<1x16xf32> to vector<16xf32>
          %swap3A_454 = vector.shape_cast %mul3A_449 : vector<16xf32> to vector<1x16xf32>
          tpu.vector_store %arg9[%swap3A_450, %swap3A_451], %swap3A_454 {strides = array<i32>} : memref<64x128xf32, #tpu.memory_space<vmem>>, vector<1x16xf32>,
          %get3A_455 = arith.index_cast %add3A_424 : i32 to index
          %get3A_456 = arith.constant 48 : index
          %get3A_457 = tpu.vector_load %arg9[%get3A_455, %get3A_456] {strides = array<i32>} : memref<64x128xf32, #tpu.memory_space<vmem>>, vector<1x16xf32>,
          %get3A_458 = vector.shape_cast %get3A_457 : vector<1x16xf32> to vector<16xf32>
          %mul3A_459 = arith.mulf %get3A_458, %broadcast_in_dim3A_420 : vector<16xf32>
          %swap3A_460 = arith.index_cast %add3A_424 : i32 to index
          %swap3A_461 = arith.constant 48 : index
          %swap3A_462 = tpu.vector_load %arg9[%swap3A_460, %swap3A_461] {strides = array<i32>} : memref<64x128xf32, #tpu.memory_space<vmem>>, vector<1x16xf32>,
          %swap3A_463 = vector.shape_cast %swap3A_462 : vector<1x16xf32> to vector<16xf32>
          %swap3A_464 = vector.shape_cast %mul3A_459 : vector<16xf32> to vector<1x16xf32>
          tpu.vector_store %arg9[%swap3A_460, %swap3A_461], %swap3A_464 {strides = array<i32>} : memref<64x128xf32, #tpu.memory_space<vmem>>, vector<1x16xf32>,
          %get3A_465 = arith.index_cast %add3A_424 : i32 to index
          %get3A_466 = arith.constant 64 : index
          %get3A_467 = tpu.vector_load %arg9[%get3A_465, %get3A_466] {strides = array<i32>} : memref<64x128xf32, #tpu.memory_space<vmem>>, vector<1x16xf32>,
          %get3A_468 = vector.shape_cast %get3A_467 : vector<1x16xf32> to vector<16xf32>
          %mul3A_469 = arith.mulf %get3A_468, %broadcast_in_dim3A_420 : vector<16xf32>
          %swap3A_470 = arith.index_cast %add3A_424 : i32 to index
          %swap3A_471 = arith.constant 64 : index
          %swap3A_472 = tpu.vector_load %arg9[%swap3A_470, %swap3A_471] {strides = array<i32>} : memref<64x128xf32, #tpu.memory_space<vmem>>, vector<1x16xf32>,
          %swap3A_473 = vector.shape_cast %swap3A_472 : vector<1x16xf32> to vector<16xf32>
          %swap3A_474 = vector.shape_cast %mul3A_469 : vector<16xf32> to vector<1x16xf32>
          tpu.vector_store %arg9[%swap3A_470, %swap3A_471], %swap3A_474 {strides = array<i32>} : memref<64x128xf32, #tpu.memory_space<vmem>>, vector<1x16xf32>,
          %get3A_475 = arith.index_cast %add3A_424 : i32 to index
          %get3A_476 = arith.constant 80 : index
          %get3A_477 = tpu.vector_load %arg9[%get3A_475, %get3A_476] {strides = array<i32>} : memref<64x128xf32, #tpu.memory_space<vmem>>, vector<1x16xf32>,
          %get3A_478 = vector.shape_cast %get3A_477 : vector<1x16xf32> to vector<16xf32>
          %mul3A_479 = arith.mulf %get3A_478, %broadcast_in_dim3A_420 : vector<16xf32>
          %swap3A_480 = arith.index_cast %add3A_424 : i32 to index
          %swap3A_481 = arith.constant 80 : index
          %swap3A_482 = tpu.vector_load %arg9[%swap3A_480, %swap3A_481] {strides = array<i32>} : memref<64x128xf32, #tpu.memory_space<vmem>>, vector<1x16xf32>,
          %swap3A_483 = vector.shape_cast %swap3A_482 : vector<1x16xf32> to vector<16xf32>
          %swap3A_484 = vector.shape_cast %mul3A_479 : vector<16xf32> to vector<1x16xf32>
          tpu.vector_store %arg9[%swap3A_480, %swap3A_481], %swap3A_484 {strides = array<i32>} : memref<64x128xf32, #tpu.memory_space<vmem>>, vector<1x16xf32>,
          %get3A_485 = arith.index_cast %add3A_424 : i32 to index
          %get3A_486 = arith.constant 96 : index
          %get3A_487 = tpu.vector_load %arg9[%get3A_485, %get3A_486] {strides = array<i32>} : memref<64x128xf32, #tpu.memory_space<vmem>>, vector<1x16xf32>,
          %get3A_488 = vector.shape_cast %get3A_487 : vector<1x16xf32> to vector<16xf32>
          %mul3A_489 = arith.mulf %get3A_488, %broadcast_in_dim3A_420 : vector<16xf32>
          %swap3A_490 = arith.index_cast %add3A_424 : i32 to index
          %swap3A_491 = arith.constant 96 : index
          %swap3A_492 = tpu.vector_load %arg9[%swap3A_490, %swap3A_491] {strides = array<i32>} : memref<64x128xf32, #tpu.memory_space<vmem>>, vector<1x16xf32>,
          %swap3A_493 = vector.shape_cast %swap3A_492 : vector<1x16xf32> to vector<16xf32>
          %swap3A_494 = vector.shape_cast %mul3A_489 : vector<16xf32> to vector<1x16xf32>
          tpu.vector_store %arg9[%swap3A_490, %swap3A_491], %swap3A_494 {strides = array<i32>} : memref<64x128xf32, #tpu.memory_space<vmem>>, vector<1x16xf32>,
          %get3A_495 = arith.index_cast %add3A_424 : i32 to index
          %get3A_496 = arith.constant 112 : index
          %get3A_497 = tpu.vector_load %arg9[%get3A_495, %get3A_496] {strides = array<i32>} : memref<64x128xf32, #tpu.memory_space<vmem>>, vector<1x16xf32>,
          %get3A_498 = vector.shape_cast %get3A_497 : vector<1x16xf32> to vector<16xf32>
          %mul3A_499 = arith.mulf %get3A_498, %broadcast_in_dim3A_420 : vector<16xf32>
          %swap3A_500 = arith.index_cast %add3A_424 : i32 to index
          %swap3A_501 = arith.constant 112 : index
          %swap3A_502 = tpu.vector_load %arg9[%swap3A_500, %swap3A_501] {strides = array<i32>} : memref<64x128xf32, #tpu.memory_space<vmem>>, vector<1x16xf32>,
          %swap3A_503 = vector.shape_cast %swap3A_502 : vector<1x16xf32> to vector<16xf32>
          %swap3A_504 = vector.shape_cast %mul3A_499 : vector<16xf32> to vector<1x16xf32>
          tpu.vector_store %arg9[%swap3A_500, %swap3A_501], %swap3A_504 {strides = array<i32>} : memref<64x128xf32, #tpu.memory_space<vmem>>, vector<1x16xf32>,
          %slice3A_505 = vector.extract_strided_slice %get3A_332 {offsets = [2], sizes = [1], strides = [1]} : vector<16xf32> to vector<1xf32>
          %squeeze3A_506 = vector.extract %slice3A_505[0] : f32 from vector<1xf32>
          %broadcast_in_dim3A_507 = vector.broadcast %squeeze3A_506 : f32 to vector<16xf32>
          %mul3A_508 = arith.constant 16 : i32
          %mul3A_509 = arith.muli %add3A_325, %mul3A_508 : i32
          %add3A_510 = arith.constant 2 : i32
          %add3A_511 = arith.addi %mul3A_509, %add3A_510 : i32
          %get3A_512 = arith.index_cast %add3A_511 : i32 to index
          %get3A_513 = arith.constant 0 : index
          %get3A_514 = tpu.vector_load %arg9[%get3A_512, %get3A_513] {strides = array<i32>} : memref<64x128xf32, #tpu.memory_space<vmem>>, vector<1x16xf32>,
          %get3A_515 = vector.shape_cast %get3A_514 : vector<1x16xf32> to vector<16xf32>
          %mul3A_516 = arith.mulf %get3A_515, %broadcast_in_dim3A_507 : vector<16xf32>
          %swap3A_517 = arith.index_cast %add3A_511 : i32 to index
          %swap3A_518 = arith.constant 0 : index
          %swap3A_519 = tpu.vector_load %arg9[%swap3A_517, %swap3A_518] {strides = array<i32>} : memref<64x128xf32, #tpu.memory_space<vmem>>, vector<1x16xf32>,
          %swap3A_520 = vector.shape_cast %swap3A_519 : vector<1x16xf32> to vector<16xf32>
          %swap3A_521 = vector.shape_cast %mul3A_516 : vector<16xf32> to vector<1x16xf32>
          tpu.vector_store %arg9[%swap3A_517, %swap3A_518], %swap3A_521 {strides = array<i32>} : memref<64x128xf32, #tpu.memory_space<vmem>>, vector<1x16xf32>,
          %get3A_522 = arith.index_cast %add3A_511 : i32 to index
          %get3A_523 = arith.constant 16 : index
          %get3A_524 = tpu.vector_load %arg9[%get3A_522, %get3A_523] {strides = array<i32>} : memref<64x128xf32, #tpu.memory_space<vmem>>, vector<1x16xf32>,
          %get3A_525 = vector.shape_cast %get3A_524 : vector<1x16xf32> to vector<16xf32>
          %mul3A_526 = arith.mulf %get3A_525, %broadcast_in_dim3A_507 : vector<16xf32>
          %swap3A_527 = arith.index_cast %add3A_511 : i32 to index
          %swap3A_528 = arith.constant 16 : index
          %swap3A_529 = tpu.vector_load %arg9[%swap3A_527, %swap3A_528] {strides = array<i32>} : memref<64x128xf32, #tpu.memory_space<vmem>>, vector<1x16xf32>,
          %swap3A_530 = vector.shape_cast %swap3A_529 : vector<1x16xf32> to vector<16xf32>
          %swap3A_531 = vector.shape_cast %mul3A_526 : vector<16xf32> to vector<1x16xf32>
          tpu.vector_store %arg9[%swap3A_527, %swap3A_528], %swap3A_531 {strides = array<i32>} : memref<64x128xf32, #tpu.memory_space<vmem>>, vector<1x16xf32>,
          %get3A_532 = arith.index_cast %add3A_511 : i32 to index
          %get3A_533 = arith.constant 32 : index
          %get3A_534 = tpu.vector_load %arg9[%get3A_532, %get3A_533] {strides = array<i32>} : memref<64x128xf32, #tpu.memory_space<vmem>>, vector<1x16xf32>,
          %get3A_535 = vector.shape_cast %get3A_534 : vector<1x16xf32> to vector<16xf32>
          %mul3A_536 = arith.mulf %get3A_535, %broadcast_in_dim3A_507 : vector<16xf32>
          %swap3A_537 = arith.index_cast %add3A_511 : i32 to index
          %swap3A_538 = arith.constant 32 : index
          %swap3A_539 = tpu.vector_load %arg9[%swap3A_537, %swap3A_538] {strides = array<i32>} : memref<64x128xf32, #tpu.memory_space<vmem>>, vector<1x16xf32>,
          %swap3A_540 = vector.shape_cast %swap3A_539 : vector<1x16xf32> to vector<16xf32>
          %swap3A_541 = vector.shape_cast %mul3A_536 : vector<16xf32> to vector<1x16xf32>
          tpu.vector_store %arg9[%swap3A_537, %swap3A_538], %swap3A_541 {strides = array<i32>} : memref<64x128xf32, #tpu.memory_space<vmem>>, vector<1x16xf32>,
          %get3A_542 = arith.index_cast %add3A_511 : i32 to index
          %get3A_543 = arith.constant 48 : index
          %get3A_544 = tpu.vector_load %arg9[%get3A_542, %get3A_543] {strides = array<i32>} : memref<64x128xf32, #tpu.memory_space<vmem>>, vector<1x16xf32>,
          %get3A_545 = vector.shape_cast %get3A_544 : vector<1x16xf32> to vector<16xf32>
          %mul3A_546 = arith.mulf %get3A_545, %broadcast_in_dim3A_507 : vector<16xf32>
          %swap3A_547 = arith.index_cast %add3A_511 : i32 to index
          %swap3A_548 = arith.constant 48 : index
          %swap3A_549 = tpu.vector_load %arg9[%swap3A_547, %swap3A_548] {strides = array<i32>} : memref<64x128xf32, #tpu.memory_space<vmem>>, vector<1x16xf32>,
          %swap3A_550 = vector.shape_cast %swap3A_549 : vector<1x16xf32> to vector<16xf32>
          %swap3A_551 = vector.shape_cast %mul3A_546 : vector<16xf32> to vector<1x16xf32>
          tpu.vector_store %arg9[%swap3A_547, %swap3A_548], %swap3A_551 {strides = array<i32>} : memref<64x128xf32, #tpu.memory_space<vmem>>, vector<1x16xf32>,
          %get3A_552 = arith.index_cast %add3A_511 : i32 to index
          %get3A_553 = arith.constant 64 : index
          %get3A_554 = tpu.vector_load %arg9[%get3A_552, %get3A_553] {strides = array<i32>} : memref<64x128xf32, #tpu.memory_space<vmem>>, vector<1x16xf32>,
          %get3A_555 = vector.shape_cast %get3A_554 : vector<1x16xf32> to vector<16xf32>
          %mul3A_556 = arith.mulf %get3A_555, %broadcast_in_dim3A_507 : vector<16xf32>
          %swap3A_557 = arith.index_cast %add3A_511 : i32 to index
          %swap3A_558 = arith.constant 64 : index
          %swap3A_559 = tpu.vector_load %arg9[%swap3A_557, %swap3A_558] {strides = array<i32>} : memref<64x128xf32, #tpu.memory_space<vmem>>, vector<1x16xf32>,
          %swap3A_560 = vector.shape_cast %swap3A_559 : vector<1x16xf32> to vector<16xf32>
          %swap3A_561 = vector.shape_cast %mul3A_556 : vector<16xf32> to vector<1x16xf32>
          tpu.vector_store %arg9[%swap3A_557, %swap3A_558], %swap3A_561 {strides = array<i32>} : memref<64x128xf32, #tpu.memory_space<vmem>>, vector<1x16xf32>,
          %get3A_562 = arith.index_cast %add3A_511 : i32 to index
          %get3A_563 = arith.constant 80 : index
          %get3A_564 = tpu.vector_load %arg9[%get3A_562, %get3A_563] {strides = array<i32>} : memref<64x128xf32, #tpu.memory_space<vmem>>, vector<1x16xf32>,
          %get3A_565 = vector.shape_cast %get3A_564 : vector<1x16xf32> to vector<16xf32>
          %mul3A_566 = arith.mulf %get3A_565, %broadcast_in_dim3A_507 : vector<16xf32>
          %swap3A_567 = arith.index_cast %add3A_511 : i32 to index
          %swap3A_568 = arith.constant 80 : index
          %swap3A_569 = tpu.vector_load %arg9[%swap3A_567, %swap3A_568] {strides = array<i32>} : memref<64x128xf32, #tpu.memory_space<vmem>>, vector<1x16xf32>,
          %swap3A_570 = vector.shape_cast %swap3A_569 : vector<1x16xf32> to vector<16xf32>
          %swap3A_571 = vector.shape_cast %mul3A_566 : vector<16xf32> to vector<1x16xf32>
          tpu.vector_store %arg9[%swap3A_567, %swap3A_568], %swap3A_571 {strides = array<i32>} : memref<64x128xf32, #tpu.memory_space<vmem>>, vector<1x16xf32>,
          %get3A_572 = arith.index_cast %add3A_511 : i32 to index
          %get3A_573 = arith.constant 96 : index
          %get3A_574 = tpu.vector_load %arg9[%get3A_572, %get3A_573] {strides = array<i32>} : memref<64x128xf32, #tpu.memory_space<vmem>>, vector<1x16xf32>,
          %get3A_575 = vector.shape_cast %get3A_574 : vector<1x16xf32> to vector<16xf32>
          %mul3A_576 = arith.mulf %get3A_575, %broadcast_in_dim3A_507 : vector<16xf32>
          %swap3A_577 = arith.index_cast %add3A_511 : i32 to index
          %swap3A_578 = arith.constant 96 : index
          %swap3A_579 = tpu.vector_load %arg9[%swap3A_577, %swap3A_578] {strides = array<i32>} : memref<64x128xf32, #tpu.memory_space<vmem>>, vector<1x16xf32>,
          %swap3A_580 = vector.shape_cast %swap3A_579 : vector<1x16xf32> to vector<16xf32>
          %swap3A_581 = vector.shape_cast %mul3A_576 : vector<16xf32> to vector<1x16xf32>
          tpu.vector_store %arg9[%swap3A_577, %swap3A_578], %swap3A_581 {strides = array<i32>} : memref<64x128xf32, #tpu.memory_space<vmem>>, vector<1x16xf32>,
          %get3A_582 = arith.index_cast %add3A_511 : i32 to index
          %get3A_583 = arith.constant 112 : index
          %get3A_584 = tpu.vector_load %arg9[%get3A_582, %get3A_583] {strides = array<i32>} : memref<64x128xf32, #tpu.memory_space<vmem>>, vector<1x16xf32>,
          %get3A_585 = vector.shape_cast %get3A_584 : vector<1x16xf32> to vector<16xf32>
          %mul3A_586 = arith.mulf %get3A_585, %broadcast_in_dim3A_507 : vector<16xf32>
          %swap3A_587 = arith.index_cast %add3A_511 : i32 to index
          %swap3A_588 = arith.constant 112 : index
          %swap3A_589 = tpu.vector_load %arg9[%swap3A_587, %swap3A_588] {strides = array<i32>} : memref<64x128xf32, #tpu.memory_space<vmem>>, vector<1x16xf32>,
          %swap3A_590 = vector.shape_cast %swap3A_589 : vector<1x16xf32> to vector<16xf32>
          %swap3A_591 = vector.shape_cast %mul3A_586 : vector<16xf32> to vector<1x16xf32>
          tpu.vector_store %arg9[%swap3A_587, %swap3A_588], %swap3A_591 {strides = array<i32>} : memref<64x128xf32, #tpu.memory_space<vmem>>, vector<1x16xf32>,
          %slice3A_592 = vector.extract_strided_slice %get3A_332 {offsets = [3], sizes = [1], strides = [1]} : vector<16xf32> to vector<1xf32>
          %squeeze3A_593 = vector.extract %slice3A_592[0] : f32 from vector<1xf32>
          %broadcast_in_dim3A_594 = vector.broadcast %squeeze3A_593 : f32 to vector<16xf32>
          %mul3A_595 = arith.constant 16 : i32
          %mul3A_596 = arith.muli %add3A_325, %mul3A_595 : i32
          %add3A_597 = arith.constant 3 : i32
          %add3A_598 = arith.addi %mul3A_596, %add3A_597 : i32
          %get3A_599 = arith.index_cast %add3A_598 : i32 to index
          %get3A_600 = arith.constant 0 : index
          %get3A_601 = tpu.vector_load %arg9[%get3A_599, %get3A_600] {strides = array<i32>} : memref<64x128xf32, #tpu.memory_space<vmem>>, vector<1x16xf32>,
          %get3A_602 = vector.shape_cast %get3A_601 : vector<1x16xf32> to vector<16xf32>
          %mul3A_603 = arith.mulf %get3A_602, %broadcast_in_dim3A_594 : vector<16xf32>
          %swap3A_604 = arith.index_cast %add3A_598 : i32 to index
          %swap3A_605 = arith.constant 0 : index
          %swap3A_606 = tpu.vector_load %arg9[%swap3A_604, %swap3A_605] {strides = array<i32>} : memref<64x128xf32, #tpu.memory_space<vmem>>, vector<1x16xf32>,
          %swap3A_607 = vector.shape_cast %swap3A_606 : vector<1x16xf32> to vector<16xf32>
          %swap3A_608 = vector.shape_cast %mul3A_603 : vector<16xf32> to vector<1x16xf32>
          tpu.vector_store %arg9[%swap3A_604, %swap3A_605], %swap3A_608 {strides = array<i32>} : memref<64x128xf32, #tpu.memory_space<vmem>>, vector<1x16xf32>,
          %get3A_609 = arith.index_cast %add3A_598 : i32 to index
          %get3A_610 = arith.constant 16 : index
          %get3A_611 = tpu.vector_load %arg9[%get3A_609, %get3A_610] {strides = array<i32>} : memref<64x128xf32, #tpu.memory_space<vmem>>, vector<1x16xf32>,
          %get3A_612 = vector.shape_cast %get3A_611 : vector<1x16xf32> to vector<16xf32>
          %mul3A_613 = arith.mulf %get3A_612, %broadcast_in_dim3A_594 : vector<16xf32>
          %swap3A_614 = arith.index_cast %add3A_598 : i32 to index
          %swap3A_615 = arith.constant 16 : index
          %swap3A_616 = tpu.vector_load %arg9[%swap3A_614, %swap3A_615] {strides = array<i32>} : memref<64x128xf32, #tpu.memory_space<vmem>>, vector<1x16xf32>,
          %swap3A_617 = vector.shape_cast %swap3A_616 : vector<1x16xf32> to vector<16xf32>
          %swap3A_618 = vector.shape_cast %mul3A_613 : vector<16xf32> to vector<1x16xf32>
          tpu.vector_store %arg9[%swap3A_614, %swap3A_615], %swap3A_618 {strides = array<i32>} : memref<64x128xf32, #tpu.memory_space<vmem>>, vector<1x16xf32>,
          %get3A_619 = arith.index_cast %add3A_598 : i32 to index
          %get3A_620 = arith.constant 32 : index
          %get3A_621 = tpu.vector_load %arg9[%get3A_619, %get3A_620] {strides = array<i32>} : memref<64x128xf32, #tpu.memory_space<vmem>>, vector<1x16xf32>,
          %get3A_622 = vector.shape_cast %get3A_621 : vector<1x16xf32> to vector<16xf32>
          %mul3A_623 = arith.mulf %get3A_622, %broadcast_in_dim3A_594 : vector<16xf32>
          %swap3A_624 = arith.index_cast %add3A_598 : i32 to index
          %swap3A_625 = arith.constant 32 : index
          %swap3A_626 = tpu.vector_load %arg9[%swap3A_624, %swap3A_625] {strides = array<i32>} : memref<64x128xf32, #tpu.memory_space<vmem>>, vector<1x16xf32>,
          %swap3A_627 = vector.shape_cast %swap3A_626 : vector<1x16xf32> to vector<16xf32>
          %swap3A_628 = vector.shape_cast %mul3A_623 : vector<16xf32> to vector<1x16xf32>
          tpu.vector_store %arg9[%swap3A_624, %swap3A_625], %swap3A_628 {strides = array<i32>} : memref<64x128xf32, #tpu.memory_space<vmem>>, vector<1x16xf32>,
          %get3A_629 = arith.index_cast %add3A_598 : i32 to index
          %get3A_630 = arith.constant 48 : index
          %get3A_631 = tpu.vector_load %arg9[%get3A_629, %get3A_630] {strides = array<i32>} : memref<64x128xf32, #tpu.memory_space<vmem>>, vector<1x16xf32>,
          %get3A_632 = vector.shape_cast %get3A_631 : vector<1x16xf32> to vector<16xf32>
          %mul3A_633 = arith.mulf %get3A_632, %broadcast_in_dim3A_594 : vector<16xf32>
          %swap3A_634 = arith.index_cast %add3A_598 : i32 to index
          %swap3A_635 = arith.constant 48 : index
          %swap3A_636 = tpu.vector_load %arg9[%swap3A_634, %swap3A_635] {strides = array<i32>} : memref<64x128xf32, #tpu.memory_space<vmem>>, vector<1x16xf32>,
          %swap3A_637 = vector.shape_cast %swap3A_636 : vector<1x16xf32> to vector<16xf32>
          %swap3A_638 = vector.shape_cast %mul3A_633 : vector<16xf32> to vector<1x16xf32>
          tpu.vector_store %arg9[%swap3A_634, %swap3A_635], %swap3A_638 {strides = array<i32>} : memref<64x128xf32, #tpu.memory_space<vmem>>, vector<1x16xf32>,
          %get3A_639 = arith.index_cast %add3A_598 : i32 to index
          %get3A_640 = arith.constant 64 : index
          %get3A_641 = tpu.vector_load %arg9[%get3A_639, %get3A_640] {strides = array<i32>} : memref<64x128xf32, #tpu.memory_space<vmem>>, vector<1x16xf32>,
          %get3A_642 = vector.shape_cast %get3A_641 : vector<1x16xf32> to vector<16xf32>
          %mul3A_643 = arith.mulf %get3A_642, %broadcast_in_dim3A_594 : vector<16xf32>
          %swap3A_644 = arith.index_cast %add3A_598 : i32 to index
          %swap3A_645 = arith.constant 64 : index
          %swap3A_646 = tpu.vector_load %arg9[%swap3A_644, %swap3A_645] {strides = array<i32>} : memref<64x128xf32, #tpu.memory_space<vmem>>, vector<1x16xf32>,
          %swap3A_647 = vector.shape_cast %swap3A_646 : vector<1x16xf32> to vector<16xf32>
          %swap3A_648 = vector.shape_cast %mul3A_643 : vector<16xf32> to vector<1x16xf32>
          tpu.vector_store %arg9[%swap3A_644, %swap3A_645], %swap3A_648 {strides = array<i32>} : memref<64x128xf32, #tpu.memory_space<vmem>>, vector<1x16xf32>,
          %get3A_649 = arith.index_cast %add3A_598 : i32 to index
          %get3A_650 = arith.constant 80 : index
          %get3A_651 = tpu.vector_load %arg9[%get3A_649, %get3A_650] {strides = array<i32>} : memref<64x128xf32, #tpu.memory_space<vmem>>, vector<1x16xf32>,
          %get3A_652 = vector.shape_cast %get3A_651 : vector<1x16xf32> to vector<16xf32>
          %mul3A_653 = arith.mulf %get3A_652, %broadcast_in_dim3A_594 : vector<16xf32>
          %swap3A_654 = arith.index_cast %add3A_598 : i32 to index
          %swap3A_655 = arith.constant 80 : index
          %swap3A_656 = tpu.vector_load %arg9[%swap3A_654, %swap3A_655] {strides = array<i32>} : memref<64x128xf32, #tpu.memory_space<vmem>>, vector<1x16xf32>,
          %swap3A_657 = vector.shape_cast %swap3A_656 : vector<1x16xf32> to vector<16xf32>
          %swap3A_658 = vector.shape_cast %mul3A_653 : vector<16xf32> to vector<1x16xf32>
          tpu.vector_store %arg9[%swap3A_654, %swap3A_655], %swap3A_658 {strides = array<i32>} : memref<64x128xf32, #tpu.memory_space<vmem>>, vector<1x16xf32>,
          %get3A_659 = arith.index_cast %add3A_598 : i32 to index
          %get3A_660 = arith.constant 96 : index
          %get3A_661 = tpu.vector_load %arg9[%get3A_659, %get3A_660] {strides = array<i32>} : memref<64x128xf32, #tpu.memory_space<vmem>>, vector<1x16xf32>,
          %get3A_662 = vector.shape_cast %get3A_661 : vector<1x16xf32> to vector<16xf32>
          %mul3A_663 = arith.mulf %get3A_662, %broadcast_in_dim3A_594 : vector<16xf32>
          %swap3A_664 = arith.index_cast %add3A_598 : i32 to index
          %swap3A_665 = arith.constant 96 : index
          %swap3A_666 = tpu.vector_load %arg9[%swap3A_664, %swap3A_665] {strides = array<i32>} : memref<64x128xf32, #tpu.memory_space<vmem>>, vector<1x16xf32>,
          %swap3A_667 = vector.shape_cast %swap3A_666 : vector<1x16xf32> to vector<16xf32>
          %swap3A_668 = vector.shape_cast %mul3A_663 : vector<16xf32> to vector<1x16xf32>
          tpu.vector_store %arg9[%swap3A_664, %swap3A_665], %swap3A_668 {strides = array<i32>} : memref<64x128xf32, #tpu.memory_space<vmem>>, vector<1x16xf32>,
          %get3A_669 = arith.index_cast %add3A_598 : i32 to index
          %get3A_670 = arith.constant 112 : index
          %get3A_671 = tpu.vector_load %arg9[%get3A_669, %get3A_670] {strides = array<i32>} : memref<64x128xf32, #tpu.memory_space<vmem>>, vector<1x16xf32>,
          %get3A_672 = vector.shape_cast %get3A_671 : vector<1x16xf32> to vector<16xf32>
          %mul3A_673 = arith.mulf %get3A_672, %broadcast_in_dim3A_594 : vector<16xf32>
          %swap3A_674 = arith.index_cast %add3A_598 : i32 to index
          %swap3A_675 = arith.constant 112 : index
          %swap3A_676 = tpu.vector_load %arg9[%swap3A_674, %swap3A_675] {strides = array<i32>} : memref<64x128xf32, #tpu.memory_space<vmem>>, vector<1x16xf32>,
          %swap3A_677 = vector.shape_cast %swap3A_676 : vector<1x16xf32> to vector<16xf32>
          %swap3A_678 = vector.shape_cast %mul3A_673 : vector<16xf32> to vector<1x16xf32>
          tpu.vector_store %arg9[%swap3A_674, %swap3A_675], %swap3A_678 {strides = array<i32>} : memref<64x128xf32, #tpu.memory_space<vmem>>, vector<1x16xf32>,
          %slice3A_679 = vector.extract_strided_slice %get3A_332 {offsets = [4], sizes = [1], strides = [1]} : vector<16xf32> to vector<1xf32>
          %squeeze3A_680 = vector.extract %slice3A_679[0] : f32 from vector<1xf32>
          %broadcast_in_dim3A_681 = vector.broadcast %squeeze3A_680 : f32 to vector<16xf32>
          %mul3A_682 = arith.constant 16 : i32
          %mul3A_683 = arith.muli %add3A_325, %mul3A_682 : i32
          %add3A_684 = arith.constant 4 : i32
          %add3A_685 = arith.addi %mul3A_683, %add3A_684 : i32
          %get3A_686 = arith.index_cast %add3A_685 : i32 to index
          %get3A_687 = arith.constant 0 : index
          %get3A_688 = tpu.vector_load %arg9[%get3A_686, %get3A_687] {strides = array<i32>} : memref<64x128xf32, #tpu.memory_space<vmem>>, vector<1x16xf32>,
          %get3A_689 = vector.shape_cast %get3A_688 : vector<1x16xf32> to vector<16xf32>
          %mul3A_690 = arith.mulf %get3A_689, %broadcast_in_dim3A_681 : vector<16xf32>
          %swap3A_691 = arith.index_cast %add3A_685 : i32 to index
          %swap3A_692 = arith.constant 0 : index
          %swap3A_693 = tpu.vector_load %arg9[%swap3A_691, %swap3A_692] {strides = array<i32>} : memref<64x128xf32, #tpu.memory_space<vmem>>, vector<1x16xf32>,
          %swap3A_694 = vector.shape_cast %swap3A_693 : vector<1x16xf32> to vector<16xf32>
          %swap3A_695 = vector.shape_cast %mul3A_690 : vector<16xf32> to vector<1x16xf32>
          tpu.vector_store %arg9[%swap3A_691, %swap3A_692], %swap3A_695 {strides = array<i32>} : memref<64x128xf32, #tpu.memory_space<vmem>>, vector<1x16xf32>,
          %get3A_696 = arith.index_cast %add3A_685 : i32 to index
          %get3A_697 = arith.constant 16 : index
          %get3A_698 = tpu.vector_load %arg9[%get3A_696, %get3A_697] {strides = array<i32>} : memref<64x128xf32, #tpu.memory_space<vmem>>, vector<1x16xf32>,
          %get3A_699 = vector.shape_cast %get3A_698 : vector<1x16xf32> to vector<16xf32>
          %mul3A_700 = arith.mulf %get3A_699, %broadcast_in_dim3A_681 : vector<16xf32>
          %swap3A_701 = arith.index_cast %add3A_685 : i32 to index
          %swap3A_702 = arith.constant 16 : index
          %swap3A_703 = tpu.vector_load %arg9[%swap3A_701, %swap3A_702] {strides = array<i32>} : memref<64x128xf32, #tpu.memory_space<vmem>>, vector<1x16xf32>,
          %swap3A_704 = vector.shape_cast %swap3A_703 : vector<1x16xf32> to vector<16xf32>
          %swap3A_705 = vector.shape_cast %mul3A_700 : vector<16xf32> to vector<1x16xf32>
          tpu.vector_store %arg9[%swap3A_701, %swap3A_702], %swap3A_705 {strides = array<i32>} : memref<64x128xf32, #tpu.memory_space<vmem>>, vector<1x16xf32>,
          %get3A_706 = arith.index_cast %add3A_685 : i32 to index
          %get3A_707 = arith.constant 32 : index
          %get3A_708 = tpu.vector_load %arg9[%get3A_706, %get3A_707] {strides = array<i32>} : memref<64x128xf32, #tpu.memory_space<vmem>>, vector<1x16xf32>,
          %get3A_709 = vector.shape_cast %get3A_708 : vector<1x16xf32> to vector<16xf32>
          %mul3A_710 = arith.mulf %get3A_709, %broadcast_in_dim3A_681 : vector<16xf32>
          %swap3A_711 = arith.index_cast %add3A_685 : i32 to index
          %swap3A_712 = arith.constant 32 : index
          %swap3A_713 = tpu.vector_load %arg9[%swap3A_711, %swap3A_712] {strides = array<i32>} : memref<64x128xf32, #tpu.memory_space<vmem>>, vector<1x16xf32>,
          %swap3A_714 = vector.shape_cast %swap3A_713 : vector<1x16xf32> to vector<16xf32>
          %swap3A_715 = vector.shape_cast %mul3A_710 : vector<16xf32> to vector<1x16xf32>
          tpu.vector_store %arg9[%swap3A_711, %swap3A_712], %swap3A_715 {strides = array<i32>} : memref<64x128xf32, #tpu.memory_space<vmem>>, vector<1x16xf32>,
          %get3A_716 = arith.index_cast %add3A_685 : i32 to index
          %get3A_717 = arith.constant 48 : index
          %get3A_718 = tpu.vector_load %arg9[%get3A_716, %get3A_717] {strides = array<i32>} : memref<64x128xf32, #tpu.memory_space<vmem>>, vector<1x16xf32>,
          %get3A_719 = vector.shape_cast %get3A_718 : vector<1x16xf32> to vector<16xf32>
          %mul3A_720 = arith.mulf %get3A_719, %broadcast_in_dim3A_681 : vector<16xf32>
          %swap3A_721 = arith.index_cast %add3A_685 : i32 to index
          %swap3A_722 = arith.constant 48 : index
          %swap3A_723 = tpu.vector_load %arg9[%swap3A_721, %swap3A_722] {strides = array<i32>} : memref<64x128xf32, #tpu.memory_space<vmem>>, vector<1x16xf32>,
          %swap3A_724 = vector.shape_cast %swap3A_723 : vector<1x16xf32> to vector<16xf32>
          %swap3A_725 = vector.shape_cast %mul3A_720 : vector<16xf32> to vector<1x16xf32>
          tpu.vector_store %arg9[%swap3A_721, %swap3A_722], %swap3A_725 {strides = array<i32>} : memref<64x128xf32, #tpu.memory_space<vmem>>, vector<1x16xf32>,
          %get3A_726 = arith.index_cast %add3A_685 : i32 to index
          %get3A_727 = arith.constant 64 : index
          %get3A_728 = tpu.vector_load %arg9[%get3A_726, %get3A_727] {strides = array<i32>} : memref<64x128xf32, #tpu.memory_space<vmem>>, vector<1x16xf32>,
          %get3A_729 = vector.shape_cast %get3A_728 : vector<1x16xf32> to vector<16xf32>
          %mul3A_730 = arith.mulf %get3A_729, %broadcast_in_dim3A_681 : vector<16xf32>
          %swap3A_731 = arith.index_cast %add3A_685 : i32 to index
          %swap3A_732 = arith.constant 64 : index
          %swap3A_733 = tpu.vector_load %arg9[%swap3A_731, %swap3A_732] {strides = array<i32>} : memref<64x128xf32, #tpu.memory_space<vmem>>, vector<1x16xf32>,
          %swap3A_734 = vector.shape_cast %swap3A_733 : vector<1x16xf32> to vector<16xf32>
          %swap3A_735 = vector.shape_cast %mul3A_730 : vector<16xf32> to vector<1x16xf32>
          tpu.vector_store %arg9[%swap3A_731, %swap3A_732], %swap3A_735 {strides = array<i32>} : memref<64x128xf32, #tpu.memory_space<vmem>>, vector<1x16xf32>,
          %get3A_736 = arith.index_cast %add3A_685 : i32 to index
          %get3A_737 = arith.constant 80 : index
          %get3A_738 = tpu.vector_load %arg9[%get3A_736, %get3A_737] {strides = array<i32>} : memref<64x128xf32, #tpu.memory_space<vmem>>, vector<1x16xf32>,
          %get3A_739 = vector.shape_cast %get3A_738 : vector<1x16xf32> to vector<16xf32>
          %mul3A_740 = arith.mulf %get3A_739, %broadcast_in_dim3A_681 : vector<16xf32>
          %swap3A_741 = arith.index_cast %add3A_685 : i32 to index
          %swap3A_742 = arith.constant 80 : index
          %swap3A_743 = tpu.vector_load %arg9[%swap3A_741, %swap3A_742] {strides = array<i32>} : memref<64x128xf32, #tpu.memory_space<vmem>>, vector<1x16xf32>,
          %swap3A_744 = vector.shape_cast %swap3A_743 : vector<1x16xf32> to vector<16xf32>
          %swap3A_745 = vector.shape_cast %mul3A_740 : vector<16xf32> to vector<1x16xf32>
          tpu.vector_store %arg9[%swap3A_741, %swap3A_742], %swap3A_745 {strides = array<i32>} : memref<64x128xf32, #tpu.memory_space<vmem>>, vector<1x16xf32>,
          %get3A_746 = arith.index_cast %add3A_685 : i32 to index
          %get3A_747 = arith.constant 96 : index
          %get3A_748 = tpu.vector_load %arg9[%get3A_746, %get3A_747] {strides = array<i32>} : memref<64x128xf32, #tpu.memory_space<vmem>>, vector<1x16xf32>,
          %get3A_749 = vector.shape_cast %get3A_748 : vector<1x16xf32> to vector<16xf32>
          %mul3A_750 = arith.mulf %get3A_749, %broadcast_in_dim3A_681 : vector<16xf32>
          %swap3A_751 = arith.index_cast %add3A_685 : i32 to index
          %swap3A_752 = arith.constant 96 : index
          %swap3A_753 = tpu.vector_load %arg9[%swap3A_751, %swap3A_752] {strides = array<i32>} : memref<64x128xf32, #tpu.memory_space<vmem>>, vector<1x16xf32>,
          %swap3A_754 = vector.shape_cast %swap3A_753 : vector<1x16xf32> to vector<16xf32>
          %swap3A_755 = vector.shape_cast %mul3A_750 : vector<16xf32> to vector<1x16xf32>
          tpu.vector_store %arg9[%swap3A_751, %swap3A_752], %swap3A_755 {strides = array<i32>} : memref<64x128xf32, #tpu.memory_space<vmem>>, vector<1x16xf32>,
          %get3A_756 = arith.index_cast %add3A_685 : i32 to index
          %get3A_757 = arith.constant 112 : index
          %get3A_758 = tpu.vector_load %arg9[%get3A_756, %get3A_757] {strides = array<i32>} : memref<64x128xf32, #tpu.memory_space<vmem>>, vector<1x16xf32>,
          %get3A_759 = vector.shape_cast %get3A_758 : vector<1x16xf32> to vector<16xf32>
          %mul3A_760 = arith.mulf %get3A_759, %broadcast_in_dim3A_681 : vector<16xf32>
          %swap3A_761 = arith.index_cast %add3A_685 : i32 to index
          %swap3A_762 = arith.constant 112 : index
          %swap3A_763 = tpu.vector_load %arg9[%swap3A_761, %swap3A_762] {strides = array<i32>} : memref<64x128xf32, #tpu.memory_space<vmem>>, vector<1x16xf32>,
          %swap3A_764 = vector.shape_cast %swap3A_763 : vector<1x16xf32> to vector<16xf32>
          %swap3A_765 = vector.shape_cast %mul3A_760 : vector<16xf32> to vector<1x16xf32>
          tpu.vector_store %arg9[%swap3A_761, %swap3A_762], %swap3A_765 {strides = array<i32>} : memref<64x128xf32, #tpu.memory_space<vmem>>, vector<1x16xf32>,
          %slice3A_766 = vector.extract_strided_slice %get3A_332 {offsets = [5], sizes = [1], strides = [1]} : vector<16xf32> to vector<1xf32>
          %squeeze3A_767 = vector.extract %slice3A_766[0] : f32 from vector<1xf32>
          %broadcast_in_dim3A_768 = vector.broadcast %squeeze3A_767 : f32 to vector<16xf32>
          %mul3A_769 = arith.constant 16 : i32
          %mul3A_770 = arith.muli %add3A_325, %mul3A_769 : i32
          %add3A_771 = arith.constant 5 : i32
          %add3A_772 = arith.addi %mul3A_770, %add3A_771 : i32
          %get3A_773 = arith.index_cast %add3A_772 : i32 to index
          %get3A_774 = arith.constant 0 : index
          %get3A_775 = tpu.vector_load %arg9[%get3A_773, %get3A_774] {strides = array<i32>} : memref<64x128xf32, #tpu.memory_space<vmem>>, vector<1x16xf32>,
          %get3A_776 = vector.shape_cast %get3A_775 : vector<1x16xf32> to vector<16xf32>
          %mul3A_777 = arith.mulf %get3A_776, %broadcast_in_dim3A_768 : vector<16xf32>
          %swap3A_778 = arith.index_cast %add3A_772 : i32 to index
          %swap3A_779 = arith.constant 0 : index
          %swap3A_780 = tpu.vector_load %arg9[%swap3A_778, %swap3A_779] {strides = array<i32>} : memref<64x128xf32, #tpu.memory_space<vmem>>, vector<1x16xf32>,
          %swap3A_781 = vector.shape_cast %swap3A_780 : vector<1x16xf32> to vector<16xf32>
          %swap3A_782 = vector.shape_cast %mul3A_777 : vector<16xf32> to vector<1x16xf32>
          tpu.vector_store %arg9[%swap3A_778, %swap3A_779], %swap3A_782 {strides = array<i32>} : memref<64x128xf32, #tpu.memory_space<vmem>>, vector<1x16xf32>,
          %get3A_783 = arith.index_cast %add3A_772 : i32 to index
          %get3A_784 = arith.constant 16 : index
          %get3A_785 = tpu.vector_load %arg9[%get3A_783, %get3A_784] {strides = array<i32>} : memref<64x128xf32, #tpu.memory_space<vmem>>, vector<1x16xf32>,
          %get3A_786 = vector.shape_cast %get3A_785 : vector<1x16xf32> to vector<16xf32>
          %mul3A_787 = arith.mulf %get3A_786, %broadcast_in_dim3A_768 : vector<16xf32>
          %swap3A_788 = arith.index_cast %add3A_772 : i32 to index
          %swap3A_789 = arith.constant 16 : index
          %swap3A_790 = tpu.vector_load %arg9[%swap3A_788, %swap3A_789] {strides = array<i32>} : memref<64x128xf32, #tpu.memory_space<vmem>>, vector<1x16xf32>,
          %swap3A_791 = vector.shape_cast %swap3A_790 : vector<1x16xf32> to vector<16xf32>
          %swap3A_792 = vector.shape_cast %mul3A_787 : vector<16xf32> to vector<1x16xf32>
          tpu.vector_store %arg9[%swap3A_788, %swap3A_789], %swap3A_792 {strides = array<i32>} : memref<64x128xf32, #tpu.memory_space<vmem>>, vector<1x16xf32>,
          %get3A_793 = arith.index_cast %add3A_772 : i32 to index
          %get3A_794 = arith.constant 32 : index
          %get3A_795 = tpu.vector_load %arg9[%get3A_793, %get3A_794] {strides = array<i32>} : memref<64x128xf32, #tpu.memory_space<vmem>>, vector<1x16xf32>,
          %get3A_796 = vector.shape_cast %get3A_795 : vector<1x16xf32> to vector<16xf32>
          %mul3A_797 = arith.mulf %get3A_796, %broadcast_in_dim3A_768 : vector<16xf32>
          %swap3A_798 = arith.index_cast %add3A_772 : i32 to index
          %swap3A_799 = arith.constant 32 : index
          %swap3A_800 = tpu.vector_load %arg9[%swap3A_798, %swap3A_799] {strides = array<i32>} : memref<64x128xf32, #tpu.memory_space<vmem>>, vector<1x16xf32>,
          %swap3A_801 = vector.shape_cast %swap3A_800 : vector<1x16xf32> to vector<16xf32>
          %swap3A_802 = vector.shape_cast %mul3A_797 : vector<16xf32> to vector<1x16xf32>
          tpu.vector_store %arg9[%swap3A_798, %swap3A_799], %swap3A_802 {strides = array<i32>} : memref<64x128xf32, #tpu.memory_space<vmem>>, vector<1x16xf32>,
          %get3A_803 = arith.index_cast %add3A_772 : i32 to index
          %get3A_804 = arith.constant 48 : index
          %get3A_805 = tpu.vector_load %arg9[%get3A_803, %get3A_804] {strides = array<i32>} : memref<64x128xf32, #tpu.memory_space<vmem>>, vector<1x16xf32>,
          %get3A_806 = vector.shape_cast %get3A_805 : vector<1x16xf32> to vector<16xf32>
          %mul3A_807 = arith.mulf %get3A_806, %broadcast_in_dim3A_768 : vector<16xf32>
          %swap3A_808 = arith.index_cast %add3A_772 : i32 to index
          %swap3A_809 = arith.constant 48 : index
          %swap3A_810 = tpu.vector_load %arg9[%swap3A_808, %swap3A_809] {strides = array<i32>} : memref<64x128xf32, #tpu.memory_space<vmem>>, vector<1x16xf32>,
          %swap3A_811 = vector.shape_cast %swap3A_810 : vector<1x16xf32> to vector<16xf32>
          %swap3A_812 = vector.shape_cast %mul3A_807 : vector<16xf32> to vector<1x16xf32>
          tpu.vector_store %arg9[%swap3A_808, %swap3A_809], %swap3A_812 {strides = array<i32>} : memref<64x128xf32, #tpu.memory_space<vmem>>, vector<1x16xf32>,
          %get3A_813 = arith.index_cast %add3A_772 : i32 to index
          %get3A_814 = arith.constant 64 : index
          %get3A_815 = tpu.vector_load %arg9[%get3A_813, %get3A_814] {strides = array<i32>} : memref<64x128xf32, #tpu.memory_space<vmem>>, vector<1x16xf32>,
          %get3A_816 = vector.shape_cast %get3A_815 : vector<1x16xf32> to vector<16xf32>
          %mul3A_817 = arith.mulf %get3A_816, %broadcast_in_dim3A_768 : vector<16xf32>
          %swap3A_818 = arith.index_cast %add3A_772 : i32 to index
          %swap3A_819 = arith.constant 64 : index
          %swap3A_820 = tpu.vector_load %arg9[%swap3A_818, %swap3A_819] {strides = array<i32>} : memref<64x128xf32, #tpu.memory_space<vmem>>, vector<1x16xf32>,
          %swap3A_821 = vector.shape_cast %swap3A_820 : vector<1x16xf32> to vector<16xf32>
          %swap3A_822 = vector.shape_cast %mul3A_817 : vector<16xf32> to vector<1x16xf32>
          tpu.vector_store %arg9[%swap3A_818, %swap3A_819], %swap3A_822 {strides = array<i32>} : memref<64x128xf32, #tpu.memory_space<vmem>>, vector<1x16xf32>,
          %get3A_823 = arith.index_cast %add3A_772 : i32 to index
          %get3A_824 = arith.constant 80 : index
          %get3A_825 = tpu.vector_load %arg9[%get3A_823, %get3A_824] {strides = array<i32>} : memref<64x128xf32, #tpu.memory_space<vmem>>, vector<1x16xf32>,
          %get3A_826 = vector.shape_cast %get3A_825 : vector<1x16xf32> to vector<16xf32>
          %mul3A_827 = arith.mulf %get3A_826, %broadcast_in_dim3A_768 : vector<16xf32>
          %swap3A_828 = arith.index_cast %add3A_772 : i32 to index
          %swap3A_829 = arith.constant 80 : index
          %swap3A_830 = tpu.vector_load %arg9[%swap3A_828, %swap3A_829] {strides = array<i32>} : memref<64x128xf32, #tpu.memory_space<vmem>>, vector<1x16xf32>,
          %swap3A_831 = vector.shape_cast %swap3A_830 : vector<1x16xf32> to vector<16xf32>
          %swap3A_832 = vector.shape_cast %mul3A_827 : vector<16xf32> to vector<1x16xf32>
          tpu.vector_store %arg9[%swap3A_828, %swap3A_829], %swap3A_832 {strides = array<i32>} : memref<64x128xf32, #tpu.memory_space<vmem>>, vector<1x16xf32>,
          %get3A_833 = arith.index_cast %add3A_772 : i32 to index
          %get3A_834 = arith.constant 96 : index
          %get3A_835 = tpu.vector_load %arg9[%get3A_833, %get3A_834] {strides = array<i32>} : memref<64x128xf32, #tpu.memory_space<vmem>>, vector<1x16xf32>,
          %get3A_836 = vector.shape_cast %get3A_835 : vector<1x16xf32> to vector<16xf32>
          %mul3A_837 = arith.mulf %get3A_836, %broadcast_in_dim3A_768 : vector<16xf32>
          %swap3A_838 = arith.index_cast %add3A_772 : i32 to index
          %swap3A_839 = arith.constant 96 : index
          %swap3A_840 = tpu.vector_load %arg9[%swap3A_838, %swap3A_839] {strides = array<i32>} : memref<64x128xf32, #tpu.memory_space<vmem>>, vector<1x16xf32>,
          %swap3A_841 = vector.shape_cast %swap3A_840 : vector<1x16xf32> to vector<16xf32>
          %swap3A_842 = vector.shape_cast %mul3A_837 : vector<16xf32> to vector<1x16xf32>
          tpu.vector_store %arg9[%swap3A_838, %swap3A_839], %swap3A_842 {strides = array<i32>} : memref<64x128xf32, #tpu.memory_space<vmem>>, vector<1x16xf32>,
          %get3A_843 = arith.index_cast %add3A_772 : i32 to index
          %get3A_844 = arith.constant 112 : index
          %get3A_845 = tpu.vector_load %arg9[%get3A_843, %get3A_844] {strides = array<i32>} : memref<64x128xf32, #tpu.memory_space<vmem>>, vector<1x16xf32>,
          %get3A_846 = vector.shape_cast %get3A_845 : vector<1x16xf32> to vector<16xf32>
          %mul3A_847 = arith.mulf %get3A_846, %broadcast_in_dim3A_768 : vector<16xf32>
          %swap3A_848 = arith.index_cast %add3A_772 : i32 to index
          %swap3A_849 = arith.constant 112 : index
          %swap3A_850 = tpu.vector_load %arg9[%swap3A_848, %swap3A_849] {strides = array<i32>} : memref<64x128xf32, #tpu.memory_space<vmem>>, vector<1x16xf32>,
          %swap3A_851 = vector.shape_cast %swap3A_850 : vector<1x16xf32> to vector<16xf32>
          %swap3A_852 = vector.shape_cast %mul3A_847 : vector<16xf32> to vector<1x16xf32>
          tpu.vector_store %arg9[%swap3A_848, %swap3A_849], %swap3A_852 {strides = array<i32>} : memref<64x128xf32, #tpu.memory_space<vmem>>, vector<1x16xf32>,
          %slice3A_853 = vector.extract_strided_slice %get3A_332 {offsets = [6], sizes = [1], strides = [1]} : vector<16xf32> to vector<1xf32>
          %squeeze3A_854 = vector.extract %slice3A_853[0] : f32 from vector<1xf32>
          %broadcast_in_dim3A_855 = vector.broadcast %squeeze3A_854 : f32 to vector<16xf32>
          %mul3A_856 = arith.constant 16 : i32
          %mul3A_857 = arith.muli %add3A_325, %mul3A_856 : i32
          %add3A_858 = arith.constant 6 : i32
          %add3A_859 = arith.addi %mul3A_857, %add3A_858 : i32
          %get3A_860 = arith.index_cast %add3A_859 : i32 to index
          %get3A_861 = arith.constant 0 : index
          %get3A_862 = tpu.vector_load %arg9[%get3A_860, %get3A_861] {strides = array<i32>} : memref<64x128xf32, #tpu.memory_space<vmem>>, vector<1x16xf32>,
          %get3A_863 = vector.shape_cast %get3A_862 : vector<1x16xf32> to vector<16xf32>
          %mul3A_864 = arith.mulf %get3A_863, %broadcast_in_dim3A_855 : vector<16xf32>
          %swap3A_865 = arith.index_cast %add3A_859 : i32 to index
          %swap3A_866 = arith.constant 0 : index
          %swap3A_867 = tpu.vector_load %arg9[%swap3A_865, %swap3A_866] {strides = array<i32>} : memref<64x128xf32, #tpu.memory_space<vmem>>, vector<1x16xf32>,
          %swap3A_868 = vector.shape_cast %swap3A_867 : vector<1x16xf32> to vector<16xf32>
          %swap3A_869 = vector.shape_cast %mul3A_864 : vector<16xf32> to vector<1x16xf32>
          tpu.vector_store %arg9[%swap3A_865, %swap3A_866], %swap3A_869 {strides = array<i32>} : memref<64x128xf32, #tpu.memory_space<vmem>>, vector<1x16xf32>,
          %get3A_870 = arith.index_cast %add3A_859 : i32 to index
          %get3A_871 = arith.constant 16 : index
          %get3A_872 = tpu.vector_load %arg9[%get3A_870, %get3A_871] {strides = array<i32>} : memref<64x128xf32, #tpu.memory_space<vmem>>, vector<1x16xf32>,
          %get3A_873 = vector.shape_cast %get3A_872 : vector<1x16xf32> to vector<16xf32>
          %mul3A_874 = arith.mulf %get3A_873, %broadcast_in_dim3A_855 : vector<16xf32>
          %swap3A_875 = arith.index_cast %add3A_859 : i32 to index
          %swap3A_876 = arith.constant 16 : index
          %swap3A_877 = tpu.vector_load %arg9[%swap3A_875, %swap3A_876] {strides = array<i32>} : memref<64x128xf32, #tpu.memory_space<vmem>>, vector<1x16xf32>,
          %swap3A_878 = vector.shape_cast %swap3A_877 : vector<1x16xf32> to vector<16xf32>
          %swap3A_879 = vector.shape_cast %mul3A_874 : vector<16xf32> to vector<1x16xf32>
          tpu.vector_store %arg9[%swap3A_875, %swap3A_876], %swap3A_879 {strides = array<i32>} : memref<64x128xf32, #tpu.memory_space<vmem>>, vector<1x16xf32>,
          %get3A_880 = arith.index_cast %add3A_859 : i32 to index
          %get3A_881 = arith.constant 32 : index
          %get3A_882 = tpu.vector_load %arg9[%get3A_880, %get3A_881] {strides = array<i32>} : memref<64x128xf32, #tpu.memory_space<vmem>>, vector<1x16xf32>,
          %get3A_883 = vector.shape_cast %get3A_882 : vector<1x16xf32> to vector<16xf32>
          %mul3A_884 = arith.mulf %get3A_883, %broadcast_in_dim3A_855 : vector<16xf32>
          %swap3A_885 = arith.index_cast %add3A_859 : i32 to index
          %swap3A_886 = arith.constant 32 : index
          %swap3A_887 = tpu.vector_load %arg9[%swap3A_885, %swap3A_886] {strides = array<i32>} : memref<64x128xf32, #tpu.memory_space<vmem>>, vector<1x16xf32>,
          %swap3A_888 = vector.shape_cast %swap3A_887 : vector<1x16xf32> to vector<16xf32>
          %swap3A_889 = vector.shape_cast %mul3A_884 : vector<16xf32> to vector<1x16xf32>
          tpu.vector_store %arg9[%swap3A_885, %swap3A_886], %swap3A_889 {strides = array<i32>} : memref<64x128xf32, #tpu.memory_space<vmem>>, vector<1x16xf32>,
          %get3A_890 = arith.index_cast %add3A_859 : i32 to index
          %get3A_891 = arith.constant 48 : index
          %get3A_892 = tpu.vector_load %arg9[%get3A_890, %get3A_891] {strides = array<i32>} : memref<64x128xf32, #tpu.memory_space<vmem>>, vector<1x16xf32>,
          %get3A_893 = vector.shape_cast %get3A_892 : vector<1x16xf32> to vector<16xf32>
          %mul3A_894 = arith.mulf %get3A_893, %broadcast_in_dim3A_855 : vector<16xf32>
          %swap3A_895 = arith.index_cast %add3A_859 : i32 to index
          %swap3A_896 = arith.constant 48 : index
          %swap3A_897 = tpu.vector_load %arg9[%swap3A_895, %swap3A_896] {strides = array<i32>} : memref<64x128xf32, #tpu.memory_space<vmem>>, vector<1x16xf32>,
          %swap3A_898 = vector.shape_cast %swap3A_897 : vector<1x16xf32> to vector<16xf32>
          %swap3A_899 = vector.shape_cast %mul3A_894 : vector<16xf32> to vector<1x16xf32>
          tpu.vector_store %arg9[%swap3A_895, %swap3A_896], %swap3A_899 {strides = array<i32>} : memref<64x128xf32, #tpu.memory_space<vmem>>, vector<1x16xf32>,
          %get3A_900 = arith.index_cast %add3A_859 : i32 to index
          %get3A_901 = arith.constant 64 : index
          %get3A_902 = tpu.vector_load %arg9[%get3A_900, %get3A_901] {strides = array<i32>} : memref<64x128xf32, #tpu.memory_space<vmem>>, vector<1x16xf32>,
          %get3A_903 = vector.shape_cast %get3A_902 : vector<1x16xf32> to vector<16xf32>
          %mul3A_904 = arith.mulf %get3A_903, %broadcast_in_dim3A_855 : vector<16xf32>
          %swap3A_905 = arith.index_cast %add3A_859 : i32 to index
          %swap3A_906 = arith.constant 64 : index
          %swap3A_907 = tpu.vector_load %arg9[%swap3A_905, %swap3A_906] {strides = array<i32>} : memref<64x128xf32, #tpu.memory_space<vmem>>, vector<1x16xf32>,
          %swap3A_908 = vector.shape_cast %swap3A_907 : vector<1x16xf32> to vector<16xf32>
          %swap3A_909 = vector.shape_cast %mul3A_904 : vector<16xf32> to vector<1x16xf32>
          tpu.vector_store %arg9[%swap3A_905, %swap3A_906], %swap3A_909 {strides = array<i32>} : memref<64x128xf32, #tpu.memory_space<vmem>>, vector<1x16xf32>,
          %get3A_910 = arith.index_cast %add3A_859 : i32 to index
          %get3A_911 = arith.constant 80 : index
          %get3A_912 = tpu.vector_load %arg9[%get3A_910, %get3A_911] {strides = array<i32>} : memref<64x128xf32, #tpu.memory_space<vmem>>, vector<1x16xf32>,
          %get3A_913 = vector.shape_cast %get3A_912 : vector<1x16xf32> to vector<16xf32>
          %mul3A_914 = arith.mulf %get3A_913, %broadcast_in_dim3A_855 : vector<16xf32>
          %swap3A_915 = arith.index_cast %add3A_859 : i32 to index
          %swap3A_916 = arith.constant 80 : index
          %swap3A_917 = tpu.vector_load %arg9[%swap3A_915, %swap3A_916] {strides = array<i32>} : memref<64x128xf32, #tpu.memory_space<vmem>>, vector<1x16xf32>,
          %swap3A_918 = vector.shape_cast %swap3A_917 : vector<1x16xf32> to vector<16xf32>
          %swap3A_919 = vector.shape_cast %mul3A_914 : vector<16xf32> to vector<1x16xf32>
          tpu.vector_store %arg9[%swap3A_915, %swap3A_916], %swap3A_919 {strides = array<i32>} : memref<64x128xf32, #tpu.memory_space<vmem>>, vector<1x16xf32>,
          %get3A_920 = arith.index_cast %add3A_859 : i32 to index
          %get3A_921 = arith.constant 96 : index
          %get3A_922 = tpu.vector_load %arg9[%get3A_920, %get3A_921] {strides = array<i32>} : memref<64x128xf32, #tpu.memory_space<vmem>>, vector<1x16xf32>,
          %get3A_923 = vector.shape_cast %get3A_922 : vector<1x16xf32> to vector<16xf32>
          %mul3A_924 = arith.mulf %get3A_923, %broadcast_in_dim3A_855 : vector<16xf32>
          %swap3A_925 = arith.index_cast %add3A_859 : i32 to index
          %swap3A_926 = arith.constant 96 : index
          %swap3A_927 = tpu.vector_load %arg9[%swap3A_925, %swap3A_926] {strides = array<i32>} : memref<64x128xf32, #tpu.memory_space<vmem>>, vector<1x16xf32>,
          %swap3A_928 = vector.shape_cast %swap3A_927 : vector<1x16xf32> to vector<16xf32>
          %swap3A_929 = vector.shape_cast %mul3A_924 : vector<16xf32> to vector<1x16xf32>
          tpu.vector_store %arg9[%swap3A_925, %swap3A_926], %swap3A_929 {strides = array<i32>} : memref<64x128xf32, #tpu.memory_space<vmem>>, vector<1x16xf32>,
          %get3A_930 = arith.index_cast %add3A_859 : i32 to index
          %get3A_931 = arith.constant 112 : index
          %get3A_932 = tpu.vector_load %arg9[%get3A_930, %get3A_931] {strides = array<i32>} : memref<64x128xf32, #tpu.memory_space<vmem>>, vector<1x16xf32>,
          %get3A_933 = vector.shape_cast %get3A_932 : vector<1x16xf32> to vector<16xf32>
          %mul3A_934 = arith.mulf %get3A_933, %broadcast_in_dim3A_855 : vector<16xf32>
          %swap3A_935 = arith.index_cast %add3A_859 : i32 to index
          %swap3A_936 = arith.constant 112 : index
          %swap3A_937 = tpu.vector_load %arg9[%swap3A_935, %swap3A_936] {strides = array<i32>} : memref<64x128xf32, #tpu.memory_space<vmem>>, vector<1x16xf32>,
          %swap3A_938 = vector.shape_cast %swap3A_937 : vector<1x16xf32> to vector<16xf32>
          %swap3A_939 = vector.shape_cast %mul3A_934 : vector<16xf32> to vector<1x16xf32>
          tpu.vector_store %arg9[%swap3A_935, %swap3A_936], %swap3A_939 {strides = array<i32>} : memref<64x128xf32, #tpu.memory_space<vmem>>, vector<1x16xf32>,
          %slice3A_940 = vector.extract_strided_slice %get3A_332 {offsets = [7], sizes = [1], strides = [1]} : vector<16xf32> to vector<1xf32>
          %squeeze3A_941 = vector.extract %slice3A_940[0] : f32 from vector<1xf32>
          %broadcast_in_dim3A_942 = vector.broadcast %squeeze3A_941 : f32 to vector<16xf32>
          %mul3A_943 = arith.constant 16 : i32
          %mul3A_944 = arith.muli %add3A_325, %mul3A_943 : i32
          %add3A_945 = arith.constant 7 : i32
          %add3A_946 = arith.addi %mul3A_944, %add3A_945 : i32
          %get3A_947 = arith.index_cast %add3A_946 : i32 to index
          %get3A_948 = arith.constant 0 : index
          %get3A_949 = tpu.vector_load %arg9[%get3A_947, %get3A_948] {strides = array<i32>} : memref<64x128xf32, #tpu.memory_space<vmem>>, vector<1x16xf32>,
          %get3A_950 = vector.shape_cast %get3A_949 : vector<1x16xf32> to vector<16xf32>
          %mul3A_951 = arith.mulf %get3A_950, %broadcast_in_dim3A_942 : vector<16xf32>
          %swap3A_952 = arith.index_cast %add3A_946 : i32 to index
          %swap3A_953 = arith.constant 0 : index
          %swap3A_954 = tpu.vector_load %arg9[%swap3A_952, %swap3A_953] {strides = array<i32>} : memref<64x128xf32, #tpu.memory_space<vmem>>, vector<1x16xf32>,
          %swap3A_955 = vector.shape_cast %swap3A_954 : vector<1x16xf32> to vector<16xf32>
          %swap3A_956 = vector.shape_cast %mul3A_951 : vector<16xf32> to vector<1x16xf32>
          tpu.vector_store %arg9[%swap3A_952, %swap3A_953], %swap3A_956 {strides = array<i32>} : memref<64x128xf32, #tpu.memory_space<vmem>>, vector<1x16xf32>,
          %get3A_957 = arith.index_cast %add3A_946 : i32 to index
          %get3A_958 = arith.constant 16 : index
          %get3A_959 = tpu.vector_load %arg9[%get3A_957, %get3A_958] {strides = array<i32>} : memref<64x128xf32, #tpu.memory_space<vmem>>, vector<1x16xf32>,
          %get3A_960 = vector.shape_cast %get3A_959 : vector<1x16xf32> to vector<16xf32>
          %mul3A_961 = arith.mulf %get3A_960, %broadcast_in_dim3A_942 : vector<16xf32>
          %swap3A_962 = arith.index_cast %add3A_946 : i32 to index
          %swap3A_963 = arith.constant 16 : index
          %swap3A_964 = tpu.vector_load %arg9[%swap3A_962, %swap3A_963] {strides = array<i32>} : memref<64x128xf32, #tpu.memory_space<vmem>>, vector<1x16xf32>,
          %swap3A_965 = vector.shape_cast %swap3A_964 : vector<1x16xf32> to vector<16xf32>
          %swap3A_966 = vector.shape_cast %mul3A_961 : vector<16xf32> to vector<1x16xf32>
          tpu.vector_store %arg9[%swap3A_962, %swap3A_963], %swap3A_966 {strides = array<i32>} : memref<64x128xf32, #tpu.memory_space<vmem>>, vector<1x16xf32>,
          %get3A_967 = arith.index_cast %add3A_946 : i32 to index
          %get3A_968 = arith.constant 32 : index
          %get3A_969 = tpu.vector_load %arg9[%get3A_967, %get3A_968] {strides = array<i32>} : memref<64x128xf32, #tpu.memory_space<vmem>>, vector<1x16xf32>,
          %get3A_970 = vector.shape_cast %get3A_969 : vector<1x16xf32> to vector<16xf32>
          %mul3A_971 = arith.mulf %get3A_970, %broadcast_in_dim3A_942 : vector<16xf32>
          %swap3A_972 = arith.index_cast %add3A_946 : i32 to index
          %swap3A_973 = arith.constant 32 : index
          %swap3A_974 = tpu.vector_load %arg9[%swap3A_972, %swap3A_973] {strides = array<i32>} : memref<64x128xf32, #tpu.memory_space<vmem>>, vector<1x16xf32>,
          %swap3A_975 = vector.shape_cast %swap3A_974 : vector<1x16xf32> to vector<16xf32>
          %swap3A_976 = vector.shape_cast %mul3A_971 : vector<16xf32> to vector<1x16xf32>
          tpu.vector_store %arg9[%swap3A_972, %swap3A_973], %swap3A_976 {strides = array<i32>} : memref<64x128xf32, #tpu.memory_space<vmem>>, vector<1x16xf32>,
          %get3A_977 = arith.index_cast %add3A_946 : i32 to index
          %get3A_978 = arith.constant 48 : index
          %get3A_979 = tpu.vector_load %arg9[%get3A_977, %get3A_978] {strides = array<i32>} : memref<64x128xf32, #tpu.memory_space<vmem>>, vector<1x16xf32>,
          %get3A_980 = vector.shape_cast %get3A_979 : vector<1x16xf32> to vector<16xf32>
          %mul3A_981 = arith.mulf %get3A_980, %broadcast_in_dim3A_942 : vector<16xf32>
          %swap3A_982 = arith.index_cast %add3A_946 : i32 to index
          %swap3A_983 = arith.constant 48 : index
          %swap3A_984 = tpu.vector_load %arg9[%swap3A_982, %swap3A_983] {strides = array<i32>} : memref<64x128xf32, #tpu.memory_space<vmem>>, vector<1x16xf32>,
          %swap3A_985 = vector.shape_cast %swap3A_984 : vector<1x16xf32> to vector<16xf32>
          %swap3A_986 = vector.shape_cast %mul3A_981 : vector<16xf32> to vector<1x16xf32>
          tpu.vector_store %arg9[%swap3A_982, %swap3A_983], %swap3A_986 {strides = array<i32>} : memref<64x128xf32, #tpu.memory_space<vmem>>, vector<1x16xf32>,
          %get3A_987 = arith.index_cast %add3A_946 : i32 to index
          %get3A_988 = arith.constant 64 : index
          %get3A_989 = tpu.vector_load %arg9[%get3A_987, %get3A_988] {strides = array<i32>} : memref<64x128xf32, #tpu.memory_space<vmem>>, vector<1x16xf32>,
          %get3A_990 = vector.shape_cast %get3A_989 : vector<1x16xf32> to vector<16xf32>
          %mul3A_991 = arith.mulf %get3A_990, %broadcast_in_dim3A_942 : vector<16xf32>
          %swap3A_992 = arith.index_cast %add3A_946 : i32 to index
          %swap3A_993 = arith.constant 64 : index
          %swap3A_994 = tpu.vector_load %arg9[%swap3A_992, %swap3A_993] {strides = array<i32>} : memref<64x128xf32, #tpu.memory_space<vmem>>, vector<1x16xf32>,
          %swap3A_995 = vector.shape_cast %swap3A_994 : vector<1x16xf32> to vector<16xf32>
          %swap3A_996 = vector.shape_cast %mul3A_991 : vector<16xf32> to vector<1x16xf32>
          tpu.vector_store %arg9[%swap3A_992, %swap3A_993], %swap3A_996 {strides = array<i32>} : memref<64x128xf32, #tpu.memory_space<vmem>>, vector<1x16xf32>,
          %get3A_997 = arith.index_cast %add3A_946 : i32 to index
          %get3A_998 = arith.constant 80 : index
          %get3A_999 = tpu.vector_load %arg9[%get3A_997, %get3A_998] {strides = array<i32>} : memref<64x128xf32, #tpu.memory_space<vmem>>, vector<1x16xf32>,
          %get3A_1000 = vector.shape_cast %get3A_999 : vector<1x16xf32> to vector<16xf32>
          %mul3A_1001 = arith.mulf %get3A_1000, %broadcast_in_dim3A_942 : vector<16xf32>
          %swap3A_1002 = arith.index_cast %add3A_946 : i32 to index
          %swap3A_1003 = arith.constant 80 : index
          %swap3A_1004 = tpu.vector_load %arg9[%swap3A_1002, %swap3A_1003] {strides = array<i32>} : memref<64x128xf32, #tpu.memory_space<vmem>>, vector<1x16xf32>,
          %swap3A_1005 = vector.shape_cast %swap3A_1004 : vector<1x16xf32> to vector<16xf32>
          %swap3A_1006 = vector.shape_cast %mul3A_1001 : vector<16xf32> to vector<1x16xf32>
          tpu.vector_store %arg9[%swap3A_1002, %swap3A_1003], %swap3A_1006 {strides = array<i32>} : memref<64x128xf32, #tpu.memory_space<vmem>>, vector<1x16xf32>,
          %get3A_1007 = arith.index_cast %add3A_946 : i32 to index
          %get3A_1008 = arith.constant 96 : index
          %get3A_1009 = tpu.vector_load %arg9[%get3A_1007, %get3A_1008] {strides = array<i32>} : memref<64x128xf32, #tpu.memory_space<vmem>>, vector<1x16xf32>,
          %get3A_1010 = vector.shape_cast %get3A_1009 : vector<1x16xf32> to vector<16xf32>
          %mul3A_1011 = arith.mulf %get3A_1010, %broadcast_in_dim3A_942 : vector<16xf32>
          %swap3A_1012 = arith.index_cast %add3A_946 : i32 to index
          %swap3A_1013 = arith.constant 96 : index
          %swap3A_1014 = tpu.vector_load %arg9[%swap3A_1012, %swap3A_1013] {strides = array<i32>} : memref<64x128xf32, #tpu.memory_space<vmem>>, vector<1x16xf32>,
          %swap3A_1015 = vector.shape_cast %swap3A_1014 : vector<1x16xf32> to vector<16xf32>
          %swap3A_1016 = vector.shape_cast %mul3A_1011 : vector<16xf32> to vector<1x16xf32>
          tpu.vector_store %arg9[%swap3A_1012, %swap3A_1013], %swap3A_1016 {strides = array<i32>} : memref<64x128xf32, #tpu.memory_space<vmem>>, vector<1x16xf32>,
          %get3A_1017 = arith.index_cast %add3A_946 : i32 to index
          %get3A_1018 = arith.constant 112 : index
          %get3A_1019 = tpu.vector_load %arg9[%get3A_1017, %get3A_1018] {strides = array<i32>} : memref<64x128xf32, #tpu.memory_space<vmem>>, vector<1x16xf32>,
          %get3A_1020 = vector.shape_cast %get3A_1019 : vector<1x16xf32> to vector<16xf32>
          %mul3A_1021 = arith.mulf %get3A_1020, %broadcast_in_dim3A_942 : vector<16xf32>
          %swap3A_1022 = arith.index_cast %add3A_946 : i32 to index
          %swap3A_1023 = arith.constant 112 : index
          %swap3A_1024 = tpu.vector_load %arg9[%swap3A_1022, %swap3A_1023] {strides = array<i32>} : memref<64x128xf32, #tpu.memory_space<vmem>>, vector<1x16xf32>,
          %swap3A_1025 = vector.shape_cast %swap3A_1024 : vector<1x16xf32> to vector<16xf32>
          %swap3A_1026 = vector.shape_cast %mul3A_1021 : vector<16xf32> to vector<1x16xf32>
          tpu.vector_store %arg9[%swap3A_1022, %swap3A_1023], %swap3A_1026 {strides = array<i32>} : memref<64x128xf32, #tpu.memory_space<vmem>>, vector<1x16xf32>,
          %slice3A_1027 = vector.extract_strided_slice %get3A_332 {offsets = [8], sizes = [1], strides = [1]} : vector<16xf32> to vector<1xf32>
          %squeeze3A_1028 = vector.extract %slice3A_1027[0] : f32 from vector<1xf32>
          %broadcast_in_dim3A_1029 = vector.broadcast %squeeze3A_1028 : f32 to vector<16xf32>
          %mul3A_1030 = arith.constant 16 : i32
          %mul3A_1031 = arith.muli %add3A_325, %mul3A_1030 : i32
          %add3A_1032 = arith.constant 8 : i32
          %add3A_1033 = arith.addi %mul3A_1031, %add3A_1032 : i32
          %get3A_1034 = arith.index_cast %add3A_1033 : i32 to index
          %get3A_1035 = arith.constant 0 : index
          %get3A_1036 = tpu.vector_load %arg9[%get3A_1034, %get3A_1035] {strides = array<i32>} : memref<64x128xf32, #tpu.memory_space<vmem>>, vector<1x16xf32>,
          %get3A_1037 = vector.shape_cast %get3A_1036 : vector<1x16xf32> to vector<16xf32>
          %mul3A_1038 = arith.mulf %get3A_1037, %broadcast_in_dim3A_1029 : vector<16xf32>
          %swap3A_1039 = arith.index_cast %add3A_1033 : i32 to index
          %swap3A_1040 = arith.constant 0 : index
          %swap3A_1041 = tpu.vector_load %arg9[%swap3A_1039, %swap3A_1040] {strides = array<i32>} : memref<64x128xf32, #tpu.memory_space<vmem>>, vector<1x16xf32>,
          %swap3A_1042 = vector.shape_cast %swap3A_1041 : vector<1x16xf32> to vector<16xf32>
          %swap3A_1043 = vector.shape_cast %mul3A_1038 : vector<16xf32> to vector<1x16xf32>
          tpu.vector_store %arg9[%swap3A_1039, %swap3A_1040], %swap3A_1043 {strides = array<i32>} : memref<64x128xf32, #tpu.memory_space<vmem>>, vector<1x16xf32>,
          %get3A_1044 = arith.index_cast %add3A_1033 : i32 to index
          %get3A_1045 = arith.constant 16 : index
          %get3A_1046 = tpu.vector_load %arg9[%get3A_1044, %get3A_1045] {strides = array<i32>} : memref<64x128xf32, #tpu.memory_space<vmem>>, vector<1x16xf32>,
          %get3A_1047 = vector.shape_cast %get3A_1046 : vector<1x16xf32> to vector<16xf32>
          %mul3A_1048 = arith.mulf %get3A_1047, %broadcast_in_dim3A_1029 : vector<16xf32>
          %swap3A_1049 = arith.index_cast %add3A_1033 : i32 to index
          %swap3A_1050 = arith.constant 16 : index
          %swap3A_1051 = tpu.vector_load %arg9[%swap3A_1049, %swap3A_1050] {strides = array<i32>} : memref<64x128xf32, #tpu.memory_space<vmem>>, vector<1x16xf32>,
          %swap3A_1052 = vector.shape_cast %swap3A_1051 : vector<1x16xf32> to vector<16xf32>
          %swap3A_1053 = vector.shape_cast %mul3A_1048 : vector<16xf32> to vector<1x16xf32>
          tpu.vector_store %arg9[%swap3A_1049, %swap3A_1050], %swap3A_1053 {strides = array<i32>} : memref<64x128xf32, #tpu.memory_space<vmem>>, vector<1x16xf32>,
          %get3A_1054 = arith.index_cast %add3A_1033 : i32 to index
          %get3A_1055 = arith.constant 32 : index
          %get3A_1056 = tpu.vector_load %arg9[%get3A_1054, %get3A_1055] {strides = array<i32>} : memref<64x128xf32, #tpu.memory_space<vmem>>, vector<1x16xf32>,
          %get3A_1057 = vector.shape_cast %get3A_1056 : vector<1x16xf32> to vector<16xf32>
          %mul3A_1058 = arith.mulf %get3A_1057, %broadcast_in_dim3A_1029 : vector<16xf32>
          %swap3A_1059 = arith.index_cast %add3A_1033 : i32 to index
          %swap3A_1060 = arith.constant 32 : index
          %swap3A_1061 = tpu.vector_load %arg9[%swap3A_1059, %swap3A_1060] {strides = array<i32>} : memref<64x128xf32, #tpu.memory_space<vmem>>, vector<1x16xf32>,
          %swap3A_1062 = vector.shape_cast %swap3A_1061 : vector<1x16xf32> to vector<16xf32>
          %swap3A_1063 = vector.shape_cast %mul3A_1058 : vector<16xf32> to vector<1x16xf32>
          tpu.vector_store %arg9[%swap3A_1059, %swap3A_1060], %swap3A_1063 {strides = array<i32>} : memref<64x128xf32, #tpu.memory_space<vmem>>, vector<1x16xf32>,
          %get3A_1064 = arith.index_cast %add3A_1033 : i32 to index
          %get3A_1065 = arith.constant 48 : index
          %get3A_1066 = tpu.vector_load %arg9[%get3A_1064, %get3A_1065] {strides = array<i32>} : memref<64x128xf32, #tpu.memory_space<vmem>>, vector<1x16xf32>,
          %get3A_1067 = vector.shape_cast %get3A_1066 : vector<1x16xf32> to vector<16xf32>
          %mul3A_1068 = arith.mulf %get3A_1067, %broadcast_in_dim3A_1029 : vector<16xf32>
          %swap3A_1069 = arith.index_cast %add3A_1033 : i32 to index
          %swap3A_1070 = arith.constant 48 : index
          %swap3A_1071 = tpu.vector_load %arg9[%swap3A_1069, %swap3A_1070] {strides = array<i32>} : memref<64x128xf32, #tpu.memory_space<vmem>>, vector<1x16xf32>,
          %swap3A_1072 = vector.shape_cast %swap3A_1071 : vector<1x16xf32> to vector<16xf32>
          %swap3A_1073 = vector.shape_cast %mul3A_1068 : vector<16xf32> to vector<1x16xf32>
          tpu.vector_store %arg9[%swap3A_1069, %swap3A_1070], %swap3A_1073 {strides = array<i32>} : memref<64x128xf32, #tpu.memory_space<vmem>>, vector<1x16xf32>,
          %get3A_1074 = arith.index_cast %add3A_1033 : i32 to index
          %get3A_1075 = arith.constant 64 : index
          %get3A_1076 = tpu.vector_load %arg9[%get3A_1074, %get3A_1075] {strides = array<i32>} : memref<64x128xf32, #tpu.memory_space<vmem>>, vector<1x16xf32>,
          %get3A_1077 = vector.shape_cast %get3A_1076 : vector<1x16xf32> to vector<16xf32>
          %mul3A_1078 = arith.mulf %get3A_1077, %broadcast_in_dim3A_1029 : vector<16xf32>
          %swap3A_1079 = arith.index_cast %add3A_1033 : i32 to index
          %swap3A_1080 = arith.constant 64 : index
          %swap3A_1081 = tpu.vector_load %arg9[%swap3A_1079, %swap3A_1080] {strides = array<i32>} : memref<64x128xf32, #tpu.memory_space<vmem>>, vector<1x16xf32>,
          %swap3A_1082 = vector.shape_cast %swap3A_1081 : vector<1x16xf32> to vector<16xf32>
          %swap3A_1083 = vector.shape_cast %mul3A_1078 : vector<16xf32> to vector<1x16xf32>
          tpu.vector_store %arg9[%swap3A_1079, %swap3A_1080], %swap3A_1083 {strides = array<i32>} : memref<64x128xf32, #tpu.memory_space<vmem>>, vector<1x16xf32>,
          %get3A_1084 = arith.index_cast %add3A_1033 : i32 to index
          %get3A_1085 = arith.constant 80 : index
          %get3A_1086 = tpu.vector_load %arg9[%get3A_1084, %get3A_1085] {strides = array<i32>} : memref<64x128xf32, #tpu.memory_space<vmem>>, vector<1x16xf32>,
          %get3A_1087 = vector.shape_cast %get3A_1086 : vector<1x16xf32> to vector<16xf32>
          %mul3A_1088 = arith.mulf %get3A_1087, %broadcast_in_dim3A_1029 : vector<16xf32>
          %swap3A_1089 = arith.index_cast %add3A_1033 : i32 to index
          %swap3A_1090 = arith.constant 80 : index
          %swap3A_1091 = tpu.vector_load %arg9[%swap3A_1089, %swap3A_1090] {strides = array<i32>} : memref<64x128xf32, #tpu.memory_space<vmem>>, vector<1x16xf32>,
          %swap3A_1092 = vector.shape_cast %swap3A_1091 : vector<1x16xf32> to vector<16xf32>
          %swap3A_1093 = vector.shape_cast %mul3A_1088 : vector<16xf32> to vector<1x16xf32>
          tpu.vector_store %arg9[%swap3A_1089, %swap3A_1090], %swap3A_1093 {strides = array<i32>} : memref<64x128xf32, #tpu.memory_space<vmem>>, vector<1x16xf32>,
          %get3A_1094 = arith.index_cast %add3A_1033 : i32 to index
          %get3A_1095 = arith.constant 96 : index
          %get3A_1096 = tpu.vector_load %arg9[%get3A_1094, %get3A_1095] {strides = array<i32>} : memref<64x128xf32, #tpu.memory_space<vmem>>, vector<1x16xf32>,
          %get3A_1097 = vector.shape_cast %get3A_1096 : vector<1x16xf32> to vector<16xf32>
          %mul3A_1098 = arith.mulf %get3A_1097, %broadcast_in_dim3A_1029 : vector<16xf32>
          %swap3A_1099 = arith.index_cast %add3A_1033 : i32 to index
          %swap3A_1100 = arith.constant 96 : index
          %swap3A_1101 = tpu.vector_load %arg9[%swap3A_1099, %swap3A_1100] {strides = array<i32>} : memref<64x128xf32, #tpu.memory_space<vmem>>, vector<1x16xf32>,
          %swap3A_1102 = vector.shape_cast %swap3A_1101 : vector<1x16xf32> to vector<16xf32>
          %swap3A_1103 = vector.shape_cast %mul3A_1098 : vector<16xf32> to vector<1x16xf32>
          tpu.vector_store %arg9[%swap3A_1099, %swap3A_1100], %swap3A_1103 {strides = array<i32>} : memref<64x128xf32, #tpu.memory_space<vmem>>, vector<1x16xf32>,
          %get3A_1104 = arith.index_cast %add3A_1033 : i32 to index
          %get3A_1105 = arith.constant 112 : index
          %get3A_1106 = tpu.vector_load %arg9[%get3A_1104, %get3A_1105] {strides = array<i32>} : memref<64x128xf32, #tpu.memory_space<vmem>>, vector<1x16xf32>,
          %get3A_1107 = vector.shape_cast %get3A_1106 : vector<1x16xf32> to vector<16xf32>
          %mul3A_1108 = arith.mulf %get3A_1107, %broadcast_in_dim3A_1029 : vector<16xf32>
          %swap3A_1109 = arith.index_cast %add3A_1033 : i32 to index
          %swap3A_1110 = arith.constant 112 : index
          %swap3A_1111 = tpu.vector_load %arg9[%swap3A_1109, %swap3A_1110] {strides = array<i32>} : memref<64x128xf32, #tpu.memory_space<vmem>>, vector<1x16xf32>,
          %swap3A_1112 = vector.shape_cast %swap3A_1111 : vector<1x16xf32> to vector<16xf32>
          %swap3A_1113 = vector.shape_cast %mul3A_1108 : vector<16xf32> to vector<1x16xf32>
          tpu.vector_store %arg9[%swap3A_1109, %swap3A_1110], %swap3A_1113 {strides = array<i32>} : memref<64x128xf32, #tpu.memory_space<vmem>>, vector<1x16xf32>,
          %slice3A_1114 = vector.extract_strided_slice %get3A_332 {offsets = [9], sizes = [1], strides = [1]} : vector<16xf32> to vector<1xf32>
          %squeeze3A_1115 = vector.extract %slice3A_1114[0] : f32 from vector<1xf32>
          %broadcast_in_dim3A_1116 = vector.broadcast %squeeze3A_1115 : f32 to vector<16xf32>
          %mul3A_1117 = arith.constant 16 : i32
          %mul3A_1118 = arith.muli %add3A_325, %mul3A_1117 : i32
          %add3A_1119 = arith.constant 9 : i32
          %add3A_1120 = arith.addi %mul3A_1118, %add3A_1119 : i32
          %get3A_1121 = arith.index_cast %add3A_1120 : i32 to index
          %get3A_1122 = arith.constant 0 : index
          %get3A_1123 = tpu.vector_load %arg9[%get3A_1121, %get3A_1122] {strides = array<i32>} : memref<64x128xf32, #tpu.memory_space<vmem>>, vector<1x16xf32>,
          %get3A_1124 = vector.shape_cast %get3A_1123 : vector<1x16xf32> to vector<16xf32>
          %mul3A_1125 = arith.mulf %get3A_1124, %broadcast_in_dim3A_1116 : vector<16xf32>
          %swap3A_1126 = arith.index_cast %add3A_1120 : i32 to index
          %swap3A_1127 = arith.constant 0 : index
          %swap3A_1128 = tpu.vector_load %arg9[%swap3A_1126, %swap3A_1127] {strides = array<i32>} : memref<64x128xf32, #tpu.memory_space<vmem>>, vector<1x16xf32>,
          %swap3A_1129 = vector.shape_cast %swap3A_1128 : vector<1x16xf32> to vector<16xf32>
          %swap3A_1130 = vector.shape_cast %mul3A_1125 : vector<16xf32> to vector<1x16xf32>
          tpu.vector_store %arg9[%swap3A_1126, %swap3A_1127], %swap3A_1130 {strides = array<i32>} : memref<64x128xf32, #tpu.memory_space<vmem>>, vector<1x16xf32>,
          %get3A_1131 = arith.index_cast %add3A_1120 : i32 to index
          %get3A_1132 = arith.constant 16 : index
          %get3A_1133 = tpu.vector_load %arg9[%get3A_1131, %get3A_1132] {strides = array<i32>} : memref<64x128xf32, #tpu.memory_space<vmem>>, vector<1x16xf32>,
          %get3A_1134 = vector.shape_cast %get3A_1133 : vector<1x16xf32> to vector<16xf32>
          %mul3A_1135 = arith.mulf %get3A_1134, %broadcast_in_dim3A_1116 : vector<16xf32>
          %swap3A_1136 = arith.index_cast %add3A_1120 : i32 to index
          %swap3A_1137 = arith.constant 16 : index
          %swap3A_1138 = tpu.vector_load %arg9[%swap3A_1136, %swap3A_1137] {strides = array<i32>} : memref<64x128xf32, #tpu.memory_space<vmem>>, vector<1x16xf32>,
          %swap3A_1139 = vector.shape_cast %swap3A_1138 : vector<1x16xf32> to vector<16xf32>
          %swap3A_1140 = vector.shape_cast %mul3A_1135 : vector<16xf32> to vector<1x16xf32>
          tpu.vector_store %arg9[%swap3A_1136, %swap3A_1137], %swap3A_1140 {strides = array<i32>} : memref<64x128xf32, #tpu.memory_space<vmem>>, vector<1x16xf32>,
          %get3A_1141 = arith.index_cast %add3A_1120 : i32 to index
          %get3A_1142 = arith.constant 32 : index
          %get3A_1143 = tpu.vector_load %arg9[%get3A_1141, %get3A_1142] {strides = array<i32>} : memref<64x128xf32, #tpu.memory_space<vmem>>, vector<1x16xf32>,
          %get3A_1144 = vector.shape_cast %get3A_1143 : vector<1x16xf32> to vector<16xf32>
          %mul3A_1145 = arith.mulf %get3A_1144, %broadcast_in_dim3A_1116 : vector<16xf32>
          %swap3A_1146 = arith.index_cast %add3A_1120 : i32 to index
          %swap3A_1147 = arith.constant 32 : index
          %swap3A_1148 = tpu.vector_load %arg9[%swap3A_1146, %swap3A_1147] {strides = array<i32>} : memref<64x128xf32, #tpu.memory_space<vmem>>, vector<1x16xf32>,
          %swap3A_1149 = vector.shape_cast %swap3A_1148 : vector<1x16xf32> to vector<16xf32>
          %swap3A_1150 = vector.shape_cast %mul3A_1145 : vector<16xf32> to vector<1x16xf32>
          tpu.vector_store %arg9[%swap3A_1146, %swap3A_1147], %swap3A_1150 {strides = array<i32>} : memref<64x128xf32, #tpu.memory_space<vmem>>, vector<1x16xf32>,
          %get3A_1151 = arith.index_cast %add3A_1120 : i32 to index
          %get3A_1152 = arith.constant 48 : index
          %get3A_1153 = tpu.vector_load %arg9[%get3A_1151, %get3A_1152] {strides = array<i32>} : memref<64x128xf32, #tpu.memory_space<vmem>>, vector<1x16xf32>,
          %get3A_1154 = vector.shape_cast %get3A_1153 : vector<1x16xf32> to vector<16xf32>
          %mul3A_1155 = arith.mulf %get3A_1154, %broadcast_in_dim3A_1116 : vector<16xf32>
          %swap3A_1156 = arith.index_cast %add3A_1120 : i32 to index
          %swap3A_1157 = arith.constant 48 : index
          %swap3A_1158 = tpu.vector_load %arg9[%swap3A_1156, %swap3A_1157] {strides = array<i32>} : memref<64x128xf32, #tpu.memory_space<vmem>>, vector<1x16xf32>,
          %swap3A_1159 = vector.shape_cast %swap3A_1158 : vector<1x16xf32> to vector<16xf32>
          %swap3A_1160 = vector.shape_cast %mul3A_1155 : vector<16xf32> to vector<1x16xf32>
          tpu.vector_store %arg9[%swap3A_1156, %swap3A_1157], %swap3A_1160 {strides = array<i32>} : memref<64x128xf32, #tpu.memory_space<vmem>>, vector<1x16xf32>,
          %get3A_1161 = arith.index_cast %add3A_1120 : i32 to index
          %get3A_1162 = arith.constant 64 : index
          %get3A_1163 = tpu.vector_load %arg9[%get3A_1161, %get3A_1162] {strides = array<i32>} : memref<64x128xf32, #tpu.memory_space<vmem>>, vector<1x16xf32>,
          %get3A_1164 = vector.shape_cast %get3A_1163 : vector<1x16xf32> to vector<16xf32>
          %mul3A_1165 = arith.mulf %get3A_1164, %broadcast_in_dim3A_1116 : vector<16xf32>
          %swap3A_1166 = arith.index_cast %add3A_1120 : i32 to index
          %swap3A_1167 = arith.constant 64 : index
          %swap3A_1168 = tpu.vector_load %arg9[%swap3A_1166, %swap3A_1167] {strides = array<i32>} : memref<64x128xf32, #tpu.memory_space<vmem>>, vector<1x16xf32>,
          %swap3A_1169 = vector.shape_cast %swap3A_1168 : vector<1x16xf32> to vector<16xf32>
          %swap3A_1170 = vector.shape_cast %mul3A_1165 : vector<16xf32> to vector<1x16xf32>
          tpu.vector_store %arg9[%swap3A_1166, %swap3A_1167], %swap3A_1170 {strides = array<i32>} : memref<64x128xf32, #tpu.memory_space<vmem>>, vector<1x16xf32>,
          %get3A_1171 = arith.index_cast %add3A_1120 : i32 to index
          %get3A_1172 = arith.constant 80 : index
          %get3A_1173 = tpu.vector_load %arg9[%get3A_1171, %get3A_1172] {strides = array<i32>} : memref<64x128xf32, #tpu.memory_space<vmem>>, vector<1x16xf32>,
          %get3A_1174 = vector.shape_cast %get3A_1173 : vector<1x16xf32> to vector<16xf32>
          %mul3A_1175 = arith.mulf %get3A_1174, %broadcast_in_dim3A_1116 : vector<16xf32>
          %swap3A_1176 = arith.index_cast %add3A_1120 : i32 to index
          %swap3A_1177 = arith.constant 80 : index
          %swap3A_1178 = tpu.vector_load %arg9[%swap3A_1176, %swap3A_1177] {strides = array<i32>} : memref<64x128xf32, #tpu.memory_space<vmem>>, vector<1x16xf32>,
          %swap3A_1179 = vector.shape_cast %swap3A_1178 : vector<1x16xf32> to vector<16xf32>
          %swap3A_1180 = vector.shape_cast %mul3A_1175 : vector<16xf32> to vector<1x16xf32>
          tpu.vector_store %arg9[%swap3A_1176, %swap3A_1177], %swap3A_1180 {strides = array<i32>} : memref<64x128xf32, #tpu.memory_space<vmem>>, vector<1x16xf32>,
          %get3A_1181 = arith.index_cast %add3A_1120 : i32 to index
          %get3A_1182 = arith.constant 96 : index
          %get3A_1183 = tpu.vector_load %arg9[%get3A_1181, %get3A_1182] {strides = array<i32>} : memref<64x128xf32, #tpu.memory_space<vmem>>, vector<1x16xf32>,
          %get3A_1184 = vector.shape_cast %get3A_1183 : vector<1x16xf32> to vector<16xf32>
          %mul3A_1185 = arith.mulf %get3A_1184, %broadcast_in_dim3A_1116 : vector<16xf32>
          %swap3A_1186 = arith.index_cast %add3A_1120 : i32 to index
          %swap3A_1187 = arith.constant 96 : index
          %swap3A_1188 = tpu.vector_load %arg9[%swap3A_1186, %swap3A_1187] {strides = array<i32>} : memref<64x128xf32, #tpu.memory_space<vmem>>, vector<1x16xf32>,
          %swap3A_1189 = vector.shape_cast %swap3A_1188 : vector<1x16xf32> to vector<16xf32>
          %swap3A_1190 = vector.shape_cast %mul3A_1185 : vector<16xf32> to vector<1x16xf32>
          tpu.vector_store %arg9[%swap3A_1186, %swap3A_1187], %swap3A_1190 {strides = array<i32>} : memref<64x128xf32, #tpu.memory_space<vmem>>, vector<1x16xf32>,
          %get3A_1191 = arith.index_cast %add3A_1120 : i32 to index
          %get3A_1192 = arith.constant 112 : index
          %get3A_1193 = tpu.vector_load %arg9[%get3A_1191, %get3A_1192] {strides = array<i32>} : memref<64x128xf32, #tpu.memory_space<vmem>>, vector<1x16xf32>,
          %get3A_1194 = vector.shape_cast %get3A_1193 : vector<1x16xf32> to vector<16xf32>
          %mul3A_1195 = arith.mulf %get3A_1194, %broadcast_in_dim3A_1116 : vector<16xf32>
          %swap3A_1196 = arith.index_cast %add3A_1120 : i32 to index
          %swap3A_1197 = arith.constant 112 : index
          %swap3A_1198 = tpu.vector_load %arg9[%swap3A_1196, %swap3A_1197] {strides = array<i32>} : memref<64x128xf32, #tpu.memory_space<vmem>>, vector<1x16xf32>,
          %swap3A_1199 = vector.shape_cast %swap3A_1198 : vector<1x16xf32> to vector<16xf32>
          %swap3A_1200 = vector.shape_cast %mul3A_1195 : vector<16xf32> to vector<1x16xf32>
          tpu.vector_store %arg9[%swap3A_1196, %swap3A_1197], %swap3A_1200 {strides = array<i32>} : memref<64x128xf32, #tpu.memory_space<vmem>>, vector<1x16xf32>,
          %slice3A_1201 = vector.extract_strided_slice %get3A_332 {offsets = [10], sizes = [1], strides = [1]} : vector<16xf32> to vector<1xf32>
          %squeeze3A_1202 = vector.extract %slice3A_1201[0] : f32 from vector<1xf32>
          %broadcast_in_dim3A_1203 = vector.broadcast %squeeze3A_1202 : f32 to vector<16xf32>
          %mul3A_1204 = arith.constant 16 : i32
          %mul3A_1205 = arith.muli %add3A_325, %mul3A_1204 : i32
          %add3A_1206 = arith.constant 10 : i32
          %add3A_1207 = arith.addi %mul3A_1205, %add3A_1206 : i32
          %get3A_1208 = arith.index_cast %add3A_1207 : i32 to index
          %get3A_1209 = arith.constant 0 : index
          %get3A_1210 = tpu.vector_load %arg9[%get3A_1208, %get3A_1209] {strides = array<i32>} : memref<64x128xf32, #tpu.memory_space<vmem>>, vector<1x16xf32>,
          %get3A_1211 = vector.shape_cast %get3A_1210 : vector<1x16xf32> to vector<16xf32>
          %mul3A_1212 = arith.mulf %get3A_1211, %broadcast_in_dim3A_1203 : vector<16xf32>
          %swap3A_1213 = arith.index_cast %add3A_1207 : i32 to index
          %swap3A_1214 = arith.constant 0 : index
          %swap3A_1215 = tpu.vector_load %arg9[%swap3A_1213, %swap3A_1214] {strides = array<i32>} : memref<64x128xf32, #tpu.memory_space<vmem>>, vector<1x16xf32>,
          %swap3A_1216 = vector.shape_cast %swap3A_1215 : vector<1x16xf32> to vector<16xf32>
          %swap3A_1217 = vector.shape_cast %mul3A_1212 : vector<16xf32> to vector<1x16xf32>
          tpu.vector_store %arg9[%swap3A_1213, %swap3A_1214], %swap3A_1217 {strides = array<i32>} : memref<64x128xf32, #tpu.memory_space<vmem>>, vector<1x16xf32>,
          %get3A_1218 = arith.index_cast %add3A_1207 : i32 to index
          %get3A_1219 = arith.constant 16 : index
          %get3A_1220 = tpu.vector_load %arg9[%get3A_1218, %get3A_1219] {strides = array<i32>} : memref<64x128xf32, #tpu.memory_space<vmem>>, vector<1x16xf32>,
          %get3A_1221 = vector.shape_cast %get3A_1220 : vector<1x16xf32> to vector<16xf32>
          %mul3A_1222 = arith.mulf %get3A_1221, %broadcast_in_dim3A_1203 : vector<16xf32>
          %swap3A_1223 = arith.index_cast %add3A_1207 : i32 to index
          %swap3A_1224 = arith.constant 16 : index
          %swap3A_1225 = tpu.vector_load %arg9[%swap3A_1223, %swap3A_1224] {strides = array<i32>} : memref<64x128xf32, #tpu.memory_space<vmem>>, vector<1x16xf32>,
          %swap3A_1226 = vector.shape_cast %swap3A_1225 : vector<1x16xf32> to vector<16xf32>
          %swap3A_1227 = vector.shape_cast %mul3A_1222 : vector<16xf32> to vector<1x16xf32>
          tpu.vector_store %arg9[%swap3A_1223, %swap3A_1224], %swap3A_1227 {strides = array<i32>} : memref<64x128xf32, #tpu.memory_space<vmem>>, vector<1x16xf32>,
          %get3A_1228 = arith.index_cast %add3A_1207 : i32 to index
          %get3A_1229 = arith.constant 32 : index
          %get3A_1230 = tpu.vector_load %arg9[%get3A_1228, %get3A_1229] {strides = array<i32>} : memref<64x128xf32, #tpu.memory_space<vmem>>, vector<1x16xf32>,
          %get3A_1231 = vector.shape_cast %get3A_1230 : vector<1x16xf32> to vector<16xf32>
          %mul3A_1232 = arith.mulf %get3A_1231, %broadcast_in_dim3A_1203 : vector<16xf32>
          %swap3A_1233 = arith.index_cast %add3A_1207 : i32 to index
          %swap3A_1234 = arith.constant 32 : index
          %swap3A_1235 = tpu.vector_load %arg9[%swap3A_1233, %swap3A_1234] {strides = array<i32>} : memref<64x128xf32, #tpu.memory_space<vmem>>, vector<1x16xf32>,
          %swap3A_1236 = vector.shape_cast %swap3A_1235 : vector<1x16xf32> to vector<16xf32>
          %swap3A_1237 = vector.shape_cast %mul3A_1232 : vector<16xf32> to vector<1x16xf32>
          tpu.vector_store %arg9[%swap3A_1233, %swap3A_1234], %swap3A_1237 {strides = array<i32>} : memref<64x128xf32, #tpu.memory_space<vmem>>, vector<1x16xf32>,
          %get3A_1238 = arith.index_cast %add3A_1207 : i32 to index
          %get3A_1239 = arith.constant 48 : index
          %get3A_1240 = tpu.vector_load %arg9[%get3A_1238, %get3A_1239] {strides = array<i32>} : memref<64x128xf32, #tpu.memory_space<vmem>>, vector<1x16xf32>,
          %get3A_1241 = vector.shape_cast %get3A_1240 : vector<1x16xf32> to vector<16xf32>
          %mul3A_1242 = arith.mulf %get3A_1241, %broadcast_in_dim3A_1203 : vector<16xf32>
          %swap3A_1243 = arith.index_cast %add3A_1207 : i32 to index
          %swap3A_1244 = arith.constant 48 : index
          %swap3A_1245 = tpu.vector_load %arg9[%swap3A_1243, %swap3A_1244] {strides = array<i32>} : memref<64x128xf32, #tpu.memory_space<vmem>>, vector<1x16xf32>,
          %swap3A_1246 = vector.shape_cast %swap3A_1245 : vector<1x16xf32> to vector<16xf32>
          %swap3A_1247 = vector.shape_cast %mul3A_1242 : vector<16xf32> to vector<1x16xf32>
          tpu.vector_store %arg9[%swap3A_1243, %swap3A_1244], %swap3A_1247 {strides = array<i32>} : memref<64x128xf32, #tpu.memory_space<vmem>>, vector<1x16xf32>,
          %get3A_1248 = arith.index_cast %add3A_1207 : i32 to index
          %get3A_1249 = arith.constant 64 : index
          %get3A_1250 = tpu.vector_load %arg9[%get3A_1248, %get3A_1249] {strides = array<i32>} : memref<64x128xf32, #tpu.memory_space<vmem>>, vector<1x16xf32>,
          %get3A_1251 = vector.shape_cast %get3A_1250 : vector<1x16xf32> to vector<16xf32>
          %mul3A_1252 = arith.mulf %get3A_1251, %broadcast_in_dim3A_1203 : vector<16xf32>
          %swap3A_1253 = arith.index_cast %add3A_1207 : i32 to index
          %swap3A_1254 = arith.constant 64 : index
          %swap3A_1255 = tpu.vector_load %arg9[%swap3A_1253, %swap3A_1254] {strides = array<i32>} : memref<64x128xf32, #tpu.memory_space<vmem>>, vector<1x16xf32>,
          %swap3A_1256 = vector.shape_cast %swap3A_1255 : vector<1x16xf32> to vector<16xf32>
          %swap3A_1257 = vector.shape_cast %mul3A_1252 : vector<16xf32> to vector<1x16xf32>
          tpu.vector_store %arg9[%swap3A_1253, %swap3A_1254], %swap3A_1257 {strides = array<i32>} : memref<64x128xf32, #tpu.memory_space<vmem>>, vector<1x16xf32>,
          %get3A_1258 = arith.index_cast %add3A_1207 : i32 to index
          %get3A_1259 = arith.constant 80 : index
          %get3A_1260 = tpu.vector_load %arg9[%get3A_1258, %get3A_1259] {strides = array<i32>} : memref<64x128xf32, #tpu.memory_space<vmem>>, vector<1x16xf32>,
          %get3A_1261 = vector.shape_cast %get3A_1260 : vector<1x16xf32> to vector<16xf32>
          %mul3A_1262 = arith.mulf %get3A_1261, %broadcast_in_dim3A_1203 : vector<16xf32>
          %swap3A_1263 = arith.index_cast %add3A_1207 : i32 to index
          %swap3A_1264 = arith.constant 80 : index
          %swap3A_1265 = tpu.vector_load %arg9[%swap3A_1263, %swap3A_1264] {strides = array<i32>} : memref<64x128xf32, #tpu.memory_space<vmem>>, vector<1x16xf32>,
          %swap3A_1266 = vector.shape_cast %swap3A_1265 : vector<1x16xf32> to vector<16xf32>
          %swap3A_1267 = vector.shape_cast %mul3A_1262 : vector<16xf32> to vector<1x16xf32>
          tpu.vector_store %arg9[%swap3A_1263, %swap3A_1264], %swap3A_1267 {strides = array<i32>} : memref<64x128xf32, #tpu.memory_space<vmem>>, vector<1x16xf32>,
          %get3A_1268 = arith.index_cast %add3A_1207 : i32 to index
          %get3A_1269 = arith.constant 96 : index
          %get3A_1270 = tpu.vector_load %arg9[%get3A_1268, %get3A_1269] {strides = array<i32>} : memref<64x128xf32, #tpu.memory_space<vmem>>, vector<1x16xf32>,
          %get3A_1271 = vector.shape_cast %get3A_1270 : vector<1x16xf32> to vector<16xf32>
          %mul3A_1272 = arith.mulf %get3A_1271, %broadcast_in_dim3A_1203 : vector<16xf32>
          %swap3A_1273 = arith.index_cast %add3A_1207 : i32 to index
          %swap3A_1274 = arith.constant 96 : index
          %swap3A_1275 = tpu.vector_load %arg9[%swap3A_1273, %swap3A_1274] {strides = array<i32>} : memref<64x128xf32, #tpu.memory_space<vmem>>, vector<1x16xf32>,
          %swap3A_1276 = vector.shape_cast %swap3A_1275 : vector<1x16xf32> to vector<16xf32>
          %swap3A_1277 = vector.shape_cast %mul3A_1272 : vector<16xf32> to vector<1x16xf32>
          tpu.vector_store %arg9[%swap3A_1273, %swap3A_1274], %swap3A_1277 {strides = array<i32>} : memref<64x128xf32, #tpu.memory_space<vmem>>, vector<1x16xf32>,
          %get3A_1278 = arith.index_cast %add3A_1207 : i32 to index
          %get3A_1279 = arith.constant 112 : index
          %get3A_1280 = tpu.vector_load %arg9[%get3A_1278, %get3A_1279] {strides = array<i32>} : memref<64x128xf32, #tpu.memory_space<vmem>>, vector<1x16xf32>,
          %get3A_1281 = vector.shape_cast %get3A_1280 : vector<1x16xf32> to vector<16xf32>
          %mul3A_1282 = arith.mulf %get3A_1281, %broadcast_in_dim3A_1203 : vector<16xf32>
          %swap3A_1283 = arith.index_cast %add3A_1207 : i32 to index
          %swap3A_1284 = arith.constant 112 : index
          %swap3A_1285 = tpu.vector_load %arg9[%swap3A_1283, %swap3A_1284] {strides = array<i32>} : memref<64x128xf32, #tpu.memory_space<vmem>>, vector<1x16xf32>,
          %swap3A_1286 = vector.shape_cast %swap3A_1285 : vector<1x16xf32> to vector<16xf32>
          %swap3A_1287 = vector.shape_cast %mul3A_1282 : vector<16xf32> to vector<1x16xf32>
          tpu.vector_store %arg9[%swap3A_1283, %swap3A_1284], %swap3A_1287 {strides = array<i32>} : memref<64x128xf32, #tpu.memory_space<vmem>>, vector<1x16xf32>,
          %slice3A_1288 = vector.extract_strided_slice %get3A_332 {offsets = [11], sizes = [1], strides = [1]} : vector<16xf32> to vector<1xf32>
          %squeeze3A_1289 = vector.extract %slice3A_1288[0] : f32 from vector<1xf32>
          %broadcast_in_dim3A_1290 = vector.broadcast %squeeze3A_1289 : f32 to vector<16xf32>
          %mul3A_1291 = arith.constant 16 : i32
          %mul3A_1292 = arith.muli %add3A_325, %mul3A_1291 : i32
          %add3A_1293 = arith.constant 11 : i32
          %add3A_1294 = arith.addi %mul3A_1292, %add3A_1293 : i32
          %get3A_1295 = arith.index_cast %add3A_1294 : i32 to index
          %get3A_1296 = arith.constant 0 : index
          %get3A_1297 = tpu.vector_load %arg9[%get3A_1295, %get3A_1296] {strides = array<i32>} : memref<64x128xf32, #tpu.memory_space<vmem>>, vector<1x16xf32>,
          %get3A_1298 = vector.shape_cast %get3A_1297 : vector<1x16xf32> to vector<16xf32>
          %mul3A_1299 = arith.mulf %get3A_1298, %broadcast_in_dim3A_1290 : vector<16xf32>
          %swap3A_1300 = arith.index_cast %add3A_1294 : i32 to index
          %swap3A_1301 = arith.constant 0 : index
          %swap3A_1302 = tpu.vector_load %arg9[%swap3A_1300, %swap3A_1301] {strides = array<i32>} : memref<64x128xf32, #tpu.memory_space<vmem>>, vector<1x16xf32>,
          %swap3A_1303 = vector.shape_cast %swap3A_1302 : vector<1x16xf32> to vector<16xf32>
          %swap3A_1304 = vector.shape_cast %mul3A_1299 : vector<16xf32> to vector<1x16xf32>
          tpu.vector_store %arg9[%swap3A_1300, %swap3A_1301], %swap3A_1304 {strides = array<i32>} : memref<64x128xf32, #tpu.memory_space<vmem>>, vector<1x16xf32>,
          %get3A_1305 = arith.index_cast %add3A_1294 : i32 to index
          %get3A_1306 = arith.constant 16 : index
          %get3A_1307 = tpu.vector_load %arg9[%get3A_1305, %get3A_1306] {strides = array<i32>} : memref<64x128xf32, #tpu.memory_space<vmem>>, vector<1x16xf32>,
          %get3A_1308 = vector.shape_cast %get3A_1307 : vector<1x16xf32> to vector<16xf32>
          %mul3A_1309 = arith.mulf %get3A_1308, %broadcast_in_dim3A_1290 : vector<16xf32>
          %swap3A_1310 = arith.index_cast %add3A_1294 : i32 to index
          %swap3A_1311 = arith.constant 16 : index
          %swap3A_1312 = tpu.vector_load %arg9[%swap3A_1310, %swap3A_1311] {strides = array<i32>} : memref<64x128xf32, #tpu.memory_space<vmem>>, vector<1x16xf32>,
          %swap3A_1313 = vector.shape_cast %swap3A_1312 : vector<1x16xf32> to vector<16xf32>
          %swap3A_1314 = vector.shape_cast %mul3A_1309 : vector<16xf32> to vector<1x16xf32>
          tpu.vector_store %arg9[%swap3A_1310, %swap3A_1311], %swap3A_1314 {strides = array<i32>} : memref<64x128xf32, #tpu.memory_space<vmem>>, vector<1x16xf32>,
          %get3A_1315 = arith.index_cast %add3A_1294 : i32 to index
          %get3A_1316 = arith.constant 32 : index
          %get3A_1317 = tpu.vector_load %arg9[%get3A_1315, %get3A_1316] {strides = array<i32>} : memref<64x128xf32, #tpu.memory_space<vmem>>, vector<1x16xf32>,
          %get3A_1318 = vector.shape_cast %get3A_1317 : vector<1x16xf32> to vector<16xf32>
          %mul3A_1319 = arith.mulf %get3A_1318, %broadcast_in_dim3A_1290 : vector<16xf32>
          %swap3A_1320 = arith.index_cast %add3A_1294 : i32 to index
          %swap3A_1321 = arith.constant 32 : index
          %swap3A_1322 = tpu.vector_load %arg9[%swap3A_1320, %swap3A_1321] {strides = array<i32>} : memref<64x128xf32, #tpu.memory_space<vmem>>, vector<1x16xf32>,
          %swap3A_1323 = vector.shape_cast %swap3A_1322 : vector<1x16xf32> to vector<16xf32>
          %swap3A_1324 = vector.shape_cast %mul3A_1319 : vector<16xf32> to vector<1x16xf32>
          tpu.vector_store %arg9[%swap3A_1320, %swap3A_1321], %swap3A_1324 {strides = array<i32>} : memref<64x128xf32, #tpu.memory_space<vmem>>, vector<1x16xf32>,
          %get3A_1325 = arith.index_cast %add3A_1294 : i32 to index
          %get3A_1326 = arith.constant 48 : index
          %get3A_1327 = tpu.vector_load %arg9[%get3A_1325, %get3A_1326] {strides = array<i32>} : memref<64x128xf32, #tpu.memory_space<vmem>>, vector<1x16xf32>,
          %get3A_1328 = vector.shape_cast %get3A_1327 : vector<1x16xf32> to vector<16xf32>
          %mul3A_1329 = arith.mulf %get3A_1328, %broadcast_in_dim3A_1290 : vector<16xf32>
          %swap3A_1330 = arith.index_cast %add3A_1294 : i32 to index
          %swap3A_1331 = arith.constant 48 : index
          %swap3A_1332 = tpu.vector_load %arg9[%swap3A_1330, %swap3A_1331] {strides = array<i32>} : memref<64x128xf32, #tpu.memory_space<vmem>>, vector<1x16xf32>,
          %swap3A_1333 = vector.shape_cast %swap3A_1332 : vector<1x16xf32> to vector<16xf32>
          %swap3A_1334 = vector.shape_cast %mul3A_1329 : vector<16xf32> to vector<1x16xf32>
          tpu.vector_store %arg9[%swap3A_1330, %swap3A_1331], %swap3A_1334 {strides = array<i32>} : memref<64x128xf32, #tpu.memory_space<vmem>>, vector<1x16xf32>,
          %get3A_1335 = arith.index_cast %add3A_1294 : i32 to index
          %get3A_1336 = arith.constant 64 : index
          %get3A_1337 = tpu.vector_load %arg9[%get3A_1335, %get3A_1336] {strides = array<i32>} : memref<64x128xf32, #tpu.memory_space<vmem>>, vector<1x16xf32>,
          %get3A_1338 = vector.shape_cast %get3A_1337 : vector<1x16xf32> to vector<16xf32>
          %mul3A_1339 = arith.mulf %get3A_1338, %broadcast_in_dim3A_1290 : vector<16xf32>
          %swap3A_1340 = arith.index_cast %add3A_1294 : i32 to index
          %swap3A_1341 = arith.constant 64 : index
          %swap3A_1342 = tpu.vector_load %arg9[%swap3A_1340, %swap3A_1341] {strides = array<i32>} : memref<64x128xf32, #tpu.memory_space<vmem>>, vector<1x16xf32>,
          %swap3A_1343 = vector.shape_cast %swap3A_1342 : vector<1x16xf32> to vector<16xf32>
          %swap3A_1344 = vector.shape_cast %mul3A_1339 : vector<16xf32> to vector<1x16xf32>
          tpu.vector_store %arg9[%swap3A_1340, %swap3A_1341], %swap3A_1344 {strides = array<i32>} : memref<64x128xf32, #tpu.memory_space<vmem>>, vector<1x16xf32>,
          %get3A_1345 = arith.index_cast %add3A_1294 : i32 to index
          %get3A_1346 = arith.constant 80 : index
          %get3A_1347 = tpu.vector_load %arg9[%get3A_1345, %get3A_1346] {strides = array<i32>} : memref<64x128xf32, #tpu.memory_space<vmem>>, vector<1x16xf32>,
          %get3A_1348 = vector.shape_cast %get3A_1347 : vector<1x16xf32> to vector<16xf32>
          %mul3A_1349 = arith.mulf %get3A_1348, %broadcast_in_dim3A_1290 : vector<16xf32>
          %swap3A_1350 = arith.index_cast %add3A_1294 : i32 to index
          %swap3A_1351 = arith.constant 80 : index
          %swap3A_1352 = tpu.vector_load %arg9[%swap3A_1350, %swap3A_1351] {strides = array<i32>} : memref<64x128xf32, #tpu.memory_space<vmem>>, vector<1x16xf32>,
          %swap3A_1353 = vector.shape_cast %swap3A_1352 : vector<1x16xf32> to vector<16xf32>
          %swap3A_1354 = vector.shape_cast %mul3A_1349 : vector<16xf32> to vector<1x16xf32>
          tpu.vector_store %arg9[%swap3A_1350, %swap3A_1351], %swap3A_1354 {strides = array<i32>} : memref<64x128xf32, #tpu.memory_space<vmem>>, vector<1x16xf32>,
          %get3A_1355 = arith.index_cast %add3A_1294 : i32 to index
          %get3A_1356 = arith.constant 96 : index
          %get3A_1357 = tpu.vector_load %arg9[%get3A_1355, %get3A_1356] {strides = array<i32>} : memref<64x128xf32, #tpu.memory_space<vmem>>, vector<1x16xf32>,
          %get3A_1358 = vector.shape_cast %get3A_1357 : vector<1x16xf32> to vector<16xf32>
          %mul3A_1359 = arith.mulf %get3A_1358, %broadcast_in_dim3A_1290 : vector<16xf32>
          %swap3A_1360 = arith.index_cast %add3A_1294 : i32 to index
          %swap3A_1361 = arith.constant 96 : index
          %swap3A_1362 = tpu.vector_load %arg9[%swap3A_1360, %swap3A_1361] {strides = array<i32>} : memref<64x128xf32, #tpu.memory_space<vmem>>, vector<1x16xf32>,
          %swap3A_1363 = vector.shape_cast %swap3A_1362 : vector<1x16xf32> to vector<16xf32>
          %swap3A_1364 = vector.shape_cast %mul3A_1359 : vector<16xf32> to vector<1x16xf32>
          tpu.vector_store %arg9[%swap3A_1360, %swap3A_1361], %swap3A_1364 {strides = array<i32>} : memref<64x128xf32, #tpu.memory_space<vmem>>, vector<1x16xf32>,
          %get3A_1365 = arith.index_cast %add3A_1294 : i32 to index
          %get3A_1366 = arith.constant 112 : index
          %get3A_1367 = tpu.vector_load %arg9[%get3A_1365, %get3A_1366] {strides = array<i32>} : memref<64x128xf32, #tpu.memory_space<vmem>>, vector<1x16xf32>,
          %get3A_1368 = vector.shape_cast %get3A_1367 : vector<1x16xf32> to vector<16xf32>
          %mul3A_1369 = arith.mulf %get3A_1368, %broadcast_in_dim3A_1290 : vector<16xf32>
          %swap3A_1370 = arith.index_cast %add3A_1294 : i32 to index
          %swap3A_1371 = arith.constant 112 : index
          %swap3A_1372 = tpu.vector_load %arg9[%swap3A_1370, %swap3A_1371] {strides = array<i32>} : memref<64x128xf32, #tpu.memory_space<vmem>>, vector<1x16xf32>,
          %swap3A_1373 = vector.shape_cast %swap3A_1372 : vector<1x16xf32> to vector<16xf32>
          %swap3A_1374 = vector.shape_cast %mul3A_1369 : vector<16xf32> to vector<1x16xf32>
          tpu.vector_store %arg9[%swap3A_1370, %swap3A_1371], %swap3A_1374 {strides = array<i32>} : memref<64x128xf32, #tpu.memory_space<vmem>>, vector<1x16xf32>,
          %slice3A_1375 = vector.extract_strided_slice %get3A_332 {offsets = [12], sizes = [1], strides = [1]} : vector<16xf32> to vector<1xf32>
          %squeeze3A_1376 = vector.extract %slice3A_1375[0] : f32 from vector<1xf32>
          %broadcast_in_dim3A_1377 = vector.broadcast %squeeze3A_1376 : f32 to vector<16xf32>
          %mul3A_1378 = arith.constant 16 : i32
          %mul3A_1379 = arith.muli %add3A_325, %mul3A_1378 : i32
          %add3A_1380 = arith.constant 12 : i32
          %add3A_1381 = arith.addi %mul3A_1379, %add3A_1380 : i32
          %get3A_1382 = arith.index_cast %add3A_1381 : i32 to index
          %get3A_1383 = arith.constant 0 : index
          %get3A_1384 = tpu.vector_load %arg9[%get3A_1382, %get3A_1383] {strides = array<i32>} : memref<64x128xf32, #tpu.memory_space<vmem>>, vector<1x16xf32>,
          %get3A_1385 = vector.shape_cast %get3A_1384 : vector<1x16xf32> to vector<16xf32>
          %mul3A_1386 = arith.mulf %get3A_1385, %broadcast_in_dim3A_1377 : vector<16xf32>
          %swap3A_1387 = arith.index_cast %add3A_1381 : i32 to index
          %swap3A_1388 = arith.constant 0 : index
          %swap3A_1389 = tpu.vector_load %arg9[%swap3A_1387, %swap3A_1388] {strides = array<i32>} : memref<64x128xf32, #tpu.memory_space<vmem>>, vector<1x16xf32>,
          %swap3A_1390 = vector.shape_cast %swap3A_1389 : vector<1x16xf32> to vector<16xf32>
          %swap3A_1391 = vector.shape_cast %mul3A_1386 : vector<16xf32> to vector<1x16xf32>
          tpu.vector_store %arg9[%swap3A_1387, %swap3A_1388], %swap3A_1391 {strides = array<i32>} : memref<64x128xf32, #tpu.memory_space<vmem>>, vector<1x16xf32>,
          %get3A_1392 = arith.index_cast %add3A_1381 : i32 to index
          %get3A_1393 = arith.constant 16 : index
          %get3A_1394 = tpu.vector_load %arg9[%get3A_1392, %get3A_1393] {strides = array<i32>} : memref<64x128xf32, #tpu.memory_space<vmem>>, vector<1x16xf32>,
          %get3A_1395 = vector.shape_cast %get3A_1394 : vector<1x16xf32> to vector<16xf32>
          %mul3A_1396 = arith.mulf %get3A_1395, %broadcast_in_dim3A_1377 : vector<16xf32>
          %swap3A_1397 = arith.index_cast %add3A_1381 : i32 to index
          %swap3A_1398 = arith.constant 16 : index
          %swap3A_1399 = tpu.vector_load %arg9[%swap3A_1397, %swap3A_1398] {strides = array<i32>} : memref<64x128xf32, #tpu.memory_space<vmem>>, vector<1x16xf32>,
          %swap3A_1400 = vector.shape_cast %swap3A_1399 : vector<1x16xf32> to vector<16xf32>
          %swap3A_1401 = vector.shape_cast %mul3A_1396 : vector<16xf32> to vector<1x16xf32>
          tpu.vector_store %arg9[%swap3A_1397, %swap3A_1398], %swap3A_1401 {strides = array<i32>} : memref<64x128xf32, #tpu.memory_space<vmem>>, vector<1x16xf32>,
          %get3A_1402 = arith.index_cast %add3A_1381 : i32 to index
          %get3A_1403 = arith.constant 32 : index
          %get3A_1404 = tpu.vector_load %arg9[%get3A_1402, %get3A_1403] {strides = array<i32>} : memref<64x128xf32, #tpu.memory_space<vmem>>, vector<1x16xf32>,
          %get3A_1405 = vector.shape_cast %get3A_1404 : vector<1x16xf32> to vector<16xf32>
          %mul3A_1406 = arith.mulf %get3A_1405, %broadcast_in_dim3A_1377 : vector<16xf32>
          %swap3A_1407 = arith.index_cast %add3A_1381 : i32 to index
          %swap3A_1408 = arith.constant 32 : index
          %swap3A_1409 = tpu.vector_load %arg9[%swap3A_1407, %swap3A_1408] {strides = array<i32>} : memref<64x128xf32, #tpu.memory_space<vmem>>, vector<1x16xf32>,
          %swap3A_1410 = vector.shape_cast %swap3A_1409 : vector<1x16xf32> to vector<16xf32>
          %swap3A_1411 = vector.shape_cast %mul3A_1406 : vector<16xf32> to vector<1x16xf32>
          tpu.vector_store %arg9[%swap3A_1407, %swap3A_1408], %swap3A_1411 {strides = array<i32>} : memref<64x128xf32, #tpu.memory_space<vmem>>, vector<1x16xf32>,
          %get3A_1412 = arith.index_cast %add3A_1381 : i32 to index
          %get3A_1413 = arith.constant 48 : index
          %get3A_1414 = tpu.vector_load %arg9[%get3A_1412, %get3A_1413] {strides = array<i32>} : memref<64x128xf32, #tpu.memory_space<vmem>>, vector<1x16xf32>,
          %get3A_1415 = vector.shape_cast %get3A_1414 : vector<1x16xf32> to vector<16xf32>
          %mul3A_1416 = arith.mulf %get3A_1415, %broadcast_in_dim3A_1377 : vector<16xf32>
          %swap3A_1417 = arith.index_cast %add3A_1381 : i32 to index
          %swap3A_1418 = arith.constant 48 : index
          %swap3A_1419 = tpu.vector_load %arg9[%swap3A_1417, %swap3A_1418] {strides = array<i32>} : memref<64x128xf32, #tpu.memory_space<vmem>>, vector<1x16xf32>,
          %swap3A_1420 = vector.shape_cast %swap3A_1419 : vector<1x16xf32> to vector<16xf32>
          %swap3A_1421 = vector.shape_cast %mul3A_1416 : vector<16xf32> to vector<1x16xf32>
          tpu.vector_store %arg9[%swap3A_1417, %swap3A_1418], %swap3A_1421 {strides = array<i32>} : memref<64x128xf32, #tpu.memory_space<vmem>>, vector<1x16xf32>,
          %get3A_1422 = arith.index_cast %add3A_1381 : i32 to index
          %get3A_1423 = arith.constant 64 : index
          %get3A_1424 = tpu.vector_load %arg9[%get3A_1422, %get3A_1423] {strides = array<i32>} : memref<64x128xf32, #tpu.memory_space<vmem>>, vector<1x16xf32>,
          %get3A_1425 = vector.shape_cast %get3A_1424 : vector<1x16xf32> to vector<16xf32>
          %mul3A_1426 = arith.mulf %get3A_1425, %broadcast_in_dim3A_1377 : vector<16xf32>
          %swap3A_1427 = arith.index_cast %add3A_1381 : i32 to index
          %swap3A_1428 = arith.constant 64 : index
          %swap3A_1429 = tpu.vector_load %arg9[%swap3A_1427, %swap3A_1428] {strides = array<i32>} : memref<64x128xf32, #tpu.memory_space<vmem>>, vector<1x16xf32>,
          %swap3A_1430 = vector.shape_cast %swap3A_1429 : vector<1x16xf32> to vector<16xf32>
          %swap3A_1431 = vector.shape_cast %mul3A_1426 : vector<16xf32> to vector<1x16xf32>
          tpu.vector_store %arg9[%swap3A_1427, %swap3A_1428], %swap3A_1431 {strides = array<i32>} : memref<64x128xf32, #tpu.memory_space<vmem>>, vector<1x16xf32>,
          %get3A_1432 = arith.index_cast %add3A_1381 : i32 to index
          %get3A_1433 = arith.constant 80 : index
          %get3A_1434 = tpu.vector_load %arg9[%get3A_1432, %get3A_1433] {strides = array<i32>} : memref<64x128xf32, #tpu.memory_space<vmem>>, vector<1x16xf32>,
          %get3A_1435 = vector.shape_cast %get3A_1434 : vector<1x16xf32> to vector<16xf32>
          %mul3A_1436 = arith.mulf %get3A_1435, %broadcast_in_dim3A_1377 : vector<16xf32>
          %swap3A_1437 = arith.index_cast %add3A_1381 : i32 to index
          %swap3A_1438 = arith.constant 80 : index
          %swap3A_1439 = tpu.vector_load %arg9[%swap3A_1437, %swap3A_1438] {strides = array<i32>} : memref<64x128xf32, #tpu.memory_space<vmem>>, vector<1x16xf32>,
          %swap3A_1440 = vector.shape_cast %swap3A_1439 : vector<1x16xf32> to vector<16xf32>
          %swap3A_1441 = vector.shape_cast %mul3A_1436 : vector<16xf32> to vector<1x16xf32>
          tpu.vector_store %arg9[%swap3A_1437, %swap3A_1438], %swap3A_1441 {strides = array<i32>} : memref<64x128xf32, #tpu.memory_space<vmem>>, vector<1x16xf32>,
          %get3A_1442 = arith.index_cast %add3A_1381 : i32 to index
          %get3A_1443 = arith.constant 96 : index
          %get3A_1444 = tpu.vector_load %arg9[%get3A_1442, %get3A_1443] {strides = array<i32>} : memref<64x128xf32, #tpu.memory_space<vmem>>, vector<1x16xf32>,
          %get3A_1445 = vector.shape_cast %get3A_1444 : vector<1x16xf32> to vector<16xf32>
          %mul3A_1446 = arith.mulf %get3A_1445, %broadcast_in_dim3A_1377 : vector<16xf32>
          %swap3A_1447 = arith.index_cast %add3A_1381 : i32 to index
          %swap3A_1448 = arith.constant 96 : index
          %swap3A_1449 = tpu.vector_load %arg9[%swap3A_1447, %swap3A_1448] {strides = array<i32>} : memref<64x128xf32, #tpu.memory_space<vmem>>, vector<1x16xf32>,
          %swap3A_1450 = vector.shape_cast %swap3A_1449 : vector<1x16xf32> to vector<16xf32>
          %swap3A_1451 = vector.shape_cast %mul3A_1446 : vector<16xf32> to vector<1x16xf32>
          tpu.vector_store %arg9[%swap3A_1447, %swap3A_1448], %swap3A_1451 {strides = array<i32>} : memref<64x128xf32, #tpu.memory_space<vmem>>, vector<1x16xf32>,
          %get3A_1452 = arith.index_cast %add3A_1381 : i32 to index
          %get3A_1453 = arith.constant 112 : index
          %get3A_1454 = tpu.vector_load %arg9[%get3A_1452, %get3A_1453] {strides = array<i32>} : memref<64x128xf32, #tpu.memory_space<vmem>>, vector<1x16xf32>,
          %get3A_1455 = vector.shape_cast %get3A_1454 : vector<1x16xf32> to vector<16xf32>
          %mul3A_1456 = arith.mulf %get3A_1455, %broadcast_in_dim3A_1377 : vector<16xf32>
          %swap3A_1457 = arith.index_cast %add3A_1381 : i32 to index
          %swap3A_1458 = arith.constant 112 : index
          %swap3A_1459 = tpu.vector_load %arg9[%swap3A_1457, %swap3A_1458] {strides = array<i32>} : memref<64x128xf32, #tpu.memory_space<vmem>>, vector<1x16xf32>,
          %swap3A_1460 = vector.shape_cast %swap3A_1459 : vector<1x16xf32> to vector<16xf32>
          %swap3A_1461 = vector.shape_cast %mul3A_1456 : vector<16xf32> to vector<1x16xf32>
          tpu.vector_store %arg9[%swap3A_1457, %swap3A_1458], %swap3A_1461 {strides = array<i32>} : memref<64x128xf32, #tpu.memory_space<vmem>>, vector<1x16xf32>,
          %slice3A_1462 = vector.extract_strided_slice %get3A_332 {offsets = [13], sizes = [1], strides = [1]} : vector<16xf32> to vector<1xf32>
          %squeeze3A_1463 = vector.extract %slice3A_1462[0] : f32 from vector<1xf32>
          %broadcast_in_dim3A_1464 = vector.broadcast %squeeze3A_1463 : f32 to vector<16xf32>
          %mul3A_1465 = arith.constant 16 : i32
          %mul3A_1466 = arith.muli %add3A_325, %mul3A_1465 : i32
          %add3A_1467 = arith.constant 13 : i32
          %add3A_1468 = arith.addi %mul3A_1466, %add3A_1467 : i32
          %get3A_1469 = arith.index_cast %add3A_1468 : i32 to index
          %get3A_1470 = arith.constant 0 : index
          %get3A_1471 = tpu.vector_load %arg9[%get3A_1469, %get3A_1470] {strides = array<i32>} : memref<64x128xf32, #tpu.memory_space<vmem>>, vector<1x16xf32>,
          %get3A_1472 = vector.shape_cast %get3A_1471 : vector<1x16xf32> to vector<16xf32>
          %mul3A_1473 = arith.mulf %get3A_1472, %broadcast_in_dim3A_1464 : vector<16xf32>
          %swap3A_1474 = arith.index_cast %add3A_1468 : i32 to index
          %swap3A_1475 = arith.constant 0 : index
          %swap3A_1476 = tpu.vector_load %arg9[%swap3A_1474, %swap3A_1475] {strides = array<i32>} : memref<64x128xf32, #tpu.memory_space<vmem>>, vector<1x16xf32>,
          %swap3A_1477 = vector.shape_cast %swap3A_1476 : vector<1x16xf32> to vector<16xf32>
          %swap3A_1478 = vector.shape_cast %mul3A_1473 : vector<16xf32> to vector<1x16xf32>
          tpu.vector_store %arg9[%swap3A_1474, %swap3A_1475], %swap3A_1478 {strides = array<i32>} : memref<64x128xf32, #tpu.memory_space<vmem>>, vector<1x16xf32>,
          %get3A_1479 = arith.index_cast %add3A_1468 : i32 to index
          %get3A_1480 = arith.constant 16 : index
          %get3A_1481 = tpu.vector_load %arg9[%get3A_1479, %get3A_1480] {strides = array<i32>} : memref<64x128xf32, #tpu.memory_space<vmem>>, vector<1x16xf32>,
          %get3A_1482 = vector.shape_cast %get3A_1481 : vector<1x16xf32> to vector<16xf32>
          %mul3A_1483 = arith.mulf %get3A_1482, %broadcast_in_dim3A_1464 : vector<16xf32>
          %swap3A_1484 = arith.index_cast %add3A_1468 : i32 to index
          %swap3A_1485 = arith.constant 16 : index
          %swap3A_1486 = tpu.vector_load %arg9[%swap3A_1484, %swap3A_1485] {strides = array<i32>} : memref<64x128xf32, #tpu.memory_space<vmem>>, vector<1x16xf32>,
          %swap3A_1487 = vector.shape_cast %swap3A_1486 : vector<1x16xf32> to vector<16xf32>
          %swap3A_1488 = vector.shape_cast %mul3A_1483 : vector<16xf32> to vector<1x16xf32>
          tpu.vector_store %arg9[%swap3A_1484, %swap3A_1485], %swap3A_1488 {strides = array<i32>} : memref<64x128xf32, #tpu.memory_space<vmem>>, vector<1x16xf32>,
          %get3A_1489 = arith.index_cast %add3A_1468 : i32 to index
          %get3A_1490 = arith.constant 32 : index
          %get3A_1491 = tpu.vector_load %arg9[%get3A_1489, %get3A_1490] {strides = array<i32>} : memref<64x128xf32, #tpu.memory_space<vmem>>, vector<1x16xf32>,
          %get3A_1492 = vector.shape_cast %get3A_1491 : vector<1x16xf32> to vector<16xf32>
          %mul3A_1493 = arith.mulf %get3A_1492, %broadcast_in_dim3A_1464 : vector<16xf32>
          %swap3A_1494 = arith.index_cast %add3A_1468 : i32 to index
          %swap3A_1495 = arith.constant 32 : index
          %swap3A_1496 = tpu.vector_load %arg9[%swap3A_1494, %swap3A_1495] {strides = array<i32>} : memref<64x128xf32, #tpu.memory_space<vmem>>, vector<1x16xf32>,
          %swap3A_1497 = vector.shape_cast %swap3A_1496 : vector<1x16xf32> to vector<16xf32>
          %swap3A_1498 = vector.shape_cast %mul3A_1493 : vector<16xf32> to vector<1x16xf32>
          tpu.vector_store %arg9[%swap3A_1494, %swap3A_1495], %swap3A_1498 {strides = array<i32>} : memref<64x128xf32, #tpu.memory_space<vmem>>, vector<1x16xf32>,
          %get3A_1499 = arith.index_cast %add3A_1468 : i32 to index
          %get3A_1500 = arith.constant 48 : index
          %get3A_1501 = tpu.vector_load %arg9[%get3A_1499, %get3A_1500] {strides = array<i32>} : memref<64x128xf32, #tpu.memory_space<vmem>>, vector<1x16xf32>,
          %get3A_1502 = vector.shape_cast %get3A_1501 : vector<1x16xf32> to vector<16xf32>
          %mul3A_1503 = arith.mulf %get3A_1502, %broadcast_in_dim3A_1464 : vector<16xf32>
          %swap3A_1504 = arith.index_cast %add3A_1468 : i32 to index
          %swap3A_1505 = arith.constant 48 : index
          %swap3A_1506 = tpu.vector_load %arg9[%swap3A_1504, %swap3A_1505] {strides = array<i32>} : memref<64x128xf32, #tpu.memory_space<vmem>>, vector<1x16xf32>,
          %swap3A_1507 = vector.shape_cast %swap3A_1506 : vector<1x16xf32> to vector<16xf32>
          %swap3A_1508 = vector.shape_cast %mul3A_1503 : vector<16xf32> to vector<1x16xf32>
          tpu.vector_store %arg9[%swap3A_1504, %swap3A_1505], %swap3A_1508 {strides = array<i32>} : memref<64x128xf32, #tpu.memory_space<vmem>>, vector<1x16xf32>,
          %get3A_1509 = arith.index_cast %add3A_1468 : i32 to index
          %get3A_1510 = arith.constant 64 : index
          %get3A_1511 = tpu.vector_load %arg9[%get3A_1509, %get3A_1510] {strides = array<i32>} : memref<64x128xf32, #tpu.memory_space<vmem>>, vector<1x16xf32>,
          %get3A_1512 = vector.shape_cast %get3A_1511 : vector<1x16xf32> to vector<16xf32>
          %mul3A_1513 = arith.mulf %get3A_1512, %broadcast_in_dim3A_1464 : vector<16xf32>
          %swap3A_1514 = arith.index_cast %add3A_1468 : i32 to index
          %swap3A_1515 = arith.constant 64 : index
          %swap3A_1516 = tpu.vector_load %arg9[%swap3A_1514, %swap3A_1515] {strides = array<i32>} : memref<64x128xf32, #tpu.memory_space<vmem>>, vector<1x16xf32>,
          %swap3A_1517 = vector.shape_cast %swap3A_1516 : vector<1x16xf32> to vector<16xf32>
          %swap3A_1518 = vector.shape_cast %mul3A_1513 : vector<16xf32> to vector<1x16xf32>
          tpu.vector_store %arg9[%swap3A_1514, %swap3A_1515], %swap3A_1518 {strides = array<i32>} : memref<64x128xf32, #tpu.memory_space<vmem>>, vector<1x16xf32>,
          %get3A_1519 = arith.index_cast %add3A_1468 : i32 to index
          %get3A_1520 = arith.constant 80 : index
          %get3A_1521 = tpu.vector_load %arg9[%get3A_1519, %get3A_1520] {strides = array<i32>} : memref<64x128xf32, #tpu.memory_space<vmem>>, vector<1x16xf32>,
          %get3A_1522 = vector.shape_cast %get3A_1521 : vector<1x16xf32> to vector<16xf32>
          %mul3A_1523 = arith.mulf %get3A_1522, %broadcast_in_dim3A_1464 : vector<16xf32>
          %swap3A_1524 = arith.index_cast %add3A_1468 : i32 to index
          %swap3A_1525 = arith.constant 80 : index
          %swap3A_1526 = tpu.vector_load %arg9[%swap3A_1524, %swap3A_1525] {strides = array<i32>} : memref<64x128xf32, #tpu.memory_space<vmem>>, vector<1x16xf32>,
          %swap3A_1527 = vector.shape_cast %swap3A_1526 : vector<1x16xf32> to vector<16xf32>
          %swap3A_1528 = vector.shape_cast %mul3A_1523 : vector<16xf32> to vector<1x16xf32>
          tpu.vector_store %arg9[%swap3A_1524, %swap3A_1525], %swap3A_1528 {strides = array<i32>} : memref<64x128xf32, #tpu.memory_space<vmem>>, vector<1x16xf32>,
          %get3A_1529 = arith.index_cast %add3A_1468 : i32 to index
          %get3A_1530 = arith.constant 96 : index
          %get3A_1531 = tpu.vector_load %arg9[%get3A_1529, %get3A_1530] {strides = array<i32>} : memref<64x128xf32, #tpu.memory_space<vmem>>, vector<1x16xf32>,
          %get3A_1532 = vector.shape_cast %get3A_1531 : vector<1x16xf32> to vector<16xf32>
          %mul3A_1533 = arith.mulf %get3A_1532, %broadcast_in_dim3A_1464 : vector<16xf32>
          %swap3A_1534 = arith.index_cast %add3A_1468 : i32 to index
          %swap3A_1535 = arith.constant 96 : index
          %swap3A_1536 = tpu.vector_load %arg9[%swap3A_1534, %swap3A_1535] {strides = array<i32>} : memref<64x128xf32, #tpu.memory_space<vmem>>, vector<1x16xf32>,
          %swap3A_1537 = vector.shape_cast %swap3A_1536 : vector<1x16xf32> to vector<16xf32>
          %swap3A_1538 = vector.shape_cast %mul3A_1533 : vector<16xf32> to vector<1x16xf32>
          tpu.vector_store %arg9[%swap3A_1534, %swap3A_1535], %swap3A_1538 {strides = array<i32>} : memref<64x128xf32, #tpu.memory_space<vmem>>, vector<1x16xf32>,
          %get3A_1539 = arith.index_cast %add3A_1468 : i32 to index
          %get3A_1540 = arith.constant 112 : index
          %get3A_1541 = tpu.vector_load %arg9[%get3A_1539, %get3A_1540] {strides = array<i32>} : memref<64x128xf32, #tpu.memory_space<vmem>>, vector<1x16xf32>,
          %get3A_1542 = vector.shape_cast %get3A_1541 : vector<1x16xf32> to vector<16xf32>
          %mul3A_1543 = arith.mulf %get3A_1542, %broadcast_in_dim3A_1464 : vector<16xf32>
          %swap3A_1544 = arith.index_cast %add3A_1468 : i32 to index
          %swap3A_1545 = arith.constant 112 : index
          %swap3A_1546 = tpu.vector_load %arg9[%swap3A_1544, %swap3A_1545] {strides = array<i32>} : memref<64x128xf32, #tpu.memory_space<vmem>>, vector<1x16xf32>,
          %swap3A_1547 = vector.shape_cast %swap3A_1546 : vector<1x16xf32> to vector<16xf32>
          %swap3A_1548 = vector.shape_cast %mul3A_1543 : vector<16xf32> to vector<1x16xf32>
          tpu.vector_store %arg9[%swap3A_1544, %swap3A_1545], %swap3A_1548 {strides = array<i32>} : memref<64x128xf32, #tpu.memory_space<vmem>>, vector<1x16xf32>,
          %slice3A_1549 = vector.extract_strided_slice %get3A_332 {offsets = [14], sizes = [1], strides = [1]} : vector<16xf32> to vector<1xf32>
          %squeeze3A_1550 = vector.extract %slice3A_1549[0] : f32 from vector<1xf32>
          %broadcast_in_dim3A_1551 = vector.broadcast %squeeze3A_1550 : f32 to vector<16xf32>
          %mul3A_1552 = arith.constant 16 : i32
          %mul3A_1553 = arith.muli %add3A_325, %mul3A_1552 : i32
          %add3A_1554 = arith.constant 14 : i32
          %add3A_1555 = arith.addi %mul3A_1553, %add3A_1554 : i32
          %get3A_1556 = arith.index_cast %add3A_1555 : i32 to index
          %get3A_1557 = arith.constant 0 : index
          %get3A_1558 = tpu.vector_load %arg9[%get3A_1556, %get3A_1557] {strides = array<i32>} : memref<64x128xf32, #tpu.memory_space<vmem>>, vector<1x16xf32>,
          %get3A_1559 = vector.shape_cast %get3A_1558 : vector<1x16xf32> to vector<16xf32>
          %mul3A_1560 = arith.mulf %get3A_1559, %broadcast_in_dim3A_1551 : vector<16xf32>
          %swap3A_1561 = arith.index_cast %add3A_1555 : i32 to index
          %swap3A_1562 = arith.constant 0 : index
          %swap3A_1563 = tpu.vector_load %arg9[%swap3A_1561, %swap3A_1562] {strides = array<i32>} : memref<64x128xf32, #tpu.memory_space<vmem>>, vector<1x16xf32>,
          %swap3A_1564 = vector.shape_cast %swap3A_1563 : vector<1x16xf32> to vector<16xf32>
          %swap3A_1565 = vector.shape_cast %mul3A_1560 : vector<16xf32> to vector<1x16xf32>
          tpu.vector_store %arg9[%swap3A_1561, %swap3A_1562], %swap3A_1565 {strides = array<i32>} : memref<64x128xf32, #tpu.memory_space<vmem>>, vector<1x16xf32>,
          %get3A_1566 = arith.index_cast %add3A_1555 : i32 to index
          %get3A_1567 = arith.constant 16 : index
          %get3A_1568 = tpu.vector_load %arg9[%get3A_1566, %get3A_1567] {strides = array<i32>} : memref<64x128xf32, #tpu.memory_space<vmem>>, vector<1x16xf32>,
          %get3A_1569 = vector.shape_cast %get3A_1568 : vector<1x16xf32> to vector<16xf32>
          %mul3A_1570 = arith.mulf %get3A_1569, %broadcast_in_dim3A_1551 : vector<16xf32>
          %swap3A_1571 = arith.index_cast %add3A_1555 : i32 to index
          %swap3A_1572 = arith.constant 16 : index
          %swap3A_1573 = tpu.vector_load %arg9[%swap3A_1571, %swap3A_1572] {strides = array<i32>} : memref<64x128xf32, #tpu.memory_space<vmem>>, vector<1x16xf32>,
          %swap3A_1574 = vector.shape_cast %swap3A_1573 : vector<1x16xf32> to vector<16xf32>
          %swap3A_1575 = vector.shape_cast %mul3A_1570 : vector<16xf32> to vector<1x16xf32>
          tpu.vector_store %arg9[%swap3A_1571, %swap3A_1572], %swap3A_1575 {strides = array<i32>} : memref<64x128xf32, #tpu.memory_space<vmem>>, vector<1x16xf32>,
          %get3A_1576 = arith.index_cast %add3A_1555 : i32 to index
          %get3A_1577 = arith.constant 32 : index
          %get3A_1578 = tpu.vector_load %arg9[%get3A_1576, %get3A_1577] {strides = array<i32>} : memref<64x128xf32, #tpu.memory_space<vmem>>, vector<1x16xf32>,
          %get3A_1579 = vector.shape_cast %get3A_1578 : vector<1x16xf32> to vector<16xf32>
          %mul3A_1580 = arith.mulf %get3A_1579, %broadcast_in_dim3A_1551 : vector<16xf32>
          %swap3A_1581 = arith.index_cast %add3A_1555 : i32 to index
          %swap3A_1582 = arith.constant 32 : index
          %swap3A_1583 = tpu.vector_load %arg9[%swap3A_1581, %swap3A_1582] {strides = array<i32>} : memref<64x128xf32, #tpu.memory_space<vmem>>, vector<1x16xf32>,
          %swap3A_1584 = vector.shape_cast %swap3A_1583 : vector<1x16xf32> to vector<16xf32>
          %swap3A_1585 = vector.shape_cast %mul3A_1580 : vector<16xf32> to vector<1x16xf32>
          tpu.vector_store %arg9[%swap3A_1581, %swap3A_1582], %swap3A_1585 {strides = array<i32>} : memref<64x128xf32, #tpu.memory_space<vmem>>, vector<1x16xf32>,
          %get3A_1586 = arith.index_cast %add3A_1555 : i32 to index
          %get3A_1587 = arith.constant 48 : index
          %get3A_1588 = tpu.vector_load %arg9[%get3A_1586, %get3A_1587] {strides = array<i32>} : memref<64x128xf32, #tpu.memory_space<vmem>>, vector<1x16xf32>,
          %get3A_1589 = vector.shape_cast %get3A_1588 : vector<1x16xf32> to vector<16xf32>
          %mul3A_1590 = arith.mulf %get3A_1589, %broadcast_in_dim3A_1551 : vector<16xf32>
          %swap3A_1591 = arith.index_cast %add3A_1555 : i32 to index
          %swap3A_1592 = arith.constant 48 : index
          %swap3A_1593 = tpu.vector_load %arg9[%swap3A_1591, %swap3A_1592] {strides = array<i32>} : memref<64x128xf32, #tpu.memory_space<vmem>>, vector<1x16xf32>,
          %swap3A_1594 = vector.shape_cast %swap3A_1593 : vector<1x16xf32> to vector<16xf32>
          %swap3A_1595 = vector.shape_cast %mul3A_1590 : vector<16xf32> to vector<1x16xf32>
          tpu.vector_store %arg9[%swap3A_1591, %swap3A_1592], %swap3A_1595 {strides = array<i32>} : memref<64x128xf32, #tpu.memory_space<vmem>>, vector<1x16xf32>,
          %get3A_1596 = arith.index_cast %add3A_1555 : i32 to index
          %get3A_1597 = arith.constant 64 : index
          %get3A_1598 = tpu.vector_load %arg9[%get3A_1596, %get3A_1597] {strides = array<i32>} : memref<64x128xf32, #tpu.memory_space<vmem>>, vector<1x16xf32>,
          %get3A_1599 = vector.shape_cast %get3A_1598 : vector<1x16xf32> to vector<16xf32>
          %mul3A_1600 = arith.mulf %get3A_1599, %broadcast_in_dim3A_1551 : vector<16xf32>
          %swap3A_1601 = arith.index_cast %add3A_1555 : i32 to index
          %swap3A_1602 = arith.constant 64 : index
          %swap3A_1603 = tpu.vector_load %arg9[%swap3A_1601, %swap3A_1602] {strides = array<i32>} : memref<64x128xf32, #tpu.memory_space<vmem>>, vector<1x16xf32>,
          %swap3A_1604 = vector.shape_cast %swap3A_1603 : vector<1x16xf32> to vector<16xf32>
          %swap3A_1605 = vector.shape_cast %mul3A_1600 : vector<16xf32> to vector<1x16xf32>
          tpu.vector_store %arg9[%swap3A_1601, %swap3A_1602], %swap3A_1605 {strides = array<i32>} : memref<64x128xf32, #tpu.memory_space<vmem>>, vector<1x16xf32>,
          %get3A_1606 = arith.index_cast %add3A_1555 : i32 to index
          %get3A_1607 = arith.constant 80 : index
          %get3A_1608 = tpu.vector_load %arg9[%get3A_1606, %get3A_1607] {strides = array<i32>} : memref<64x128xf32, #tpu.memory_space<vmem>>, vector<1x16xf32>,
          %get3A_1609 = vector.shape_cast %get3A_1608 : vector<1x16xf32> to vector<16xf32>
          %mul3A_1610 = arith.mulf %get3A_1609, %broadcast_in_dim3A_1551 : vector<16xf32>
          %swap3A_1611 = arith.index_cast %add3A_1555 : i32 to index
          %swap3A_1612 = arith.constant 80 : index
          %swap3A_1613 = tpu.vector_load %arg9[%swap3A_1611, %swap3A_1612] {strides = array<i32>} : memref<64x128xf32, #tpu.memory_space<vmem>>, vector<1x16xf32>,
          %swap3A_1614 = vector.shape_cast %swap3A_1613 : vector<1x16xf32> to vector<16xf32>
          %swap3A_1615 = vector.shape_cast %mul3A_1610 : vector<16xf32> to vector<1x16xf32>
          tpu.vector_store %arg9[%swap3A_1611, %swap3A_1612], %swap3A_1615 {strides = array<i32>} : memref<64x128xf32, #tpu.memory_space<vmem>>, vector<1x16xf32>,
          %get3A_1616 = arith.index_cast %add3A_1555 : i32 to index
          %get3A_1617 = arith.constant 96 : index
          %get3A_1618 = tpu.vector_load %arg9[%get3A_1616, %get3A_1617] {strides = array<i32>} : memref<64x128xf32, #tpu.memory_space<vmem>>, vector<1x16xf32>,
          %get3A_1619 = vector.shape_cast %get3A_1618 : vector<1x16xf32> to vector<16xf32>
          %mul3A_1620 = arith.mulf %get3A_1619, %broadcast_in_dim3A_1551 : vector<16xf32>
          %swap3A_1621 = arith.index_cast %add3A_1555 : i32 to index
          %swap3A_1622 = arith.constant 96 : index
          %swap3A_1623 = tpu.vector_load %arg9[%swap3A_1621, %swap3A_1622] {strides = array<i32>} : memref<64x128xf32, #tpu.memory_space<vmem>>, vector<1x16xf32>,
          %swap3A_1624 = vector.shape_cast %swap3A_1623 : vector<1x16xf32> to vector<16xf32>
          %swap3A_1625 = vector.shape_cast %mul3A_1620 : vector<16xf32> to vector<1x16xf32>
          tpu.vector_store %arg9[%swap3A_1621, %swap3A_1622], %swap3A_1625 {strides = array<i32>} : memref<64x128xf32, #tpu.memory_space<vmem>>, vector<1x16xf32>,
          %get3A_1626 = arith.index_cast %add3A_1555 : i32 to index
          %get3A_1627 = arith.constant 112 : index
          %get3A_1628 = tpu.vector_load %arg9[%get3A_1626, %get3A_1627] {strides = array<i32>} : memref<64x128xf32, #tpu.memory_space<vmem>>, vector<1x16xf32>,
          %get3A_1629 = vector.shape_cast %get3A_1628 : vector<1x16xf32> to vector<16xf32>
          %mul3A_1630 = arith.mulf %get3A_1629, %broadcast_in_dim3A_1551 : vector<16xf32>
          %swap3A_1631 = arith.index_cast %add3A_1555 : i32 to index
          %swap3A_1632 = arith.constant 112 : index
          %swap3A_1633 = tpu.vector_load %arg9[%swap3A_1631, %swap3A_1632] {strides = array<i32>} : memref<64x128xf32, #tpu.memory_space<vmem>>, vector<1x16xf32>,
          %swap3A_1634 = vector.shape_cast %swap3A_1633 : vector<1x16xf32> to vector<16xf32>
          %swap3A_1635 = vector.shape_cast %mul3A_1630 : vector<16xf32> to vector<1x16xf32>
          tpu.vector_store %arg9[%swap3A_1631, %swap3A_1632], %swap3A_1635 {strides = array<i32>} : memref<64x128xf32, #tpu.memory_space<vmem>>, vector<1x16xf32>,
          %slice3A_1636 = vector.extract_strided_slice %get3A_332 {offsets = [15], sizes = [1], strides = [1]} : vector<16xf32> to vector<1xf32>
          %squeeze3A_1637 = vector.extract %slice3A_1636[0] : f32 from vector<1xf32>
          %broadcast_in_dim3A_1638 = vector.broadcast %squeeze3A_1637 : f32 to vector<16xf32>
          %mul3A_1639 = arith.constant 16 : i32
          %mul3A_1640 = arith.muli %add3A_325, %mul3A_1639 : i32
          %add3A_1641 = arith.constant 15 : i32
          %add3A_1642 = arith.addi %mul3A_1640, %add3A_1641 : i32
          %get3A_1643 = arith.index_cast %add3A_1642 : i32 to index
          %get3A_1644 = arith.constant 0 : index
          %get3A_1645 = tpu.vector_load %arg9[%get3A_1643, %get3A_1644] {strides = array<i32>} : memref<64x128xf32, #tpu.memory_space<vmem>>, vector<1x16xf32>,
          %get3A_1646 = vector.shape_cast %get3A_1645 : vector<1x16xf32> to vector<16xf32>
          %mul3A_1647 = arith.mulf %get3A_1646, %broadcast_in_dim3A_1638 : vector<16xf32>
          %swap3A_1648 = arith.index_cast %add3A_1642 : i32 to index
          %swap3A_1649 = arith.constant 0 : index
          %swap3A_1650 = tpu.vector_load %arg9[%swap3A_1648, %swap3A_1649] {strides = array<i32>} : memref<64x128xf32, #tpu.memory_space<vmem>>, vector<1x16xf32>,
          %swap3A_1651 = vector.shape_cast %swap3A_1650 : vector<1x16xf32> to vector<16xf32>
          %swap3A_1652 = vector.shape_cast %mul3A_1647 : vector<16xf32> to vector<1x16xf32>
          tpu.vector_store %arg9[%swap3A_1648, %swap3A_1649], %swap3A_1652 {strides = array<i32>} : memref<64x128xf32, #tpu.memory_space<vmem>>, vector<1x16xf32>,
          %get3A_1653 = arith.index_cast %add3A_1642 : i32 to index
          %get3A_1654 = arith.constant 16 : index
          %get3A_1655 = tpu.vector_load %arg9[%get3A_1653, %get3A_1654] {strides = array<i32>} : memref<64x128xf32, #tpu.memory_space<vmem>>, vector<1x16xf32>,
          %get3A_1656 = vector.shape_cast %get3A_1655 : vector<1x16xf32> to vector<16xf32>
          %mul3A_1657 = arith.mulf %get3A_1656, %broadcast_in_dim3A_1638 : vector<16xf32>
          %swap3A_1658 = arith.index_cast %add3A_1642 : i32 to index
          %swap3A_1659 = arith.constant 16 : index
          %swap3A_1660 = tpu.vector_load %arg9[%swap3A_1658, %swap3A_1659] {strides = array<i32>} : memref<64x128xf32, #tpu.memory_space<vmem>>, vector<1x16xf32>,
          %swap3A_1661 = vector.shape_cast %swap3A_1660 : vector<1x16xf32> to vector<16xf32>
          %swap3A_1662 = vector.shape_cast %mul3A_1657 : vector<16xf32> to vector<1x16xf32>
          tpu.vector_store %arg9[%swap3A_1658, %swap3A_1659], %swap3A_1662 {strides = array<i32>} : memref<64x128xf32, #tpu.memory_space<vmem>>, vector<1x16xf32>,
          %get3A_1663 = arith.index_cast %add3A_1642 : i32 to index
          %get3A_1664 = arith.constant 32 : index
          %get3A_1665 = tpu.vector_load %arg9[%get3A_1663, %get3A_1664] {strides = array<i32>} : memref<64x128xf32, #tpu.memory_space<vmem>>, vector<1x16xf32>,
          %get3A_1666 = vector.shape_cast %get3A_1665 : vector<1x16xf32> to vector<16xf32>
          %mul3A_1667 = arith.mulf %get3A_1666, %broadcast_in_dim3A_1638 : vector<16xf32>
          %swap3A_1668 = arith.index_cast %add3A_1642 : i32 to index
          %swap3A_1669 = arith.constant 32 : index
          %swap3A_1670 = tpu.vector_load %arg9[%swap3A_1668, %swap3A_1669] {strides = array<i32>} : memref<64x128xf32, #tpu.memory_space<vmem>>, vector<1x16xf32>,
          %swap3A_1671 = vector.shape_cast %swap3A_1670 : vector<1x16xf32> to vector<16xf32>
          %swap3A_1672 = vector.shape_cast %mul3A_1667 : vector<16xf32> to vector<1x16xf32>
          tpu.vector_store %arg9[%swap3A_1668, %swap3A_1669], %swap3A_1672 {strides = array<i32>} : memref<64x128xf32, #tpu.memory_space<vmem>>, vector<1x16xf32>,
          %get3A_1673 = arith.index_cast %add3A_1642 : i32 to index
          %get3A_1674 = arith.constant 48 : index
          %get3A_1675 = tpu.vector_load %arg9[%get3A_1673, %get3A_1674] {strides = array<i32>} : memref<64x128xf32, #tpu.memory_space<vmem>>, vector<1x16xf32>,
          %get3A_1676 = vector.shape_cast %get3A_1675 : vector<1x16xf32> to vector<16xf32>
          %mul3A_1677 = arith.mulf %get3A_1676, %broadcast_in_dim3A_1638 : vector<16xf32>
          %swap3A_1678 = arith.index_cast %add3A_1642 : i32 to index
          %swap3A_1679 = arith.constant 48 : index
          %swap3A_1680 = tpu.vector_load %arg9[%swap3A_1678, %swap3A_1679] {strides = array<i32>} : memref<64x128xf32, #tpu.memory_space<vmem>>, vector<1x16xf32>,
          %swap3A_1681 = vector.shape_cast %swap3A_1680 : vector<1x16xf32> to vector<16xf32>
          %swap3A_1682 = vector.shape_cast %mul3A_1677 : vector<16xf32> to vector<1x16xf32>
          tpu.vector_store %arg9[%swap3A_1678, %swap3A_1679], %swap3A_1682 {strides = array<i32>} : memref<64x128xf32, #tpu.memory_space<vmem>>, vector<1x16xf32>,
          %get3A_1683 = arith.index_cast %add3A_1642 : i32 to index
          %get3A_1684 = arith.constant 64 : index
          %get3A_1685 = tpu.vector_load %arg9[%get3A_1683, %get3A_1684] {strides = array<i32>} : memref<64x128xf32, #tpu.memory_space<vmem>>, vector<1x16xf32>,
          %get3A_1686 = vector.shape_cast %get3A_1685 : vector<1x16xf32> to vector<16xf32>
          %mul3A_1687 = arith.mulf %get3A_1686, %broadcast_in_dim3A_1638 : vector<16xf32>
          %swap3A_1688 = arith.index_cast %add3A_1642 : i32 to index
          %swap3A_1689 = arith.constant 64 : index
          %swap3A_1690 = tpu.vector_load %arg9[%swap3A_1688, %swap3A_1689] {strides = array<i32>} : memref<64x128xf32, #tpu.memory_space<vmem>>, vector<1x16xf32>,
          %swap3A_1691 = vector.shape_cast %swap3A_1690 : vector<1x16xf32> to vector<16xf32>
          %swap3A_1692 = vector.shape_cast %mul3A_1687 : vector<16xf32> to vector<1x16xf32>
          tpu.vector_store %arg9[%swap3A_1688, %swap3A_1689], %swap3A_1692 {strides = array<i32>} : memref<64x128xf32, #tpu.memory_space<vmem>>, vector<1x16xf32>,
          %get3A_1693 = arith.index_cast %add3A_1642 : i32 to index
          %get3A_1694 = arith.constant 80 : index
          %get3A_1695 = tpu.vector_load %arg9[%get3A_1693, %get3A_1694] {strides = array<i32>} : memref<64x128xf32, #tpu.memory_space<vmem>>, vector<1x16xf32>,
          %get3A_1696 = vector.shape_cast %get3A_1695 : vector<1x16xf32> to vector<16xf32>
          %mul3A_1697 = arith.mulf %get3A_1696, %broadcast_in_dim3A_1638 : vector<16xf32>
          %swap3A_1698 = arith.index_cast %add3A_1642 : i32 to index
          %swap3A_1699 = arith.constant 80 : index
          %swap3A_1700 = tpu.vector_load %arg9[%swap3A_1698, %swap3A_1699] {strides = array<i32>} : memref<64x128xf32, #tpu.memory_space<vmem>>, vector<1x16xf32>,
          %swap3A_1701 = vector.shape_cast %swap3A_1700 : vector<1x16xf32> to vector<16xf32>
          %swap3A_1702 = vector.shape_cast %mul3A_1697 : vector<16xf32> to vector<1x16xf32>
          tpu.vector_store %arg9[%swap3A_1698, %swap3A_1699], %swap3A_1702 {strides = array<i32>} : memref<64x128xf32, #tpu.memory_space<vmem>>, vector<1x16xf32>,
          %get3A_1703 = arith.index_cast %add3A_1642 : i32 to index
          %get3A_1704 = arith.constant 96 : index
          %get3A_1705 = tpu.vector_load %arg9[%get3A_1703, %get3A_1704] {strides = array<i32>} : memref<64x128xf32, #tpu.memory_space<vmem>>, vector<1x16xf32>,
          %get3A_1706 = vector.shape_cast %get3A_1705 : vector<1x16xf32> to vector<16xf32>
          %mul3A_1707 = arith.mulf %get3A_1706, %broadcast_in_dim3A_1638 : vector<16xf32>
          %swap3A_1708 = arith.index_cast %add3A_1642 : i32 to index
          %swap3A_1709 = arith.constant 96 : index
          %swap3A_1710 = tpu.vector_load %arg9[%swap3A_1708, %swap3A_1709] {strides = array<i32>} : memref<64x128xf32, #tpu.memory_space<vmem>>, vector<1x16xf32>,
          %swap3A_1711 = vector.shape_cast %swap3A_1710 : vector<1x16xf32> to vector<16xf32>
          %swap3A_1712 = vector.shape_cast %mul3A_1707 : vector<16xf32> to vector<1x16xf32>
          tpu.vector_store %arg9[%swap3A_1708, %swap3A_1709], %swap3A_1712 {strides = array<i32>} : memref<64x128xf32, #tpu.memory_space<vmem>>, vector<1x16xf32>,
          %get3A_1713 = arith.index_cast %add3A_1642 : i32 to index
          %get3A_1714 = arith.constant 112 : index
          %get3A_1715 = tpu.vector_load %arg9[%get3A_1713, %get3A_1714] {strides = array<i32>} : memref<64x128xf32, #tpu.memory_space<vmem>>, vector<1x16xf32>,
          %get3A_1716 = vector.shape_cast %get3A_1715 : vector<1x16xf32> to vector<16xf32>
          %mul3A_1717 = arith.mulf %get3A_1716, %broadcast_in_dim3A_1638 : vector<16xf32>
          %swap3A_1718 = arith.index_cast %add3A_1642 : i32 to index
          %swap3A_1719 = arith.constant 112 : index
          %swap3A_1720 = tpu.vector_load %arg9[%swap3A_1718, %swap3A_1719] {strides = array<i32>} : memref<64x128xf32, #tpu.memory_space<vmem>>, vector<1x16xf32>,
          %swap3A_1721 = vector.shape_cast %swap3A_1720 : vector<1x16xf32> to vector<16xf32>
          %swap3A_1722 = vector.shape_cast %mul3A_1717 : vector<16xf32> to vector<1x16xf32>
          tpu.vector_store %arg9[%swap3A_1718, %swap3A_1719], %swap3A_1722 {strides = array<i32>} : memref<64x128xf32, #tpu.memory_space<vmem>>, vector<1x16xf32>,
        }
        %scan3A_320 = arith.constant 4 : i32
        "tpu.region"() ({
          %run_scoped3A = tpu.sem_alloc : memref<!tpu.dma_semaphore, #tpu.memory_space<semaphore_mem>>
          %dma_start3A = arith.constant 0 : i32
          %dma_start3A_321 = tpu.memref_slice %arg4[%add3A_315, %dma_start3A] : memref<10240x128xf32, #tpu.memory_space<hbm>> -> memref<64x128xf32, #tpu.memory_space<hbm>>
          %dma_start3A_322 = arith.constant 0 : i32
          %dma_start3A_323 = tpu.memref_slice %arg4[%add3A_315, %dma_start3A_322] : memref<10240x128xf32, #tpu.memory_space<hbm>> -> memref<64x128xf32, #tpu.memory_space<hbm>>
          tpu.enqueue_dma source(%arg9 : memref<64x128xf32, #tpu.memory_space<vmem>>) target(%dma_start3A_323 : memref<64x128xf32, #tpu.memory_space<hbm>>) target_semaphore(%run_scoped3A : memref<!tpu.dma_semaphore, #tpu.memory_space<semaphore_mem>>)
          %dma_wait3A = arith.constant 0 : i32
          %dma_wait3A_324 = tpu.memref_slice %arg4[%add3A_315, %dma_wait3A] : memref<10240x128xf32, #tpu.memory_space<hbm>> -> memref<64x128xf32, #tpu.memory_space<hbm>>
          %dma_wait3A_325 = arith.constant 0 : i32
          %dma_wait3A_326 = tpu.memref_slice %arg4[%add3A_315, %dma_wait3A_325] : memref<10240x128xf32, #tpu.memory_space<hbm>> -> memref<64x128xf32, #tpu.memory_space<hbm>>
          tpu.wait_dma2 semaphore(%run_scoped3A : memref<!tpu.dma_semaphore, #tpu.memory_space<semaphore_mem>>) src(%arg9 : memref<64x128xf32, #tpu.memory_space<vmem>>) dst(%dma_wait3A_326 : memref<64x128xf32, #tpu.memory_space<hbm>>)
          tpu.yield
        }) : () -> ()
      }
      %scan3A_308 = arith.constant 10 : i32
    } else {
    }
    return
  }
}

module attributes {stable_mosaic.version = 14 : i64} {
  func.func @_final_body(%arg0: i32, %arg1: memref<2x400x128xf32, #tpu.memory_space<vmem>>, %arg2: memref<400x1xf32, #tpu.memory_space<vmem>>, %arg3: memref<128x128xf32, #tpu.memory_space<vmem>>, %arg4: memref<1x128xf32, #tpu.memory_space<vmem>>, %arg5: memref<400x128xf32, #tpu.memory_space<vmem>>) attributes {dimension_semantics = [#tpu.dimension_semantics<arbitrary>], iteration_bounds = array<i64: 25>, scalar_prefetch = 0 : i64, scratch_operands = 0 : i64, tpu.core_type = #tpu.core_type<tc>, window_params = [{transform_indices = @transform_0, window_bounds = array<i64: 2, 400, 128>}, {transform_indices = @transform_1, window_bounds = array<i64: 400, 1>}, {pipeline_mode = #tpu.pipeline_mode<synchronous>, transform_indices = @transform_2, window_bounds = array<i64: 128, 128>}, {pipeline_mode = #tpu.pipeline_mode<synchronous>, transform_indices = @transform_3, window_bounds = array<i64: 1, 128>}, {transform_indices = @transform_4, window_bounds = array<i64: 400, 128>}]} {
    %get3A = arith.constant 0 : index
    %get3A_0 = arith.constant 0 : index
    %get3A_1 = arith.constant 0 : index
    %get3A_2 = vector.load %arg1[%get3A, %get3A_0, %get3A_1] : memref<2x400x128xf32, #tpu.memory_space<vmem>>, vector<1x400x128xf32>
    %get3A_3 = vector.shape_cast %get3A_2 : vector<1x400x128xf32> to vector<400x128xf32>
    %get3A_4 = arith.constant 1 : index
    %get3A_5 = arith.constant 0 : index
    %get3A_6 = arith.constant 0 : index
    %get3A_7 = vector.load %arg1[%get3A_4, %get3A_5, %get3A_6] : memref<2x400x128xf32, #tpu.memory_space<vmem>>, vector<1x400x128xf32>
    %get3A_8 = vector.shape_cast %get3A_7 : vector<1x400x128xf32> to vector<400x128xf32>
    %add3A = arith.addf %get3A_3, %get3A_8 : vector<400x128xf32>
    %get3A_9 = arith.constant 0 : index
    %get3A_10 = arith.constant 0 : index
    %get3A_11 = vector.load %arg2[%get3A_9, %get3A_10] : memref<400x1xf32, #tpu.memory_space<vmem>>, vector<400x1xf32>
    %mul3A = vector.broadcast %get3A_11 : vector<400x1xf32> to vector<400x128xf32>
    %mul3A_12 = arith.mulf %add3A, %mul3A : vector<400x128xf32>
    %get3A_13 = arith.constant 0 : index
    %get3A_14 = arith.constant 0 : index
    %get3A_15 = vector.load %arg3[%get3A_13, %get3A_14] : memref<128x128xf32, #tpu.memory_space<vmem>>, vector<128x128xf32>
    %dot_general3A = arith.constant dense<0.000000e+00> : vector<400x128xf32>
    %dot_general3A_16 = tpu.matmul %mul3A_12, %get3A_15, %dot_general3A {dimension_numbers = #tpu.dot_dimension_numbers<[1], [0], [0], [1], [0, 0, 1, 1], [], []>, transpose_lhs_hint = false} : vector<400x128xf32>, vector<128x128xf32>, vector<400x128xf32> -> vector<400x128xf32>
    %get3A_17 = arith.constant 0 : index
    %get3A_18 = arith.constant 0 : index
    %get3A_19 = vector.load %arg4[%get3A_17, %get3A_18] : memref<1x128xf32, #tpu.memory_space<vmem>>, vector<1x128xf32>
    %add3A_20 = vector.broadcast %get3A_19 : vector<1x128xf32> to vector<400x128xf32>
    %add3A_21 = arith.addf %dot_general3A_16, %add3A_20 : vector<400x128xf32>
    %swap3A = arith.constant 0 : index
    %swap3A_22 = arith.constant 0 : index
    %swap3A_23 = vector.load %arg5[%swap3A, %swap3A_22] : memref<400x128xf32, #tpu.memory_space<vmem>>, vector<400x128xf32>
    tpu.vector_store %arg5[%swap3A, %swap3A_22], %add3A_21 {strides = array<i32>} : memref<400x128xf32, #tpu.memory_space<vmem>>, vector<400x128xf32>,
    return
  }
  func.func @transform_0(%arg0: i32) -> (i32, i32, i32) {
    %c0_i32 = arith.constant 0 : i32
    %c0_i32_0 = arith.constant 0 : i32
    %c0_i32_1 = arith.constant 0 : i32
    return %c0_i32, %arg0, %c0_i32_0 : i32, i32, i32
  }
  func.func @transform_1(%arg0: i32) -> (i32, i32) {
    %c0_i32 = arith.constant 0 : i32
    %c0_i32_0 = arith.constant 0 : i32
    return %arg0, %c0_i32 : i32, i32
  }
  func.func @transform_2(%arg0: i32) -> (i32, i32) {
    %c0_i32 = arith.constant 0 : i32
    %c0_i32_0 = arith.constant 0 : i32
    %c0_i32_1 = arith.constant 0 : i32
    return %c0_i32, %c0_i32_0 : i32, i32
  }
  func.func @transform_3(%arg0: i32) -> (i32, i32) {
    %c0_i32 = arith.constant 0 : i32
    %c0_i32_0 = arith.constant 0 : i32
    %c0_i32_1 = arith.constant 0 : i32
    return %c0_i32, %c0_i32_0 : i32, i32
  }
  func.func @transform_4(%arg0: i32) -> (i32, i32) {
    %c0_i32 = arith.constant 0 : i32
    %c0_i32_0 = arith.constant 0 : i32
    return %arg0, %c0_i32 : i32, i32
  }
}

</mosaic_0001>

<sc_bundles>
// kernel: kernel.5.cloned.1.call-start
scs
__scs_entry_jumppad:
0x0: {  	(pc) =	sbr.rel $0x88, $3  }
0x1: {  	(tag) =	ssettag $0x0;
	lr =	simm.s32 $0x1  }
0x2: {  	[smem:$0x3F9D] =	sst lr;
	_ =	strace $0xD0000000  }
0x3: {  	_ = 	snop  }
0x4: {  	_ = 	snop  }
0x5: {  	_ = 	snop  }
0x6: {  	_ = 	snop  }
0x7: {  	_ = 	snop  }
__scs_overlays_trampoline_lowered:
0x8: {  	[smem:$0x3FAC] =	sst s0  }
0x9: {  	[smem:$0x3FAD] =	sst s1  }
0xa: {  	[smem:$0x3FAE] =	sst s2  }
0xb: {  	[smem:$0x3FAF] =	sst s3  }
0xc: {  	[smem:$0x3FB0] =	sst s4  }
0xd: {  	[smem:$0x3FB1] =	sst s5  }
0xe: {  	[smem:$0x3FB2] =	sst s6  }
0xf: {  	[smem:$0x3FB3] =	sst s7  }
0x10: {  	[smem:$0x3FB4] =	sst s8  }
0x11: {  	[smem:$0x3FB5] =	sst s9;
	s0 =	simm.s32 @!p0 $0x0  }
0x12: {  	s1 =	sld [smem:$0x3F9B];
	s0 =	simm.s32 @p0 $0x1  }
0x13: {  	[smem:$0x3FB6] =	sst s0;
	s0 =	simm.s32 @!p1 $0x0  }
0x14: {  	s2 =	sld [smem:$0x3F9A];
	s0 =	simm.s32 @p1 $0x1  }
0x15: {  	[smem:$0x3FB7] =	sst s0;
	s0 =	simm.s32 @!p2 $0x0  }
0x16: {  	s3 =	sld [smem:$0x3FDB];
	s0 =	simm.s32 @p2 $0x1  }
0x17: {  	s4 =	simm.s32 $0x1BF5;
	[smem:$0x3FB9] =	sst s0  }
0x18: {  	s0 =	sld [smem:$0x3F9C];
	_ =	swait.ge [sflag:s4], $0x0  }
0x19: {  	s7 =	sld [smem:$0x3F9D]  }
0x1a: {  	s8 =	sadd.s32 $0xFFFFE003, lr  }
0x1b: {  	s9 =	sadd.s32 $0xFFFFFEF7, lr;
	s5 =	simm.s32 $0xFFFFFFFF;
	p2 =	slt.u32 s8, $0xFFFFF086  }
0x1c: {  	p1 =	slt.u32 s9, $0xF7A;
	s5 =	simm.s32 @!p2 $0x0  }
0x1d: {  	s5 =	simm.s32 @p1 $0x1;
	p0 =	seq.s32 s7, s2  }
0x1e: {  	s7 =	smul.u32 @!p0 $0xF7A, s2;
	p2 =	seq.s32 @!p0 s5, $0x0  }
0x1f: {  	s9 =	smul.u32 $0xF7A, s1;
	s8 =	simm.s32 @!p0 $0x1BF5;
	p2 =	por !p2, p0  }
0x20: {  	[sflag:s8] =	ssyncset.s32 @!p0 $0xFFFFF086;
	s6 =	sadd.s32 @!p0 s3, s7;
	s7 =	simm.s32 @!p0 $0x108  }
0x21: {  	s3 =	sadd.s32 s3, s9;
	s6 =	sadd.s32 @!p0 $0x88, s6;
	s7 =	simm.s32 @p2 $0x1082  }
0x22: {  	[simem:s7], [sflag:s8] =	dma.local @!p0 [hbm:s6], $0xF7A  }
0x23: {  	s9 =	sor.u32 $0xD0000000, s2;
	s6 =	simm.s32 $0x108;
	_ =	swait.ge @!p0 [sflag:s8], $0x0  }
0x24: {  	s3 =	sadd.s32 $0x88, s3;
	s6 =	simm.s32 @!p1 $0x1082;
	[sflag:s4] =	ssyncset.s32 $0xFFFFF086  }
0x25: {  	[simem:s6], [sflag:s4] =	dma.local [hbm:s3], $0xF7A  }
0x26: {  	[smem:$0x3F9D] =	sst s1;
	(tag) =	ssettag s2;
	_ =	strace s9  }
0x27: {  	s1 =	sld [smem:$0x3FAD]  }
0x28: {  	s2 =	sld [smem:$0x3FAE]  }
0x29: {  	s4 =	sld [smem:$0x3FB0]  }
0x2a: {  	p0 =	seq.s32 s5, $0x0;
	s5 =	sld [smem:$0x3FB1]  }
0x2b: {  	s6 =	sld [smem:$0x3FB2]  }
0x2c: {  	s7 =	sld [smem:$0x3FB3]  }
0x2d: {  	s3 =	simm.s32 $0x108;
	s8 =	sld [smem:$0x3FB4]  }
0x2e: {  	s3 =	simm.s32 @!p0 $0x1082;
	s9 =	sld [smem:$0x3FB5]  }
0x2f: {  	lr =	sadd.s32 s0, s3;
	s0 =	sld [smem:$0x3FAC]  }
0x30: {  	s3 =	sld [smem:$0x3FAF]  }
0x31: {  	[smem:$0x3FB8] =	sst s10  }
0x32: {  	s10 =	sld [smem:$0x3FB6];
	_ =	sdelay $0x3  }
0x33: {  	p0 =	seq.s32 s10, $0x1;
	s10 =	sld [smem:$0x3FB8];
	_ =	sdelay $0x3  }
0x34: {  	[smem:$0x3FB8] =	sst s10  }
0x35: {  	s10 =	sld [smem:$0x3FB7];
	_ =	sdelay $0x3  }
0x36: {  	p1 =	seq.s32 s10, $0x1;
	s10 =	sld [smem:$0x3FB8];
	_ =	sdelay $0x3  }
0x37: {  	[smem:$0x3FB8] =	sst s10  }
0x38: {  	s10 =	sld [smem:$0x3FB9]  }
0x39: {  	_ = 	snop;
	(pc) =	sbr.ind lr, $3  }
0x3a: {  	_ = 	snop  }
0x3b: {  	_ = 	snop  }
0x3c: {  	p2 =	seq.s32 s10, $0x1;
	s10 =	sld [smem:$0x3FB8]  }
0x3d: {  	_ =	shalt  }
0x3e: {  	_ =	shalt  }
0x3f: {  	_ =	shalt  }
0x40: {  	_ =	shalt  }
0x41: {  	_ =	shalt  }
0x42: {  	_ =	shalt  }
0x43: {  	_ =	shalt  }
0x44: {  	_ =	shalt  }
0x45: {  	_ =	shalt  }
0x46: {  	_ =	shalt  }
0x47: {  	_ =	shalt  }
0x48: {  	_ =	shalt  }
0x49: {  	_ =	shalt  }
0x4a: {  	_ =	shalt  }
0x4b: {  	_ =	shalt  }
0x4c: {  	_ =	shalt  }
0x4d: {  	_ =	shalt  }
0x4e: {  	_ =	shalt  }
0x4f: {  	_ =	shalt  }
0x50: {  	_ =	shalt  }
0x51: {  	_ =	shalt  }
0x52: {  	_ =	shalt  }
0x53: {  	_ =	shalt  }
0x54: {  	_ =	shalt  }
0x55: {  	_ =	shalt  }
0x56: {  	_ =	shalt  }
0x57: {  	_ =	shalt  }
0x58: {  	_ =	shalt  }
0x59: {  	_ =	shalt  }
0x5a: {  	_ =	shalt  }
0x5b: {  	_ =	shalt  }
0x5c: {  	_ =	shalt  }
0x5d: {  	_ =	shalt  }
0x5e: {  	_ =	shalt  }
0x5f: {  	_ =	shalt  }
0x60: {  	_ =	shalt  }
0x61: {  	_ =	shalt  }
0x62: {  	_ =	shalt  }
0x63: {  	_ =	shalt  }
0x64: {  	_ =	shalt  }
0x65: {  	_ =	shalt  }
0x66: {  	_ =	shalt  }
0x67: {  	_ =	shalt  }
0x68: {  	_ =	shalt  }
0x69: {  	_ =	shalt  }
0x6a: {  	_ =	shalt  }
0x6b: {  	_ =	shalt  }
0x6c: {  	_ =	shalt  }
0x6d: {  	_ =	shalt  }
0x6e: {  	_ =	shalt  }
0x6f: {  	_ =	shalt  }
0x70: {  	_ =	shalt  }
0x71: {  	_ =	shalt  }
0x72: {  	_ =	shalt  }
0x73: {  	_ =	shalt  }
0x74: {  	_ =	shalt  }
0x75: {  	_ =	shalt  }
0x76: {  	_ =	shalt  }
0x77: {  	_ =	shalt  }
0x78: {  	_ =	shalt  }
0x79: {  	_ =	shalt  }
0x7a: {  	_ =	shalt  }
0x7b: {  	_ =	shalt  }
0x7c: {  	_ =	shalt  }
0x7d: {  	_ =	shalt  }
0x7e: {  	_ =	shalt  }
0x7f: {  	_ =	shalt  }
0x80: {  	_ =	shalt  }
0x81: {  	_ =	shalt  }
0x82: {  	_ =	shalt  }
0x83: {  	_ =	shalt  }
0x84: {  	_ =	shalt  }
0x85: {  	_ =	shalt  }
0x86: {  	_ =	shalt  }
0x87: {  	_ =	shalt  }
.Lfunc_end0:
.L_simem_size_0:
called_computation_lowered:
.L_overlay_start_0:
0x88: {  	s2 =	sld [smem:$0x3FD9]  }
0x89: {  	s3 =	sld [smem:$0x3FFE];
	_ =	sdelay $0x1  }
0x8a: {  	s1 =	srdreg.scid  }
0x8b: {  	s0 =	sand.u32 $0x1, s1  }
0x8c: {  	s17 =	sshll.u32 s0, $0xA;
	s2 =	sadd.s32 s3, s2  }
0x8d: {  	s2 =	sadd.s32 s2, s17  }
0x8e: {  	[smem:$0x3FC4] =	sst s2  }
0x8f: {  	_ = 	snop  }
0x90: {  	s2 =	sld [smem:$0x3FD0];
	(tm) =	ssettm $0x1  }
0x91: {  	s18 =	sld [smem:$0x3FFB];
	_ =	sdelay $0x3  }
0x92: {  	_ =	strace s18  }
0x93: {  	s3 =	sld [smem:$0x3FFC];
	_ =	sdelay $0x3  }
0x94: {  	_ =	strace s3  }
0x95: {  	s3 =	sld [smem:$0x3FFD];
	_ =	sdelay $0x3  }
0x96: {  	_ =	strace s3  }
0x97: {  	_ =	strace $0x8FFFFFFF  }
0x98: {  	s19 =	sld [smem:$0x3FDB];
	_ =	sdelay $0x1  }
0x99: {  	s4 =	simm.s32 $_scs_section_size  }
0x9a: {  	s5 =	simm.s32 $_size__tile_overlayer_lowered;
	s6 =	simm.s32 $_tile_overlayer_lowered  }
0x9b: {  	s22 =	simm.s32 $0x1BFF;
	s21 =	sshll.u32 s6, $0x1;
	s3 =	sadd.s32 s4, s19  }
0x9c: {  	s7 =	simm.s32 $0x0;
	s20 =	sshll.u32 s5, $0x1;
	s5 =	sadd.s32 s21, s3  }
0x9d: {  	[timem:s7], [sflag:s22] =	dma.local [hbm:s5], s20  }
0x9e: {  	_ =	swait.ge [sflag:s22], s20  }
0x9f: {  	s4 =	ssub.s32 $0x0, s20;
	[sflag:s22] =	ssyncset.done $0x0  }
0xa0: {  	[sflag:s22] =	ssyncadd.s32 s4;
	_ =	sdelay $0x1  }
0xa1: {  	s23 =	simm.s32 $0x1B8B  }
0xa2: {  	_ =	swait.ge [sflag:s23], $0x1  }
0xa3: {  	[sflag:s23] =	ssyncset.done $0x0  }
0xa4: {  	s25 =	simm.s32 $0x1B8E;
	s24 =	sld [smem:$0x3FFE];
	[sflag:s23] =	ssyncadd.s32 $0xFFFFFFFF  }
0xa5: {  	s26 =	simm.s32 $execute0_lowered;
	[smem:$0x3FD2] =	sst s25  }
0xa6: {  	s5 =	sshll.u32 s26, $0x1;
	_ =	strace $0x80000046;
	[dreg:$0x1] =	wrdreg $0xFFFFFFFF  }
0xa7: {  	s28 =	simm.s32 $_size_execute0_lowered;
	s3 =	sadd.s32 s3, s5;
	[dreg:$0x0] =	wrdreg $0x0  }
0xa8: {  	s5 =	sshll.u32 s28, $0x1;
	[dreg:$0x2] =	wrdreg s3  }
0xa9: {  	[dreg:$0x3] =	wrdreg s5  }
0xaa: {  	[dreg:$0x4] =	wrdreg $0xC0  }
0xab: {  	_ =	task [dreg:s7], $0x5FFFF  }
0xac: {  	[dreg:$0x1] =	wrdreg $0xFFFFFFFF  }
0xad: {  	[dreg:$0x0] =	wrdreg $0x60  }
0xae: {  	[dreg:$0x2] =	wrdreg s2  }
0xaf: {  	[dreg:$0x3] =	wrdreg s24  }
0xb0: {  	[dreg:$0x4] =	wrdreg $0x73000  }
0xb1: {  	[dreg:$0x5] =	wrdreg $0x9  }
0xb2: {  	_ =	task.clear_ibuf [dreg:s7], $0x6FFFF;
	_ =	strace $0x90000046  }
0xb3: {  	s29 =	simm.s32 $0x9;
	_ =	strace $0x80000048  }
0xb4: {  	_ =	swait.ge [sflag:s29], $0x1  }
0xb5: {  	[sflag:s29] =	ssyncadd.s32 $0xFFFFFFFF  }
0xb6: {  	_ =	strace $0x90000048  }
0xb7: {  	_ =	sfence  }
0xb8: {  	s30 =	sld [smem:$0x0];
	_ =	sdelay $0x2  }
0xb9: {  	s31 =	sshll.u32 s1, $0xD;
	s1 =	sshrl.u32 s1, $0x2  }
0xba: {  	s3 =	sand.u32 $0x4000, s31;
	s1 =	sadd.s32 s1, s30  }
0xbb: {  	s0 =	sor.u32 s3, s0;
	s1 =	sshll.u32 s1, $0x11  }
0xbc: {  	s0 =	sor.u32 s1, s0  }
0xbd: {  	s0 =	sadd.s32 $0x8F2B, s0  }
0xbe: {  	[sflag:s0] =	ssyncadd.remote.s32 $0x1  }
0xbf: {  	_ =	sfence.sel $0xFFFF  }
0xc0: {  	[dreg:$0x0] =	wrdreg $0xFFFFFFFF;
	(pc) =	sbr.abs _section_cstart, $3  }
0xc1: {  	[dreg:$0x1] =	wrdreg $0xFFFFFFFF  }
0xc2: {  	_ =	task.clear_ibuf [dreg:s7], $0x2FFFF;
	_ =	strace $0x9FFFFFFF  }
0xc3: {  	(tm) =	ssettm $0x7FFFFFFF  }
tec
execute0_lowered:
.L_overlay_start_1:
0x0: {  	(tag) =	ssettag $0x1  }
0x1: {  	s8 =	rddreg [dreg:$0x0]  }
0x2: {  	s7 =	rddreg [dreg:$0x1]  }
0x3: {  	s1 =	rddreg [dreg:$0x2]  }
0x4: {  	s0 =	rddreg [dreg:$0x3];
	s3 =	simm.s32 $0x0;
	s4 =	srdreg.scid  }
0x5: {  	s2 =	stileid.u32;
	s13 =	simm.s32 $0x80;
	s14 =	simm.s32 $0x5000  }
0x6: {  	s15 =	simm.s32 $0x1;
	s17 =	simm.s32 $0x5300;
	s18 =	simm.s32 $0x0  }
0x7: {  	[smem:$0x7FF] =	sst s3;
	s16 =	sand.u32 $0x1, s4;
	s6 =	smul.u32 $0x500, s2  }
0x8: {  	s4 =	sadd.s32 $0x1800, s7;
	s5 =	sadd.s32 $0x2A200, s7;
	s29 =	smul.u32 $0x5000, s2  }
0x9: {  	_ =	strace $0x80000047;
	s9 =	sshll.u32 s16, $0x7;
	s10 =	smul.u32 $0x50000, s16  }
0xa: {  	s12 =	ssub.s32 $0x2, s16;
	p0 =	sne.s32 s16, $0x0;
	s16 =	simm.s32 $0x100  }
.Ltmp0:
0xb: {  	s6 =	sor.u32 s9, s6;
	s30 =	sshrl.u32 s12, $0x1;
	(pc) =	sbr.rel .LBB2_1-.Ltmp0, $4  }
0xc: {  	s11 =	sshrl.u32 s6, $0x3;
	s6 =	smul.u32 $0x280, s2;
	s9 =	sadd.s32 s29, s10  }
0xd: {  	s31 =	ssub.s32 s12, s30;
	s12 =	simm.s32 $0x2;
	s11 =	sadd.s32 s11, s7  }
0xe: {  	s9 =	sshrl.u32 s9, $0x3;
	s10 =	smax.u32 s31, $0x1;
	s7 =	sadd.s32 s6, s1  }
0xf: {  	v0 =	vimm.f32 $0.0e+00;
	v1 =	vimm.f32 $1.000000000e+00;
	s8 =	sadd.s32 s8, s9;
	s9 =	sadd.s32 $0x29800, s11;
	s11 =	simm.s32 $0x5080  }
.LBB2_9:
0x10: {  	s18 =	sadd.s32 $0x1, s18  }
0x11: {  	p1 =	sne.s32 s18, s10  }
.Ltmp1:
0x12: {  	_ = 	snop;
	(pc) =	sbr.rel @!p1 .LBB2_10-.Ltmp1, $1  }
0x13: {  	_ =	sdelay $0x3  }
.LBB2_1:
0x14: {  	[tilespmem:$0x5080] =	vst v0  }
0x15: {  	[tilespmem:$0x5090] =	vst v0  }
0x16: {  	[tilespmem:$0x50A0] =	vst v0  }
0x17: {  	[tilespmem:$0x50B0] =	vst v0  }
0x18: {  	[tilespmem:$0x50C0] =	vst v0  }
0x19: {  	[tilespmem:$0x50D0] =	vst v0  }
0x1a: {  	[tilespmem:$0x50E0] =	vst v0  }
0x1b: {  	[tilespmem:$0x50F0] =	vst v0  }
0x1c: {  	[tilespmem:$0x5100] =	vst v0  }
0x1d: {  	[tilespmem:$0x5110] =	vst v0  }
0x1e: {  	[tilespmem:$0x5120] =	vst v0  }
0x1f: {  	[tilespmem:$0x5130] =	vst v0  }
0x20: {  	[tilespmem:$0x5140] =	vst v0  }
0x21: {  	[tilespmem:$0x5150] =	vst v0  }
0x22: {  	[tilespmem:$0x5160] =	vst v0  }
0x23: {  	[tilespmem:$0x5170] =	vst v0  }
0x24: {  	[tilespmem:$0x5180] =	vst v0  }
0x25: {  	[tilespmem:$0x5190] =	vst v0  }
0x26: {  	[tilespmem:$0x51A0] =	vst v0  }
0x27: {  	[tilespmem:$0x51B0] =	vst v0  }
0x28: {  	[tilespmem:$0x51C0] =	vst v0  }
0x29: {  	[tilespmem:$0x51D0] =	vst v0  }
0x2a: {  	[tilespmem:$0x51E0] =	vst v0  }
0x2b: {  	[tilespmem:$0x51F0] =	vst v0  }
0x2c: {  	[tilespmem:$0x5200] =	vst v0  }
0x2d: {  	[tilespmem:$0x5210] =	vst v0  }
0x2e: {  	[tilespmem:$0x5220] =	vst v0  }
0x2f: {  	[tilespmem:$0x5230] =	vst v0  }
0x30: {  	[tilespmem:$0x5240] =	vst v0  }
0x31: {  	[tilespmem:$0x5250] =	vst v0  }
0x32: {  	[tilespmem:$0x5260] =	vst v0  }
0x33: {  	[tilespmem:$0x5270] =	vst v0  }
0x34: {  	[tilespmem:$0x5280] =	vst v0  }
0x35: {  	[tilespmem:$0x5290] =	vst v0  }
0x36: {  	[tilespmem:$0x52A0] =	vst v0  }
0x37: {  	[tilespmem:$0x52B0] =	vst v0  }
0x38: {  	[tilespmem:$0x52C0] =	vst v0  }
0x39: {  	[tilespmem:$0x52D0] =	vst v0  }
0x3a: {  	[tilespmem:$0x52E0] =	vst v0  }
0x3b: {  	[tilespmem:$0x52F0] =	vst v0  }
0x3c: {  	[spmem:s7] =	stream.linear.scatter [tilespmem:s11], [sflag:$0x2], $0x280, $0x38;
	[tilespmem:$0x7580] =	vst v63  }
0x3d: {  	_ =	swait.ge [sflag:s12], $0x280  }
0x3e: {  	[sflag:s12] =	ssyncset.done $0x0  }
0x3f: {  	[sflag:s12] =	ssyncadd.s32 $0xFFFFFD80  }
0x40: {  	[tilespmem:$0x5000] =	vst v1  }
0x41: {  	[tilespmem:$0x5010] =	vst v1  }
0x42: {  	[tilespmem:$0x5020] =	vst v1  }
0x43: {  	[tilespmem:$0x5030] =	vst v1  }
0x44: {  	[tilespmem:$0x5040] =	vst v1  }
0x45: {  	[tilespmem:$0x5050] =	vst v1  }
0x46: {  	[tilespmem:$0x5060] =	vst v1  }
0x47: {  	[tilespmem:$0x5070] =	vst v1  }
0x48: {  	[bflag:$0x0] =	sbarrier.arrive $0xFFFF  }
0x49: {  	[tilespmem:s3], [sflag:$0x2] =	stream.linear.gather [hbm4b:s8+s3], $0x4E80, $0x38;
	[tilespmem:$0x7580] =	vst v63  }
0x4a: {  	_ =	swait.ge [sflag:s12], $0x4E80  }
0x4b: {  	p1 =	por $0x1, $0x1;
	[sflag:s12] =	ssyncset.done $0x0  }
0x4c: {  	s21 =	simm.s32 @!p1 $0x1;
	[sflag:s12] =	ssyncadd.s32 $0xFFFFB180  }
0x4d: {  	[spmem:s1] =	stream.indirect.scatter.add.f32 [tilespmem:s14], [sflag:$0x1], $0x1, s3, s13, $0xb8;
	[tilespmem:$0x7580] =	vst v63  }
0x4e: {  	_ =	swait.ge @!p1 [sflag:s21], $0x80  }
0x4f: {  	s19 =	simm.s32 $0x1;
	s20 =	simm.s32 $0x0;
	[sflag:s21] =	ssyncset.done @!p1 $0x0  }
.LBB2_2:
0x50: {  	[sflag:s21] =	ssyncadd.s32 @!p1 $0xFFFFFF80  }
0x51: {  	s20 =	sadd.s32 $0x80, s20;
	s21 =	smov.u32 s19;
	s19 =	sadd.s32 $0x1, s19  }
0x52: {  	p2 =	sne.s32 s19, $0x9D  }
0x53: {  	[spmem:s1] =	stream.indirect.scatter.add.f32 [tilespmem:s14], [sflag:$0x1], $0x1, s20, s13, $0xb8;
	[tilespmem:$0x7580] =	vst v63  }
.Ltmp2:
0x54: {  	_ = 	snop;
	(pc) =	sbr.rel @p2 .LBB2_2-.Ltmp2, $4  }
0x55: {  	p1 =	slt.u32 s21, $0x10  }
0x56: {  	s21 =	simm.s32 @!p1 $0x1  }
0x57: {  	_ =	swait.ge @!p1 [sflag:s21], $0x80  }
0x58: {  	[sflag:s21] =	ssyncset.done @!p1 $0x0  }
0x59: {  	[sflag:s21] =	ssyncadd.s32 @!p1 $0xFFFFFF80  }
0x5a: {  	_ =	swait.ge [sflag:s15], $0x80  }
0x5b: {  	[sflag:s15] =	ssyncset.done $0x0  }
0x5c: {  	[sflag:s15] =	ssyncadd.s32 $0xFFFFFF80  }
0x5d: {  	_ =	swait.ge [sflag:s15], $0x80  }
0x5e: {  	[sflag:s15] =	ssyncset.done $0x0  }
0x5f: {  	[sflag:s15] =	ssyncadd.s32 $0xFFFFFF80  }
0x60: {  	_ =	swait.ge [sflag:s15], $0x80  }
0x61: {  	[sflag:s15] =	ssyncset.done $0x0  }
0x62: {  	[sflag:s15] =	ssyncadd.s32 $0xFFFFFF80  }
0x63: {  	_ =	swait.ge [sflag:s15], $0x80  }
0x64: {  	[sflag:s15] =	ssyncset.done $0x0  }
0x65: {  	[sflag:s15] =	ssyncadd.s32 $0xFFFFFF80  }
0x66: {  	_ =	swait.ge [sflag:s15], $0x80  }
0x67: {  	[sflag:s15] =	ssyncset.done $0x0  }
0x68: {  	[sflag:s15] =	ssyncadd.s32 $0xFFFFFF80  }
0x69: {  	_ =	swait.ge [sflag:s15], $0x80  }
0x6a: {  	[sflag:s15] =	ssyncset.done $0x0  }
0x6b: {  	[sflag:s15] =	ssyncadd.s32 $0xFFFFFF80  }
0x6c: {  	_ =	swait.ge [sflag:s15], $0x80  }
0x6d: {  	[sflag:s15] =	ssyncset.done $0x0  }
0x6e: {  	[sflag:s15] =	ssyncadd.s32 $0xFFFFFF80  }
0x6f: {  	_ =	swait.ge [sflag:s15], $0x80  }
0x70: {  	[sflag:s15] =	ssyncset.done $0x0  }
0x71: {  	[sflag:s15] =	ssyncadd.s32 $0xFFFFFF80  }
0x72: {  	_ =	swait.ge [sflag:s15], $0x80  }
0x73: {  	[sflag:s15] =	ssyncset.done $0x0  }
0x74: {  	[sflag:s15] =	ssyncadd.s32 $0xFFFFFF80  }
0x75: {  	_ =	swait.ge [sflag:s15], $0x80  }
0x76: {  	[sflag:s15] =	ssyncset.done $0x0  }
0x77: {  	[sflag:s15] =	ssyncadd.s32 $0xFFFFFF80  }
0x78: {  	_ =	swait.ge [sflag:s15], $0x80  }
0x79: {  	[sflag:s15] =	ssyncset.done $0x0  }
0x7a: {  	[sflag:s15] =	ssyncadd.s32 $0xFFFFFF80  }
0x7b: {  	_ =	swait.ge [sflag:s15], $0x80  }
0x7c: {  	[sflag:s15] =	ssyncset.done $0x0  }
0x7d: {  	[sflag:s15] =	ssyncadd.s32 $0xFFFFFF80  }
0x7e: {  	_ =	swait.ge [sflag:s15], $0x80  }
0x7f: {  	[sflag:s15] =	ssyncset.done $0x0  }
0x80: {  	[sflag:s15] =	ssyncadd.s32 $0xFFFFFF80  }
0x81: {  	_ =	swait.ge [sflag:s15], $0x80  }
0x82: {  	[sflag:s15] =	ssyncset.done $0x0  }
0x83: {  	[sflag:s15] =	ssyncadd.s32 $0xFFFFFF80  }
0x84: {  	_ =	swait.ge [sflag:s15], $0x80  }
0x85: {  	[sflag:s15] =	ssyncset.done $0x0  }
0x86: {  	[sflag:s15] =	ssyncadd.s32 $0xFFFFFF80  }
0x87: {  	_ =	swait.ge [sflag:s15], $0x80  }
0x88: {  	[sflag:s15] =	ssyncset.done $0x0  }
0x89: {  	[sflag:s15] =	ssyncadd.s32 $0xFFFFFF80  }
0x8a: {  	[bflag:$0x0] =	sbarrier.arrive $0xFFFF  }
0x8b: {  	[tilespmem:s11], [sflag:$0x2] =	stream.linear.gather [spmem:s7], $0x280, $0x38;
	[tilespmem:$0x7580] =	vst v63  }
0x8c: {  	_ =	swait.ge [sflag:s12], $0x280  }
0x8d: {  	[sflag:s12] =	ssyncset.done $0x0  }
0x8e: {  	s19 =	simm.s32 $0x0;
	s20 =	simm.s32 $0x40;
	[sflag:s12] =	ssyncadd.s32 $0xFFFFFD80  }
.LBB2_4:
0x8f: {  	p1 =	sne.s32 s20, $0x9C0;
	v2 =	vld [tilespmem:s19+$0x5080];
	_ =	sdelay $0x4  }
0x90: {  	v2 =	vmax.f32 v2, $1.000000000e+00  }
0x91: {  	v3 =	vshrl.u32 v2, $0x1;
	v2 =	vmul.f32 $5.000000000e-01, v2  }
0x92: {  	v3 =	vsub.s32 $0x5F3759DF, v3  }
0x93: {  	v4 =	vmul.f32 v3, v2;
	_ =	sdelay $0x1  }
0x94: {  	v4 =	vmul.f32 v3, v4;
	_ =	sdelay $0x1  }
0x95: {  	v4 =	vsub.f32 $1.500000000e+00, v4;
	_ =	sdelay $0x1  }
0x96: {  	v3 =	vmul.f32 v3, v4;
	_ =	sdelay $0x1  }
0x97: {  	v4 =	vmul.f32 v3, v2;
	_ =	sdelay $0x1  }
0x98: {  	v4 =	vmul.f32 v4, v3;
	_ =	sdelay $0x1  }
0x99: {  	v4 =	vsub.f32 $1.500000000e+00, v4;
	_ =	sdelay $0x1  }
0x9a: {  	v3 =	vmul.f32 v4, v3;
	_ =	sdelay $0x1  }
0x9b: {  	v2 =	vmul.f32 v3, v2;
	_ =	sdelay $0x1  }
0x9c: {  	v2 =	vmul.f32 v2, v3;
	_ =	sdelay $0x1  }
.Ltmp3:
0x9d: {  	v2 =	vsub.f32 $1.500000000e+00, v2;
	(pc) =	sbr.rel @p1 .LBB2_4-.Ltmp3, $3  }
0x9e: {  	_ = 	snop  }
0x9f: {  	v2 =	vmul.f32 v2, v3;
	_ =	sdelay $0x1  }
0xa0: {  	[tilespmem:s19+$0x5080] =	vst v2;
	s19 =	sshra.s32 s20, $0x2;
	s20 =	sadd.s32 $0x40, s20  }
0xa1: {  	v2 =	vld [tilespmem:s19+$0x5080];
	_ =	sdelay $0x4  }
0xa2: {  	v2 =	vmax.f32 v2, $1.000000000e+00  }
0xa3: {  	v3 =	vshrl.u32 v2, $0x1;
	v2 =	vmul.f32 $5.000000000e-01, v2  }
0xa4: {  	v3 =	vsub.s32 $0x5F3759DF, v3  }
0xa5: {  	v4 =	vmul.f32 v3, v2;
	_ =	sdelay $0x1  }
0xa6: {  	v4 =	vmul.f32 v3, v4;
	_ =	sdelay $0x1  }
0xa7: {  	v4 =	vsub.f32 $1.500000000e+00, v4;
	_ =	sdelay $0x1  }
0xa8: {  	v3 =	vmul.f32 v3, v4;
	_ =	sdelay $0x1  }
0xa9: {  	v4 =	vmul.f32 v3, v2;
	_ =	sdelay $0x1  }
0xaa: {  	v4 =	vmul.f32 v4, v3;
	_ =	sdelay $0x1  }
0xab: {  	v4 =	vsub.f32 $1.500000000e+00, v4;
	_ =	sdelay $0x1  }
0xac: {  	v3 =	vmul.f32 v4, v3;
	_ =	sdelay $0x1  }
0xad: {  	v2 =	vmul.f32 v3, v2;
	_ =	sdelay $0x1  }
0xae: {  	v2 =	vmul.f32 v2, v3;
	_ =	sdelay $0x1  }
0xaf: {  	v2 =	vsub.f32 $1.500000000e+00, v2;
	_ =	sdelay $0x1  }
0xb0: {  	v2 =	vmul.f32 v2, v3;
	_ =	sdelay $0x1  }
.Ltmp4:
0xb1: {  	[tilespmem:s19+$0x5080] =	vst v2;
	(pc) =	sbr.rel @p0 .LBB2_9-.Ltmp4, $4  }
0xb2: {  	[hbm4b:s9+s13] =	stream.strided.scatter [tilespmem:s11], [sflag:$0x2], $0x280, s16, s13, $0x38;
	[tilespmem:$0x7580] =	vst v63  }
0xb3: {  	_ =	swait.ge [sflag:s12], $0x280  }
0xb4: {  	[sflag:s12] =	ssyncset.done $0x0  }
0xb5: {  	s20 =	simm.s32 $0x0;
	s19 =	simm.s32 $0x0;
	[sflag:s12] =	ssyncadd.s32 $0xFFFFFD80  }
.LBB2_6:
0xb6: {  	s22 =	sshll.u32 s20, $0x6  }
0xb7: {  	s21 =	sadd.s32 s6, s22  }
0xb8: {  	s21 =	sshll.u32 s21, $0x4  }
0xb9: {  	s22 =	sadd.s32 $0x5080, s22;
	s23 =	sadd.s32 s4, s21  }
0xba: {  	[tilespmem:s17], [sflag:$0x2] =	stream.linear.gather [hbm4b:s23+s19], $0x2000, $0x38;
	[tilespmem:$0x7580] =	vst v63  }
0xbb: {  	v2 =	vmov s22;
	_ =	swait.ge [sflag:s12], $0x2000  }
0xbc: {  	[sflag:s12] =	ssyncset.done $0x0  }
0xbd: {  	s22 =	simm.s32 $0x0;
	[sflag:s12] =	ssyncadd.s32 $0xFFFFE000  }
.LBB2_7:
0xbe: {  	s23 =	sshll.u32 s22, $0x4  }
0xbf: {  	s23 =	sand.u32 $0x3FFFFFF0, s23  }
0xc0: {  	s31 =	sshll.u32 s22, $0xB;
	v3 =	vld.idx.msk [tilespmem:v2+s23+$0x0 ss:$0x1], $0xffff  }
0xc1: {  	s23 =	sand.u32 $0x3FFFF800, s31  }
0xc2: {  	v4 =	vld [tilespmem:s23+$0x5300]  }
0xc3: {  	v5 =	vld [tilespmem:s23+$0x5310]  }
0xc4: {  	v6 =	vld [tilespmem:s23+$0x5320]  }
0xc5: {  	v8 =	vld [tilespmem:s23+$0x5330];
	v7 =	vbroadcast v3, $0x0  }
0xc6: {  	v9 =	vld [tilespmem:s23+$0x5340]  }
0xc7: {  	v10 =	vld [tilespmem:s23+$0x5350];
	v4 =	vmul.f32 v7, v4  }
0xc8: {  	v11 =	vld [tilespmem:s23+$0x5360];
	v5 =	vmul.f32 v5, v7  }
0xc9: {  	v55 =	vld [tilespmem:s23+$0x5370];
	v54 =	vmul.f32 v6, v7;
	[tilespmem:s23+$0x5300] =	vst v4  }
0xca: {  	v57 =	vld [tilespmem:s23+$0x5380];
	v56 =	vmul.f32 v8, v7;
	[tilespmem:s23+$0x5310] =	vst v5  }
0xcb: {  	v59 =	vld [tilespmem:s23+$0x5390];
	v58 =	vmul.f32 v9, v7;
	[tilespmem:s23+$0x5320] =	vst v54  }
0xcc: {  	v61 =	vld [tilespmem:s23+$0x53A0];
	v60 =	vmul.f32 v10, v7;
	[tilespmem:s23+$0x5330] =	vst v56  }
0xcd: {  	v12 =	vld [tilespmem:s23+$0x53B0];
	v63 =	vbroadcast v3, $0x1;
	v62 =	vmul.f32 v11, v7;
	[tilespmem:s23+$0x5340] =	vst v58  }
0xce: {  	v14 =	vld [tilespmem:s23+$0x53C0];
	v13 =	vmul.f32 v55, v7;
	[tilespmem:s23+$0x5350] =	vst v60  }
0xcf: {  	v16 =	vld [tilespmem:s23+$0x53D0];
	v15 =	vmul.f32 v57, v63;
	[tilespmem:s23+$0x5360] =	vst v62  }
0xd0: {  	v18 =	vld [tilespmem:s23+$0x53E0];
	v17 =	vmul.f32 v59, v63;
	[tilespmem:s23+$0x5370] =	vst v13  }
0xd1: {  	v20 =	vld [tilespmem:s23+$0x53F0];
	v19 =	vmul.f32 v61, v63;
	[tilespmem:s23+$0x5380] =	vst v15  }
0xd2: {  	v22 =	vld [tilespmem:s23+$0x5400];
	v21 =	vmul.f32 v12, v63;
	[tilespmem:s23+$0x5390] =	vst v17  }
0xd3: {  	v24 =	vld [tilespmem:s23+$0x5410];
	v23 =	vmul.f32 v14, v63;
	[tilespmem:s23+$0x53A0] =	vst v19  }
0xd4: {  	v26 =	vld [tilespmem:s23+$0x5420];
	v25 =	vmul.f32 v16, v63;
	[tilespmem:s23+$0x53B0] =	vst v21  }
0xd5: {  	v29 =	vld [tilespmem:s23+$0x5430];
	v28 =	vbroadcast v3, $0x2;
	v27 =	vmul.f32 v18, v63;
	[tilespmem:s23+$0x53C0] =	vst v23  }
0xd6: {  	v31 =	vld [tilespmem:s23+$0x5440];
	v30 =	vmul.f32 v20, v63;
	[tilespmem:s23+$0x53D0] =	vst v25  }
0xd7: {  	v33 =	vld [tilespmem:s23+$0x5450];
	v32 =	vmul.f32 v22, v28;
	[tilespmem:s23+$0x53E0] =	vst v27  }
0xd8: {  	v35 =	vld [tilespmem:s23+$0x5460];
	v34 =	vmul.f32 v24, v28;
	[tilespmem:s23+$0x53F0] =	vst v30  }
0xd9: {  	v37 =	vld [tilespmem:s23+$0x5470];
	v36 =	vmul.f32 v26, v28;
	[tilespmem:s23+$0x5400] =	vst v32  }
0xda: {  	v39 =	vld [tilespmem:s23+$0x5480];
	v38 =	vmul.f32 v29, v28;
	[tilespmem:s23+$0x5410] =	vst v34  }
0xdb: {  	v41 =	vld [tilespmem:s23+$0x5490];
	v40 =	vmul.f32 v31, v28;
	[tilespmem:s23+$0x5420] =	vst v36  }
0xdc: {  	v43 =	vld [tilespmem:s23+$0x54A0];
	v42 =	vmul.f32 v33, v28;
	[tilespmem:s23+$0x5430] =	vst v38  }
0xdd: {  	v46 =	vld [tilespmem:s23+$0x54B0];
	v45 =	vbroadcast v3, $0x3;
	v44 =	vmul.f32 v35, v28;
	[tilespmem:s23+$0x5440] =	vst v40  }
0xde: {  	v48 =	vld [tilespmem:s23+$0x54C0];
	v47 =	vmul.f32 v37, v28;
	[tilespmem:s23+$0x5450] =	vst v42  }
0xdf: {  	v50 =	vld [tilespmem:s23+$0x54D0];
	v49 =	vmul.f32 v39, v45;
	[tilespmem:s23+$0x5460] =	vst v44  }
0xe0: {  	v52 =	vld [tilespmem:s23+$0x54E0];
	v51 =	vmul.f32 v41, v45;
	[tilespmem:s23+$0x5470] =	vst v47  }
0xe1: {  	v53 =	vmul.f32 v43, v45;
	v63 =	vld [tilespmem:s23+$0x5530];
	[tilespmem:s23+$0x5480] =	vst v49  }
0xe2: {  	v55 =	vmul.f32 v46, v45;
	v14 =	vld [tilespmem:s23+$0x5540];
	[tilespmem:s23+$0x5490] =	vst v51  }
0xe3: {  	v57 =	vmul.f32 v48, v45;
	v16 =	vld [tilespmem:s23+$0x5550];
	[tilespmem:s23+$0x54A0] =	vst v53  }
0xe4: {  	v59 =	vmul.f32 v50, v45;
	v18 =	vld [tilespmem:s23+$0x5560];
	[tilespmem:s23+$0x54B0] =	vst v55;
	v62 =	vbroadcast v3, $0x4  }
0xe5: {  	v61 =	vmul.f32 v52, v45;
	v20 =	vld [tilespmem:s23+$0x5570];
	[tilespmem:s23+$0x54C0] =	vst v57  }
0xe6: {  	v22 =	vld [tilespmem:s23+$0x5580];
	[tilespmem:s23+$0x54D0] =	vst v59;
	v21 =	vmul.f32 v63, v62  }
0xe7: {  	v24 =	vld [tilespmem:s23+$0x5590];
	[tilespmem:s23+$0x54E0] =	vst v61;
	v23 =	vmul.f32 v14, v62  }
0xe8: {  	v26 =	vld [tilespmem:s23+$0x55A0];
	v25 =	vmul.f32 v16, v62;
	[tilespmem:s23+$0x5530] =	vst v21  }
0xe9: {  	v28 =	vbroadcast v3, $0x5;
	v29 =	vld [tilespmem:s23+$0x55B0];
	v27 =	vmul.f32 v18, v62;
	[tilespmem:s23+$0x5540] =	vst v23  }
0xea: {  	v31 =	vld [tilespmem:s23+$0x55C0];
	v30 =	vmul.f32 v20, v62;
	[tilespmem:s23+$0x5550] =	vst v25  }
0xeb: {  	v33 =	vld [tilespmem:s23+$0x55D0];
	v32 =	vmul.f32 v22, v28;
	[tilespmem:s23+$0x5560] =	vst v27  }
0xec: {  	v35 =	vld [tilespmem:s23+$0x55E0];
	v34 =	vmul.f32 v24, v28;
	[tilespmem:s23+$0x5570] =	vst v30  }
0xed: {  	v37 =	vld [tilespmem:s23+$0x55F0];
	v36 =	vmul.f32 v26, v28;
	[tilespmem:s23+$0x5580] =	vst v32  }
0xee: {  	v54 =	vld [tilespmem:s23+$0x54F0];
	v38 =	vmul.f32 v29, v28;
	[tilespmem:s23+$0x5590] =	vst v34  }
0xef: {  	v56 =	vld [tilespmem:s23+$0x5500];
	v40 =	vmul.f32 v31, v28;
	[tilespmem:s23+$0x55A0] =	vst v36  }
0xf0: {  	v58 =	vld [tilespmem:s23+$0x5510];
	v42 =	vmul.f32 v33, v28;
	[tilespmem:s23+$0x55B0] =	vst v38  }
0xf1: {  	v60 =	vld [tilespmem:s23+$0x5520];
	v44 =	vmul.f32 v35, v28;
	[tilespmem:s23+$0x55C0] =	vst v40  }
0xf2: {  	v39 =	vld [tilespmem:s23+$0x5600];
	v47 =	vmul.f32 v37, v28;
	[tilespmem:s23+$0x55D0] =	vst v42  }
0xf3: {  	v41 =	vld [tilespmem:s23+$0x5610];
	v13 =	vmul.f32 v54, v45;
	[tilespmem:s23+$0x55E0] =	vst v44  }
0xf4: {  	v43 =	vld [tilespmem:s23+$0x5620];
	v15 =	vmul.f32 v56, v62;
	[tilespmem:s23+$0x55F0] =	vst v47  }
0xf5: {  	v46 =	vld [tilespmem:s23+$0x5630];
	v17 =	vmul.f32 v58, v62;
	v45 =	vbroadcast v3, $0x6;
	[tilespmem:s23+$0x54F0] =	vst v13  }
0xf6: {  	v48 =	vld [tilespmem:s23+$0x5640];
	v19 =	vmul.f32 v60, v62;
	[tilespmem:s23+$0x5500] =	vst v15  }
0xf7: {  	v50 =	vld [tilespmem:s23+$0x5650];
	[tilespmem:s23+$0x5510] =	vst v17;
	v49 =	vmul.f32 v39, v45  }
0xf8: {  	v52 =	vld [tilespmem:s23+$0x5660];
	[tilespmem:s23+$0x5520] =	vst v19;
	v51 =	vmul.f32 v41, v45  }
0xf9: {  	v63 =	vld [tilespmem:s23+$0x56B0];
	v53 =	vmul.f32 v43, v45;
	[tilespmem:s23+$0x5600] =	vst v49  }
0xfa: {  	v14 =	vld [tilespmem:s23+$0x56C0];
	v55 =	vmul.f32 v46, v45;
	[tilespmem:s23+$0x5610] =	vst v51  }
0xfb: {  	v16 =	vld [tilespmem:s23+$0x56D0];
	v57 =	vmul.f32 v48, v45;
	[tilespmem:s23+$0x5620] =	vst v53  }
0xfc: {  	v18 =	vld [tilespmem:s23+$0x56E0];
	v62 =	vbroadcast v3, $0x7;
	v59 =	vmul.f32 v50, v45;
	[tilespmem:s23+$0x5630] =	vst v55  }
0xfd: {  	v20 =	vld [tilespmem:s23+$0x56F0];
	v61 =	vmul.f32 v52, v45;
	[tilespmem:s23+$0x5640] =	vst v57  }
0xfe: {  	v22 =	vld [tilespmem:s23+$0x5700];
	v21 =	vmul.f32 v63, v62;
	[tilespmem:s23+$0x5650] =	vst v59  }
0xff: {  	v24 =	vld [tilespmem:s23+$0x5710];
	v23 =	vmul.f32 v14, v62;
	[tilespmem:s23+$0x5660] =	vst v61  }
0x100: {  	v26 =	vld [tilespmem:s23+$0x5720];
	v25 =	vmul.f32 v16, v62;
	[tilespmem:s23+$0x56B0] =	vst v21  }
0x101: {  	v28 =	vbroadcast v3, $0x8;
	v29 =	vld [tilespmem:s23+$0x5730];
	v27 =	vmul.f32 v18, v62;
	[tilespmem:s23+$0x56C0] =	vst v23  }
0x102: {  	v31 =	vld [tilespmem:s23+$0x5740];
	v30 =	vmul.f32 v20, v62;
	[tilespmem:s23+$0x56D0] =	vst v25  }
0x103: {  	v33 =	vld [tilespmem:s23+$0x5750];
	v32 =	vmul.f32 v22, v28;
	[tilespmem:s23+$0x56E0] =	vst v27  }
0x104: {  	v35 =	vld [tilespmem:s23+$0x5760];
	v34 =	vmul.f32 v24, v28;
	[tilespmem:s23+$0x56F0] =	vst v30  }
0x105: {  	v37 =	vld [tilespmem:s23+$0x5770];
	v36 =	vmul.f32 v26, v28;
	[tilespmem:s23+$0x5700] =	vst v32  }
0x106: {  	v54 =	vld [tilespmem:s23+$0x5670];
	v38 =	vmul.f32 v29, v28;
	[tilespmem:s23+$0x5710] =	vst v34  }
0x107: {  	v56 =	vld [tilespmem:s23+$0x5680];
	v40 =	vmul.f32 v31, v28;
	[tilespmem:s23+$0x5720] =	vst v36  }
0x108: {  	v58 =	vld [tilespmem:s23+$0x5690];
	v42 =	vmul.f32 v33, v28;
	[tilespmem:s23+$0x5730] =	vst v38  }
0x109: {  	v60 =	vld [tilespmem:s23+$0x56A0];
	v44 =	vmul.f32 v35, v28;
	[tilespmem:s23+$0x5740] =	vst v40  }
0x10a: {  	v39 =	vld [tilespmem:s23+$0x5780];
	v47 =	vmul.f32 v37, v28;
	[tilespmem:s23+$0x5750] =	vst v42  }
0x10b: {  	v41 =	vld [tilespmem:s23+$0x5790];
	v13 =	vmul.f32 v54, v45;
	[tilespmem:s23+$0x5760] =	vst v44  }
0x10c: {  	v43 =	vld [tilespmem:s23+$0x57A0];
	v15 =	vmul.f32 v56, v62;
	[tilespmem:s23+$0x5770] =	vst v47  }
0x10d: {  	v46 =	vld [tilespmem:s23+$0x57B0];
	v17 =	vmul.f32 v58, v62;
	v45 =	vbroadcast v3, $0x9;
	[tilespmem:s23+$0x5670] =	vst v13  }
0x10e: {  	v48 =	vld [tilespmem:s23+$0x57C0];
	v19 =	vmul.f32 v60, v62;
	[tilespmem:s23+$0x5680] =	vst v15  }
0x10f: {  	v50 =	vld [tilespmem:s23+$0x57D0];
	[tilespmem:s23+$0x5690] =	vst v17;
	v49 =	vmul.f32 v39, v45  }
0x110: {  	v52 =	vld [tilespmem:s23+$0x57E0];
	[tilespmem:s23+$0x56A0] =	vst v19;
	v51 =	vmul.f32 v41, v45  }
0x111: {  	v63 =	vld [tilespmem:s23+$0x5830];
	v53 =	vmul.f32 v43, v45;
	[tilespmem:s23+$0x5780] =	vst v49  }
0x112: {  	v29 =	vld [tilespmem:s23+$0x58A0];
	v55 =	vmul.f32 v46, v45;
	[tilespmem:s23+$0x5790] =	vst v51  }
0x113: {  	v54 =	vld [tilespmem:s23+$0x57F0];
	v57 =	vmul.f32 v48, v45;
	[tilespmem:s23+$0x57A0] =	vst v53  }
0x114: {  	v56 =	vld [tilespmem:s23+$0x5800];
	v62 =	vbroadcast v3, $0xA;
	v59 =	vmul.f32 v50, v45;
	[tilespmem:s23+$0x57B0] =	vst v55  }
0x115: {  	v31 =	vbroadcast v3, $0xB;
	v58 =	vld [tilespmem:s23+$0x5810];
	v61 =	vmul.f32 v52, v45;
	[tilespmem:s23+$0x57C0] =	vst v57  }
0x116: {  	v60 =	vld [tilespmem:s23+$0x5820];
	v24 =	vmul.f32 v63, v62;
	[tilespmem:s23+$0x57D0] =	vst v59  }
0x117: {  	v21 =	vld [tilespmem:s23+$0x5860];
	v39 =	vmul.f32 v29, v31;
	[tilespmem:s23+$0x57E0] =	vst v61  }
0x118: {  	v23 =	vld [tilespmem:s23+$0x5870];
	v16 =	vmul.f32 v54, v45;
	[tilespmem:s23+$0x5830] =	vst v24  }
0x119: {  	v25 =	vld [tilespmem:s23+$0x5880];
	v18 =	vmul.f32 v56, v62;
	[tilespmem:s23+$0x58A0] =	vst v39  }
0x11a: {  	v27 =	vld [tilespmem:s23+$0x5890];
	v20 =	vmul.f32 v58, v62;
	[tilespmem:s23+$0x57F0] =	vst v16  }
0x11b: {  	v32 =	vld [tilespmem:s23+$0x58B0];
	v22 =	vmul.f32 v60, v62;
	[tilespmem:s23+$0x5800] =	vst v18  }
0x11c: {  	v34 =	vld [tilespmem:s23+$0x58C0];
	v30 =	vmul.f32 v21, v62;
	[tilespmem:s23+$0x5810] =	vst v20  }
0x11d: {  	v36 =	vld [tilespmem:s23+$0x58D0];
	v33 =	vmul.f32 v23, v62;
	[tilespmem:s23+$0x5820] =	vst v22  }
0x11e: {  	v38 =	vld [tilespmem:s23+$0x58E0];
	v35 =	vmul.f32 v25, v31;
	[tilespmem:s23+$0x5860] =	vst v30  }
0x11f: {  	v40 =	vld [tilespmem:s23+$0x58F0];
	v37 =	vmul.f32 v27, v31;
	[tilespmem:s23+$0x5870] =	vst v33  }
0x120: {  	v42 =	vld [tilespmem:s23+$0x5900];
	v41 =	vmul.f32 v32, v31;
	[tilespmem:s23+$0x5880] =	vst v35  }
0x121: {  	v44 =	vld [tilespmem:s23+$0x5910];
	v43 =	vmul.f32 v34, v31;
	[tilespmem:s23+$0x5890] =	vst v37  }
0x122: {  	v17 =	vld [tilespmem:s23+$0x5840];
	v45 =	vmul.f32 v36, v31;
	[tilespmem:s23+$0x58B0] =	vst v41  }
0x123: {  	v19 =	vld [tilespmem:s23+$0x5850];
	v48 =	vbroadcast v3, $0xC;
	v47 =	vmul.f32 v38, v31;
	[tilespmem:s23+$0x58C0] =	vst v43  }
0x124: {  	v46 =	vld [tilespmem:s23+$0x5920];
	v50 =	vmul.f32 v40, v31;
	[tilespmem:s23+$0x58D0] =	vst v45  }
0x125: {  	v49 =	vld [tilespmem:s23+$0x5930];
	v52 =	vmul.f32 v42, v48;
	[tilespmem:s23+$0x58E0] =	vst v47  }
0x126: {  	v51 =	vld [tilespmem:s23+$0x5940];
	v54 =	vmul.f32 v44, v48;
	[tilespmem:s23+$0x58F0] =	vst v50  }
0x127: {  	v53 =	vld [tilespmem:s23+$0x5950];
	v26 =	vmul.f32 v17, v62;
	[tilespmem:s23+$0x5900] =	vst v52  }
0x128: {  	v55 =	vld [tilespmem:s23+$0x5960];
	v28 =	vmul.f32 v19, v62;
	[tilespmem:s23+$0x5910] =	vst v54  }
0x129: {  	v57 =	vld [tilespmem:s23+$0x5970];
	v56 =	vmul.f32 v46, v48;
	[tilespmem:s23+$0x5840] =	vst v26  }
0x12a: {  	v59 =	vld [tilespmem:s23+$0x5980];
	[tilespmem:s23+$0x5850] =	vst v28;
	v58 =	vmul.f32 v49, v48  }
0x12b: {  	v61 =	vld [tilespmem:s23+$0x5990];
	[tilespmem:s23+$0x5920] =	vst v56;
	v60 =	vmul.f32 v51, v48  }
0x12c: {  	v63 =	vld [tilespmem:s23+$0x59A0];
	v62 =	vmul.f32 v53, v48;
	[tilespmem:s23+$0x5930] =	vst v58  }
0x12d: {  	v24 =	vld [tilespmem:s23+$0x59E0];
	v17 =	vbroadcast v3, $0xD;
	v16 =	vmul.f32 v55, v48;
	[tilespmem:s23+$0x5940] =	vst v60  }
0x12e: {  	v32 =	vld [tilespmem:s23+$0x5A20];
	v19 =	vmul.f32 v57, v48;
	[tilespmem:s23+$0x5950] =	vst v62  }
0x12f: {  	v39 =	vld [tilespmem:s23+$0x5A50];
	v21 =	vmul.f32 v59, v17;
	[tilespmem:s23+$0x5960] =	vst v16  }
0x130: {  	v18 =	vld [tilespmem:s23+$0x59B0];
	v23 =	vmul.f32 v61, v17;
	[tilespmem:s23+$0x5970] =	vst v19  }
0x131: {  	v34 =	vbroadcast v3, $0xE;
	v20 =	vld [tilespmem:s23+$0x59C0];
	v25 =	vmul.f32 v63, v17;
	[tilespmem:s23+$0x5980] =	vst v21  }
0x132: {  	v22 =	vld [tilespmem:s23+$0x59D0];
	v33 =	vmul.f32 v24, v17;
	[tilespmem:s23+$0x5990] =	vst v23  }
0x133: {  	v30 =	vld [tilespmem:s23+$0x5A10];
	v42 =	vmul.f32 v32, v34;
	[tilespmem:s23+$0x59A0] =	vst v25  }
0x134: {  	v35 =	vld [tilespmem:s23+$0x5A30];
	v48 =	vmul.f32 v39, v34;
	[tilespmem:s23+$0x59E0] =	vst v33  }
0x135: {  	v37 =	vld [tilespmem:s23+$0x5A40];
	v27 =	vmul.f32 v18, v17;
	[tilespmem:s23+$0x5A20] =	vst v42  }
0x136: {  	v41 =	vld [tilespmem:s23+$0x5A60];
	v29 =	vmul.f32 v20, v17;
	[tilespmem:s23+$0x5A50] =	vst v48  }
0x137: {  	v43 =	vld [tilespmem:s23+$0x5A70];
	v31 =	vmul.f32 v22, v17;
	[tilespmem:s23+$0x59B0] =	vst v27  }
0x138: {  	v45 =	vld [tilespmem:s23+$0x5A80];
	v40 =	vmul.f32 v30, v34;
	[tilespmem:s23+$0x59C0] =	vst v29  }
0x139: {  	v47 =	vld [tilespmem:s23+$0x5A90];
	v44 =	vmul.f32 v35, v34;
	[tilespmem:s23+$0x59D0] =	vst v31  }
0x13a: {  	v26 =	vld [tilespmem:s23+$0x59F0];
	v46 =	vmul.f32 v37, v34;
	[tilespmem:s23+$0x5A10] =	vst v40  }
0x13b: {  	v3 =	vbroadcast v3, $0xF;
	v28 =	vld [tilespmem:s23+$0x5A00];
	v50 =	vmul.f32 v41, v34;
	[tilespmem:s23+$0x5A30] =	vst v44  }
0x13c: {  	v49 =	vld [tilespmem:s23+$0x5AA0];
	v52 =	vmul.f32 v43, v34;
	[tilespmem:s23+$0x5A40] =	vst v46  }
0x13d: {  	v51 =	vld [tilespmem:s23+$0x5AB0];
	v54 =	vmul.f32 v45, v3;
	[tilespmem:s23+$0x5A60] =	vst v50  }
0x13e: {  	v53 =	vld [tilespmem:s23+$0x5AC0];
	v56 =	vmul.f32 v47, v3;
	[tilespmem:s23+$0x5A70] =	vst v52  }
0x13f: {  	v55 =	vld [tilespmem:s23+$0x5AD0];
	v36 =	vmul.f32 v26, v17;
	[tilespmem:s23+$0x5A80] =	vst v54  }
0x140: {  	v57 =	vld [tilespmem:s23+$0x5AE0];
	v38 =	vmul.f32 v28, v34;
	[tilespmem:s23+$0x5A90] =	vst v56  }
0x141: {  	v59 =	vld [tilespmem:s23+$0x5AF0];
	v58 =	vmul.f32 v49, v3;
	[tilespmem:s23+$0x59F0] =	vst v36  }
0x142: {  	v60 =	vmul.f32 v51, v3;
	[tilespmem:s23+$0x5A00] =	vst v38  }
0x143: {  	p1 =	sne.s32 s22, $0x3;
	v61 =	vmul.f32 v53, v3;
	[tilespmem:s23+$0x5AA0] =	vst v58  }
.Ltmp5:
0x144: {  	v62 =	vmul.f32 v55, v3;
	[tilespmem:s23+$0x5AB0] =	vst v60;
	(pc) =	sbr.rel @p1 .LBB2_7-.Ltmp5, $4  }
0x145: {  	v63 =	vmul.f32 v57, v3;
	[tilespmem:s23+$0x5AC0] =	vst v61  }
0x146: {  	v3 =	vmul.f32 v59, v3;
	[tilespmem:s23+$0x5AD0] =	vst v62  }
0x147: {  	[tilespmem:s23+$0x5AE0] =	vst v63  }
0x148: {  	s22 =	sadd.s32 $0x1, s22;
	[tilespmem:s23+$0x5AF0] =	vst v3  }
0x149: {  	s21 =	sadd.s32 s5, s21;
	s20 =	sadd.s32 $0x1, s20  }
0x14a: {  	[hbm4b:s21+s3] =	stream.linear.scatter [tilespmem:s17], [sflag:$0x2], $0x2000, $0x38;
	[tilespmem:$0x7580] =	vst v63  }
0x14b: {  	p1 =	sne.s32 s20, $0xA  }
.Ltmp6:
0x14c: {  	_ = 	snop;
	(pc) =	sbr.rel @p1 .LBB2_6-.Ltmp6, $4  }
.Ltmp7:
0x14d: {  	_ = 	snop;
	(pc) =	sbr.rel @!p1 .LBB2_9-.Ltmp7, $4  }
0x14e: {  	_ =	swait.ge [sflag:s12], $0x2000  }
0x14f: {  	[sflag:s12] =	ssyncset.done $0x0  }
0x150: {  	[sflag:s12] =	ssyncadd.s32 $0xFFFFE000  }
0x151: {  	_ = 	snop  }
.LBB2_10:
0x152: {  	_ =	sfence.sel $0x180000  }
0x153: {  	[bflag:$0x0] =	sbarrier.arrive $0xFFFF  }
0x154: {  	p0 =	sne.s32 s2, $0x0;
	_ =	strace $0x90000047  }
0x155: {  	s0 =	sadd.s32 @!p0 $0x100000, s0;
	[bflag:$0x2] =	sbarrier.arrive $0xFFFF  }
0x156: {  	[sflag:s0] =	ssyncadd.tile.s32 @!p0 $0x1;
	_ =	shalt  }
.Lfunc_end2:
_tile_overlayer_lowered:
.L_overlay_start_2:
0x157: {  	(tag) =	ssettag $0x2  }
0x158: {  	s0 =	rddreg [dreg:$0x0];
	s2 =	stileid.u32  }
0x159: {  	s1 =	rddreg [dreg:$0x1];
	p0 =	sne.s32 s2, $0x0  }
0x15a: {  	s3 =	rddreg [dreg:$0x2];
	[bflag:$0x3] =	sbarrier.arrive $0xFFFF;
	s2 =	simm.s32 @!p0 $0x1C02  }
0x15b: {  	[timem:s3], [sflag:s2] =	dma.local @!p0 [hbm:s0], s1  }
0x15c: {  	s0 =	simm.s32 @!p0 $0x2  }
0x15d: {  	_ =	swait.ge @!p0 [sflag:s0], s1  }
0x15e: {  	s1 =	ssub.s32 @!p0 $0x0, s1;
	[sflag:s0] =	ssyncset.done @!p0 $0x0  }
0x15f: {  	[sflag:s0] =	ssyncadd.s32 @!p0 s1  }
0x160: {  	[bflag:$0x3] =	sbarrier.arrive $0xFFFF  }
0x161: {  	_ =	shalt  }

// kernel: kernel.8.cloned.1.call-start
scs
__scs_entry_jumppad:
0x0: {  	(pc) =	sbr.rel $0x88, $3  }
0x1: {  	(tag) =	ssettag $0x0;
	lr =	simm.s32 $0x1  }
0x2: {  	[smem:$0x3F9D] =	sst lr;
	_ =	strace $0xD0000000  }
0x3: {  	_ = 	snop  }
0x4: {  	_ = 	snop  }
0x5: {  	_ = 	snop  }
0x6: {  	_ = 	snop  }
0x7: {  	_ = 	snop  }
__scs_overlays_trampoline_lowered:
0x8: {  	[smem:$0x3FAC] =	sst s0  }
0x9: {  	[smem:$0x3FAD] =	sst s1  }
0xa: {  	[smem:$0x3FAE] =	sst s2  }
0xb: {  	[smem:$0x3FAF] =	sst s3  }
0xc: {  	[smem:$0x3FB0] =	sst s4  }
0xd: {  	[smem:$0x3FB1] =	sst s5  }
0xe: {  	[smem:$0x3FB2] =	sst s6  }
0xf: {  	[smem:$0x3FB3] =	sst s7  }
0x10: {  	[smem:$0x3FB4] =	sst s8  }
0x11: {  	[smem:$0x3FB5] =	sst s9;
	s0 =	simm.s32 @!p0 $0x0  }
0x12: {  	s1 =	sld [smem:$0x3F9B];
	s0 =	simm.s32 @p0 $0x1  }
0x13: {  	[smem:$0x3FB6] =	sst s0;
	s0 =	simm.s32 @!p1 $0x0  }
0x14: {  	s2 =	sld [smem:$0x3F9A];
	s0 =	simm.s32 @p1 $0x1  }
0x15: {  	[smem:$0x3FB7] =	sst s0;
	s0 =	simm.s32 @!p2 $0x0  }
0x16: {  	s3 =	sld [smem:$0x3FDB];
	s0 =	simm.s32 @p2 $0x1  }
0x17: {  	s4 =	simm.s32 $0x1BF5;
	[smem:$0x3FB9] =	sst s0  }
0x18: {  	s0 =	sld [smem:$0x3F9C];
	_ =	swait.ge [sflag:s4], $0x0  }
0x19: {  	s7 =	sld [smem:$0x3F9D]  }
0x1a: {  	s8 =	sadd.s32 $0xFFFFE003, lr  }
0x1b: {  	s9 =	sadd.s32 $0xFFFFFEF7, lr;
	s5 =	simm.s32 $0xFFFFFFFF;
	p2 =	slt.u32 s8, $0xFFFFF086  }
0x1c: {  	p1 =	slt.u32 s9, $0xF7A;
	s5 =	simm.s32 @!p2 $0x0  }
0x1d: {  	s5 =	simm.s32 @p1 $0x1;
	p0 =	seq.s32 s7, s2  }
0x1e: {  	s7 =	smul.u32 @!p0 $0xF7A, s2;
	p2 =	seq.s32 @!p0 s5, $0x0  }
0x1f: {  	s9 =	smul.u32 $0xF7A, s1;
	s8 =	simm.s32 @!p0 $0x1BF5;
	p2 =	por !p2, p0  }
0x20: {  	[sflag:s8] =	ssyncset.s32 @!p0 $0xFFFFF086;
	s6 =	sadd.s32 @!p0 s3, s7;
	s7 =	simm.s32 @!p0 $0x108  }
0x21: {  	s3 =	sadd.s32 s3, s9;
	s6 =	sadd.s32 @!p0 $0x88, s6;
	s7 =	simm.s32 @p2 $0x1082  }
0x22: {  	[simem:s7], [sflag:s8] =	dma.local @!p0 [hbm:s6], $0xF7A  }
0x23: {  	s9 =	sor.u32 $0xD0000000, s2;
	s6 =	simm.s32 $0x108;
	_ =	swait.ge @!p0 [sflag:s8], $0x0  }
0x24: {  	s3 =	sadd.s32 $0x88, s3;
	s6 =	simm.s32 @!p1 $0x1082;
	[sflag:s4] =	ssyncset.s32 $0xFFFFF086  }
0x25: {  	[simem:s6], [sflag:s4] =	dma.local [hbm:s3], $0xF7A  }
0x26: {  	[smem:$0x3F9D] =	sst s1;
	(tag) =	ssettag s2;
	_ =	strace s9  }
0x27: {  	s1 =	sld [smem:$0x3FAD]  }
0x28: {  	s2 =	sld [smem:$0x3FAE]  }
0x29: {  	s4 =	sld [smem:$0x3FB0]  }
0x2a: {  	p0 =	seq.s32 s5, $0x0;
	s5 =	sld [smem:$0x3FB1]  }
0x2b: {  	s6 =	sld [smem:$0x3FB2]  }
0x2c: {  	s7 =	sld [smem:$0x3FB3]  }
0x2d: {  	s3 =	simm.s32 $0x108;
	s8 =	sld [smem:$0x3FB4]  }
0x2e: {  	s3 =	simm.s32 @!p0 $0x1082;
	s9 =	sld [smem:$0x3FB5]  }
0x2f: {  	lr =	sadd.s32 s0, s3;
	s0 =	sld [smem:$0x3FAC]  }
0x30: {  	s3 =	sld [smem:$0x3FAF]  }
0x31: {  	[smem:$0x3FB8] =	sst s10  }
0x32: {  	s10 =	sld [smem:$0x3FB6];
	_ =	sdelay $0x3  }
0x33: {  	p0 =	seq.s32 s10, $0x1;
	s10 =	sld [smem:$0x3FB8];
	_ =	sdelay $0x3  }
0x34: {  	[smem:$0x3FB8] =	sst s10  }
0x35: {  	s10 =	sld [smem:$0x3FB7];
	_ =	sdelay $0x3  }
0x36: {  	p1 =	seq.s32 s10, $0x1;
	s10 =	sld [smem:$0x3FB8];
	_ =	sdelay $0x3  }
0x37: {  	[smem:$0x3FB8] =	sst s10  }
0x38: {  	s10 =	sld [smem:$0x3FB9]  }
0x39: {  	_ = 	snop;
	(pc) =	sbr.ind lr, $3  }
0x3a: {  	_ = 	snop  }
0x3b: {  	_ = 	snop  }
0x3c: {  	p2 =	seq.s32 s10, $0x1;
	s10 =	sld [smem:$0x3FB8]  }
0x3d: {  	_ =	shalt  }
0x3e: {  	_ =	shalt  }
0x3f: {  	_ =	shalt  }
0x40: {  	_ =	shalt  }
0x41: {  	_ =	shalt  }
0x42: {  	_ =	shalt  }
0x43: {  	_ =	shalt  }
0x44: {  	_ =	shalt  }
0x45: {  	_ =	shalt  }
0x46: {  	_ =	shalt  }
0x47: {  	_ =	shalt  }
0x48: {  	_ =	shalt  }
0x49: {  	_ =	shalt  }
0x4a: {  	_ =	shalt  }
0x4b: {  	_ =	shalt  }
0x4c: {  	_ =	shalt  }
0x4d: {  	_ =	shalt  }
0x4e: {  	_ =	shalt  }
0x4f: {  	_ =	shalt  }
0x50: {  	_ =	shalt  }
0x51: {  	_ =	shalt  }
0x52: {  	_ =	shalt  }
0x53: {  	_ =	shalt  }
0x54: {  	_ =	shalt  }
0x55: {  	_ =	shalt  }
0x56: {  	_ =	shalt  }
0x57: {  	_ =	shalt  }
0x58: {  	_ =	shalt  }
0x59: {  	_ =	shalt  }
0x5a: {  	_ =	shalt  }
0x5b: {  	_ =	shalt  }
0x5c: {  	_ =	shalt  }
0x5d: {  	_ =	shalt  }
0x5e: {  	_ =	shalt  }
0x5f: {  	_ =	shalt  }
0x60: {  	_ =	shalt  }
0x61: {  	_ =	shalt  }
0x62: {  	_ =	shalt  }
0x63: {  	_ =	shalt  }
0x64: {  	_ =	shalt  }
0x65: {  	_ =	shalt  }
0x66: {  	_ =	shalt  }
0x67: {  	_ =	shalt  }
0x68: {  	_ =	shalt  }
0x69: {  	_ =	shalt  }
0x6a: {  	_ =	shalt  }
0x6b: {  	_ =	shalt  }
0x6c: {  	_ =	shalt  }
0x6d: {  	_ =	shalt  }
0x6e: {  	_ =	shalt  }
0x6f: {  	_ =	shalt  }
0x70: {  	_ =	shalt  }
0x71: {  	_ =	shalt  }
0x72: {  	_ =	shalt  }
0x73: {  	_ =	shalt  }
0x74: {  	_ =	shalt  }
0x75: {  	_ =	shalt  }
0x76: {  	_ =	shalt  }
0x77: {  	_ =	shalt  }
0x78: {  	_ =	shalt  }
0x79: {  	_ =	shalt  }
0x7a: {  	_ =	shalt  }
0x7b: {  	_ =	shalt  }
0x7c: {  	_ =	shalt  }
0x7d: {  	_ =	shalt  }
0x7e: {  	_ =	shalt  }
0x7f: {  	_ =	shalt  }
0x80: {  	_ =	shalt  }
0x81: {  	_ =	shalt  }
0x82: {  	_ =	shalt  }
0x83: {  	_ =	shalt  }
0x84: {  	_ =	shalt  }
0x85: {  	_ =	shalt  }
0x86: {  	_ =	shalt  }
0x87: {  	_ =	shalt  }
.Lfunc_end0:
.L_simem_size_0:
called_computation.1_lowered:
.L_overlay_start_0:
0x88: {  	s2 =	sld [smem:$0x3FD9]  }
0x89: {  	s3 =	sld [smem:$0x3FFE];
	_ =	sdelay $0x1  }
0x8a: {  	s1 =	srdreg.scid  }
0x8b: {  	s0 =	sand.u32 $0x1, s1  }
0x8c: {  	s17 =	sshll.u32 s0, $0xA;
	s2 =	sadd.s32 s3, s2  }
0x8d: {  	s2 =	sadd.s32 s2, s17  }
0x8e: {  	[smem:$0x3FC4] =	sst s2  }
0x8f: {  	_ = 	snop  }
0x90: {  	s2 =	sld [smem:$0x3FD0];
	(tm) =	ssettm $0x1  }
0x91: {  	s18 =	sld [smem:$0x3FFB];
	_ =	sdelay $0x3  }
0x92: {  	_ =	strace s18  }
0x93: {  	s3 =	sld [smem:$0x3FFC];
	_ =	sdelay $0x3  }
0x94: {  	_ =	strace s3  }
0x95: {  	s3 =	sld [smem:$0x3FFD];
	_ =	sdelay $0x3  }
0x96: {  	_ =	strace s3  }
0x97: {  	_ =	strace $0x8FFFFFFF  }
0x98: {  	s19 =	sld [smem:$0x3FDB];
	_ =	sdelay $0x1  }
0x99: {  	s4 =	simm.s32 $_scs_section_size  }
0x9a: {  	s5 =	simm.s32 $_size__tile_overlayer_lowered;
	s6 =	simm.s32 $_tile_overlayer_lowered  }
0x9b: {  	s22 =	simm.s32 $0x1BFF;
	s21 =	sshll.u32 s6, $0x1;
	s3 =	sadd.s32 s4, s19  }
0x9c: {  	s7 =	simm.s32 $0x0;
	s20 =	sshll.u32 s5, $0x1;
	s5 =	sadd.s32 s21, s3  }
0x9d: {  	[timem:s7], [sflag:s22] =	dma.local [hbm:s5], s20  }
0x9e: {  	_ =	swait.ge [sflag:s22], s20  }
0x9f: {  	s4 =	ssub.s32 $0x0, s20;
	[sflag:s22] =	ssyncset.done $0x0  }
0xa0: {  	[sflag:s22] =	ssyncadd.s32 s4;
	_ =	sdelay $0x1  }
0xa1: {  	s23 =	simm.s32 $0x1B8B  }
0xa2: {  	_ =	swait.ge [sflag:s23], $0x1  }
0xa3: {  	[sflag:s23] =	ssyncset.done $0x0  }
0xa4: {  	s25 =	simm.s32 $0x1B8E;
	s24 =	sld [smem:$0x3FFE];
	[sflag:s23] =	ssyncadd.s32 $0xFFFFFFFF  }
0xa5: {  	s26 =	simm.s32 $execute0_lowered;
	[smem:$0x3FD2] =	sst s25  }
0xa6: {  	s5 =	sshll.u32 s26, $0x1;
	_ =	strace $0x80000049;
	[dreg:$0x1] =	wrdreg $0xFFFFFFFF  }
0xa7: {  	s28 =	simm.s32 $_size_execute0_lowered;
	s3 =	sadd.s32 s3, s5;
	[dreg:$0x0] =	wrdreg $0x0  }
0xa8: {  	s5 =	sshll.u32 s28, $0x1;
	[dreg:$0x2] =	wrdreg s3  }
0xa9: {  	[dreg:$0x3] =	wrdreg s5  }
0xaa: {  	[dreg:$0x4] =	wrdreg $0xC0  }
0xab: {  	_ =	task [dreg:s7], $0x5FFFF  }
0xac: {  	[dreg:$0x1] =	wrdreg $0xFFFFFFFF  }
0xad: {  	[dreg:$0x0] =	wrdreg $0x60  }
0xae: {  	[dreg:$0x2] =	wrdreg s24  }
0xaf: {  	[dreg:$0x3] =	wrdreg s2  }
0xb0: {  	[dreg:$0x4] =	wrdreg $0xA8000  }
0xb1: {  	[dreg:$0x5] =	wrdreg $0x9  }
0xb2: {  	_ =	task.clear_ibuf [dreg:s7], $0x6FFFF;
	_ =	strace $0x90000049  }
0xb3: {  	s29 =	simm.s32 $0x9;
	_ =	strace $0x8000004B  }
0xb4: {  	_ =	swait.ge [sflag:s29], $0x1  }
0xb5: {  	[sflag:s29] =	ssyncadd.s32 $0xFFFFFFFF  }
0xb6: {  	_ =	strace $0x9000004B  }
0xb7: {  	_ =	sfence  }
0xb8: {  	s30 =	sld [smem:$0x0];
	_ =	sdelay $0x2  }
0xb9: {  	s31 =	sshll.u32 s1, $0xD;
	s1 =	sshrl.u32 s1, $0x2  }
0xba: {  	s3 =	sand.u32 $0x4000, s31;
	s1 =	sadd.s32 s1, s30  }
0xbb: {  	s0 =	sor.u32 s3, s0;
	s1 =	sshll.u32 s1, $0x11  }
0xbc: {  	s0 =	sor.u32 s1, s0  }
0xbd: {  	s0 =	sadd.s32 $0x8F2B, s0  }
0xbe: {  	[sflag:s0] =	ssyncadd.remote.s32 $0x1  }
0xbf: {  	_ =	sfence.sel $0xFFFF  }
0xc0: {  	[dreg:$0x0] =	wrdreg $0xFFFFFFFF;
	(pc) =	sbr.abs _section_cstart, $3  }
0xc1: {  	[dreg:$0x1] =	wrdreg $0xFFFFFFFF  }
0xc2: {  	_ =	task.clear_ibuf [dreg:s7], $0x2FFFF;
	_ =	strace $0x9FFFFFFF  }
0xc3: {  	(tm) =	ssettm $0x7FFFFFFF  }
tec
execute0_lowered:
.L_overlay_start_1:
0x0: {  	(tag) =	ssettag $0x1  }
0x1: {  	s0 =	rddreg [dreg:$0x0]  }
0x2: {  	s2 =	rddreg [dreg:$0x2];
	s1 =	srdreg.scid  }
0x3: {  	s4 =	simm.s32 $0x0;
	s12 =	stileid.u32;
	s13 =	simm.s32 $0x7  }
0x4: {  	s14 =	simm.s32 $0x1800;
	s15 =	simm.s32 $0x50;
	s16 =	simm.s32 $0x3000  }
0x5: {  	s17 =	simm.s32 $0x80;
	s18 =	simm.s32 $0x5800;
	s19 =	simm.s32 $0x1  }
0x6: {  	s20 =	simm.s32 $0x100;
	s21 =	simm.s32 $0x8000;
	s22 =	simm.s32 $0x2  }
0x7: {  	s23 =	simm.s32 $0x1880;
	s28 =	simm.s32 $0x1900;
	s29 =	simm.s32 $0x5  }
0x8: {  	s30 =	simm.s32 $0x200;
	s31 =	simm.s32 $0x6;
	s7 =	smul.u32 $0x14000, s12  }
0x9: {  	s1 =	sand.u32 $0x1, s1;
	[smem:$0x7FF] =	sst s4;
	s8 =	smul.u32 $0x50000, s12  }
0xa: {  	s5 =	sadd.s32 $0x2A200, s0;
	s6 =	sadd.s32 $0x52200, s0;
	s10 =	smul.u32 $0x4800, s12  }
0xb: {  	s25 =	sshll.u32 s12, $0x6;
	s3 =	smul.u32 $0x140000, s1;
	s24 =	ssub.s32 $0x2, s1  }
0xc: {  	_ =	strace $0x8000004A;
	s1 =	smul.u32 $0x48000, s1;
	s9 =	sshrl.u32 s24, $0x1  }
0xd: {  	s8 =	sshrl.u32 s8, $0x2;
	s3 =	sadd.s32 s7, s3;
	s7 =	sadd.s32 $0x64200, s0  }
0xe: {  	s11 =	sadd.s32 s8, s2;
	s8 =	sor.u32 $0x1C07, s25;
	s3 =	sshrl.u32 s3, $0x3  }
.Ltmp0:
0xf: {  	s25 =	simm.s32 $0x180;
	s0 =	sadd.s32 s3, s0;
	(pc) =	sbr.rel .LBB2_1-.Ltmp0, $4  }
0x10: {  	s3 =	ssub.s32 s24, s9;
	s9 =	sadd.s32 s10, s1;
	s0 =	sadd.s32 $0x76200, s0  }
0x11: {  	s24 =	simm.s32 $0x4;
	s26 =	smax.u32 s3, $0x1;
	[dreg:$0x4] =	wrdreg s0  }
0x12: {  	s3 =	smov.u32 s8;
	s8 =	sshrl.u32 s11, $0x3;
	[dreg:$0x5] =	wrdreg s26  }
0x13: {  	s26 =	simm.s32 $0x3;
	s0 =	simm.s32 $0x0;
	[dreg:$0x6] =	wrdreg s8  }
.LBB2_6:
0x14: {  	_ =	swait.ge [sflag:s31], $0x2800  }
0x15: {  	[sflag:s31] =	ssyncset.done $0x0  }
0x16: {  	[sflag:s31] =	ssyncadd.s32 $0xFFFFD800  }
0x17: {  	[bflag:$0x0] =	sbarrier.arrive $0xFFFF  }
0x18: {  	s1 =	rddreg [dreg:$0x4]  }
0x19: {  	s8 =	rddreg [dreg:$0x6]  }
0x1a: {  	[hbm:s1], [sflag:s12] =	dma.local [spmem:s8], $0x2800  }
0x1b: {  	_ =	swait.ge [sflag:s13], $0x2800  }
0x1c: {  	s3 =	smov.u32 s12;
	s0 =	sadd.s32 $0x1, s0;
	s12 =	rddreg [dreg:$0x5]  }
0x1d: {  	p0 =	sne.s32 s0, s12  }
.Ltmp1:
0x1e: {  	_ = 	snop;
	(pc) =	sbr.rel @!p0 .LBB2_7-.Ltmp1, $3  }
0x1f: {  	_ =	sdelay $0x1  }
0x20: {  	[sflag:s13] =	ssyncset.done $0x0  }
0x21: {  	[sflag:s13] =	ssyncadd.s32 $0xFFFFD800  }
.LBB2_1:
0x22: {  	s1 =	rddreg [dreg:$0x1]  }
0x23: {  	[spmem:s8], [sflag:s3] =	dma.local [hbm:s1], $0x2800  }
.Ltmp2:
0x24: {  	_ =	swait.ge [sflag:s13], $0x2800;
	(pc) =	sbr.rel .LBB2_2-.Ltmp2, $4  }
0x25: {  	[sflag:s13] =	ssyncset.done $0x0  }
0x26: {  	[sflag:s13] =	ssyncadd.s32 $0xFFFFD800  }
0x27: {  	[bflag:$0x0] =	sbarrier.arrive $0xFFFF  }
0x28: {  	s12 =	smov.u32 s3;
	s3 =	simm.s32 $0x0  }
.LBB2_5:
0x29: {  	_ =	swait.ge [sflag:s26], $0x2800;
	s3 =	sadd.s32 $0x1, s3  }
0x2a: {  	[sflag:s26] =	ssyncset.done $0x0;
	p0 =	sne.s32 s3, $0x3  }
.Ltmp3:
0x2b: {  	[sflag:s26] =	ssyncadd.s32 $0xFFFFD800;
	(pc) =	sbr.rel @!p0 .LBB2_6-.Ltmp3, $4  }
0x2c: {  	[spmem:s2] =	stream.indirect.scatter.add.f32 [tilespmem:s21], [sflag:$0x6], $0x80, s11, s15, $0xb8;
	[tilespmem:$0x1E800] =	vst v63  }
0x2d: {  	_ =	swait.ge [sflag:s29], $0x2800  }
0x2e: {  	[sflag:s29] =	ssyncset.done $0x0  }
0x2f: {  	[sflag:s29] =	ssyncadd.s32 $0xFFFFD800  }
.LBB2_2:
0x30: {  	s1 =	smul.u32 $0x1800, s3;
	_ =	sdelay $0x1  }
0x31: {  	s1 =	sadd.s32 s1, s9  }
0x32: {  	s1 =	sshrl.u32 s1, $0x3  }
0x33: {  	s10 =	sadd.s32 s6, s1  }
0x34: {  	[tilespmem:s4], [sflag:$0x7] =	stream.linear.gather [hbm4b:s10+s4], $0x1500, $0x38;
	[tilespmem:$0x1E800] =	vst v63  }
0x35: {  	_ =	swait.ge [sflag:s13], $0x1500  }
0x36: {  	[sflag:s13] =	ssyncset.done $0x0  }
0x37: {  	s1 =	sadd.s32 s7, s1;
	[sflag:s13] =	ssyncadd.s32 $0xFFFFEB00  }
0x38: {  	[tilespmem:s14], [sflag:$0x7] =	stream.linear.gather [hbm4b:s1+s4], $0x1500, $0x38;
	[tilespmem:$0x1E800] =	vst v63  }
0x39: {  	_ =	swait.ge [sflag:s13], $0x1500  }
0x3a: {  	p0 =	seq.s32 s3, $0x0;
	[sflag:s13] =	ssyncset.done $0x0  }
0x3b: {  	s1 =	simm.s32 @!p0 $0x6;
	[sflag:s13] =	ssyncadd.s32 $0xFFFFEB00  }
0x3c: {  	_ =	swait.ge @!p0 [sflag:s1], $0x2800  }
0x3d: {  	[sflag:s1] =	ssyncset.done @!p0 $0x0  }
0x3e: {  	[sflag:s1] =	ssyncadd.s32 @!p0 $0xFFFFD800;
	s1 =	simm.s32 $0x0  }
0x3f: {  	[tilespmem:s16], [sflag:$0x1] =	stream.indirect.gather [hbm4b:s5+s15], $0x80, s1, s15, $0xb8;
	[tilespmem:$0x1E800] =	vst v63  }
0x40: {  	_ = 	snop  }
0x41: {  	[tilespmem:s18], [sflag:$0x2] =	stream.indirect.gather [hbm4b:s5+s15], $0x80, s17, s15, $0xb8;
	[tilespmem:$0x1E800] =	vst v63  }
0x42: {  	_ =	swait.ge [sflag:s19], $0x2800  }
0x43: {  	[sflag:s19] =	ssyncset.done $0x0  }
0x44: {  	[sflag:s19] =	ssyncadd.s32 $0xFFFFD800  }
0x45: {  	[spmem:s2] =	stream.indirect.scatter.add.f32 [tilespmem:s16], [sflag:$0x4], $0x80, s14, s15, $0xb8;
	[tilespmem:$0x1E800] =	vst v63  }
0x46: {  	_ = 	snop  }
0x47: {  	[tilespmem:s21], [sflag:$0x3] =	stream.indirect.gather [hbm4b:s5+s15], $0x80, s20, s15, $0xb8;
	[tilespmem:$0x1E800] =	vst v63  }
0x48: {  	_ =	swait.ge [sflag:s22], $0x2800  }
0x49: {  	[sflag:s22] =	ssyncset.done $0x0  }
0x4a: {  	[sflag:s22] =	ssyncadd.s32 $0xFFFFD800  }
0x4b: {  	[spmem:s2] =	stream.indirect.scatter.add.f32 [tilespmem:s18], [sflag:$0x5], $0x80, s23, s15, $0xb8;
	[tilespmem:$0x1E800] =	vst v63  }
0x4c: {  	_ =	swait.ge [sflag:s24], $0x2800  }
0x4d: {  	[sflag:s24] =	ssyncset.done $0x0  }
0x4e: {  	[sflag:s24] =	ssyncadd.s32 $0xFFFFD800  }
0x4f: {  	[tilespmem:s16], [sflag:$0x1] =	stream.indirect.gather [hbm4b:s5+s15], $0x80, s25, s15, $0xb8;
	[tilespmem:$0x1E800] =	vst v63  }
0x50: {  	_ =	swait.ge [sflag:s26], $0x2800  }
0x51: {  	[sflag:s26] =	ssyncset.done $0x0  }
0x52: {  	[sflag:s26] =	ssyncadd.s32 $0xFFFFD800  }
0x53: {  	[spmem:s2] =	stream.indirect.scatter.add.f32 [tilespmem:s21], [sflag:$0x6], $0x80, s28, s15, $0xb8;
	[tilespmem:$0x1E800] =	vst v63  }
0x54: {  	_ =	swait.ge [sflag:s29], $0x2800  }
0x55: {  	[sflag:s29] =	ssyncset.done $0x0  }
0x56: {  	[sflag:s29] =	ssyncadd.s32 $0xFFFFD800  }
0x57: {  	[tilespmem:s18], [sflag:$0x2] =	stream.indirect.gather [hbm4b:s5+s15], $0x80, s30, s15, $0xb8;
	[tilespmem:$0x1E800] =	vst v63  }
.LBB2_3:
0x58: {  	_ =	swait.ge [sflag:s19], $0x2800  }
0x59: {  	s10 =	sshra.s32 s1, $0x2;
	[sflag:s19] =	ssyncset.done $0x0  }
0x5a: {  	s11 =	sadd.s32 $0x1980, s10;
	[sflag:s19] =	ssyncadd.s32 $0xFFFFD800  }
0x5b: {  	[spmem:s2] =	stream.indirect.scatter.add.f32 [tilespmem:s16], [sflag:$0x4], $0x80, s11, s15, $0xb8;
	[tilespmem:$0x1E800] =	vst v63  }
0x5c: {  	_ =	swait.ge [sflag:s31], $0x2800  }
0x5d: {  	[sflag:s31] =	ssyncset.done $0x0  }
0x5e: {  	s8 =	sadd.s32 $0x280, s10;
	[sflag:s31] =	ssyncadd.s32 $0xFFFFD800  }
0x5f: {  	[tilespmem:s21], [sflag:$0x3] =	stream.indirect.gather [hbm4b:s5+s15], $0x80, s8, s15, $0xb8;
	[tilespmem:$0x1E800] =	vst v63  }
0x60: {  	_ =	swait.ge [sflag:s22], $0x2800  }
0x61: {  	p0 =	seq.s32 s1, $0x4800;
	[sflag:s22] =	ssyncset.done $0x0  }
.Ltmp4:
0x62: {  	s8 =	sadd.s32 $0x1A00, s10;
	[sflag:s22] =	ssyncadd.s32 $0xFFFFD800;
	(pc) =	sbr.rel @p0 .LBB2_5-.Ltmp4, $4  }
0x63: {  	[spmem:s2] =	stream.indirect.scatter.add.f32 [tilespmem:s18], [sflag:$0x5], $0x80, s8, s15, $0xb8;
	[tilespmem:$0x1E800] =	vst v63  }
0x64: {  	_ =	swait.ge [sflag:s24], $0x2800  }
0x65: {  	[sflag:s24] =	ssyncset.done $0x0  }
0x66: {  	s11 =	sadd.s32 $0x1A80, s10;
	[sflag:s24] =	ssyncadd.s32 $0xFFFFD800  }
0x67: {  	s8 =	sadd.s32 $0x300, s10  }
0x68: {  	[tilespmem:s16], [sflag:$0x1] =	stream.indirect.gather [hbm4b:s5+s15], $0x80, s8, s15, $0xb8;
	[tilespmem:$0x1E800] =	vst v63  }
0x69: {  	_ =	swait.ge [sflag:s26], $0x2800  }
0x6a: {  	[sflag:s26] =	ssyncset.done $0x0  }
0x6b: {  	[sflag:s26] =	ssyncadd.s32 $0xFFFFD800  }
0x6c: {  	[spmem:s2] =	stream.indirect.scatter.add.f32 [tilespmem:s21], [sflag:$0x6], $0x80, s11, s15, $0xb8;
	[tilespmem:$0x1E800] =	vst v63  }
.Ltmp5:
0x6d: {  	_ = 	snop;
	(pc) =	sbr.rel .LBB2_3-.Ltmp5, $4  }
0x6e: {  	_ =	swait.ge [sflag:s29], $0x2800  }
0x6f: {  	[sflag:s29] =	ssyncset.done $0x0  }
0x70: {  	s1 =	sadd.s32 $0x600, s1;
	s11 =	sadd.s32 $0x380, s10;
	[sflag:s29] =	ssyncadd.s32 $0xFFFFD800  }
0x71: {  	[tilespmem:s18], [sflag:$0x2] =	stream.indirect.gather [hbm4b:s5+s15], $0x80, s11, s15, $0xb8;
	[tilespmem:$0x1E800] =	vst v63  }
.LBB2_7:
0x72: {  	_ =	sfence.sel $0x180000  }
0x73: {  	[bflag:$0x0] =	sbarrier.arrive $0xFFFF  }
0x74: {  	_ =	strace $0x9000004A  }
0x75: {  	s0 =	stileid.u32;
	[bflag:$0x2] =	sbarrier.arrive $0xFFFF  }
0x76: {  	p0 =	sne.s32 s0, $0x0;
	s0 =	rddreg [dreg:$0x3]  }
0x77: {  	s0 =	sadd.s32 @!p0 $0x100000, s0  }
0x78: {  	[sflag:s0] =	ssyncadd.tile.s32 @!p0 $0x1;
	_ =	shalt  }
.Lfunc_end2:
_tile_overlayer_lowered:
.L_overlay_start_2:
0x79: {  	(tag) =	ssettag $0x2  }
0x7a: {  	s0 =	rddreg [dreg:$0x0];
	s2 =	stileid.u32  }
0x7b: {  	s1 =	rddreg [dreg:$0x1];
	p0 =	sne.s32 s2, $0x0  }
0x7c: {  	s3 =	rddreg [dreg:$0x2];
	[bflag:$0x3] =	sbarrier.arrive $0xFFFF;
	s2 =	simm.s32 @!p0 $0x1C07  }
0x7d: {  	[timem:s3], [sflag:s2] =	dma.local @!p0 [hbm:s0], s1  }
0x7e: {  	s0 =	simm.s32 @!p0 $0x7  }
0x7f: {  	_ =	swait.ge @!p0 [sflag:s0], s1  }
0x80: {  	s1 =	ssub.s32 @!p0 $0x0, s1;
	[sflag:s0] =	ssyncset.done @!p0 $0x0  }
0x81: {  	[sflag:s0] =	ssyncadd.s32 @!p0 s1  }
0x82: {  	[bflag:$0x3] =	sbarrier.arrive $0xFFFF  }
0x83: {  	_ =	shalt  }

</sc_bundles>
